<compile_context>
chip_gen: v7x
topology: tpu7x:2x2x1
jax: 0.10.2.dev20260603
libtpu: 0.0.44.dev20260713+nightly
codegen_flags: <defaults>
</compile_context>

<pallas_src>
import functools

import jax
import jax.numpy as jnp
from jax import lax
from jax.experimental import pallas as pl
from jax.experimental.pallas import tpu as pltpu
from jax.experimental.pallas import tpu_sc as plsc

N_NODES = 10000
N_PAD = 10240
D = 128
N_EDGES = 320000
E_PAD = 327680
NW = 32
E_W = E_PAD // NW
CHUNK = 128
NCH = E_W // CHUNK

_mesh = plsc.VectorSubcoreMesh(core_axis_name="c", subcore_axis_name="s")


@functools.partial(
    pl.kernel,
    out_type=jax.ShapeDtypeStruct((2, N_PAD, D), jnp.float32),
    mesh=_mesh,
    scratch_types=[
        pltpu.VMEM((NCH, CHUNK), jnp.int32),
        pltpu.VMEM((2, CHUNK), jnp.int32),
        pltpu.VMEM((2, CHUNK), jnp.int32),
        pltpu.VMEM((CHUNK, D), jnp.float32),
        pltpu.VMEM_SHARED((N_PAD, D), jnp.float32),
        pltpu.SemaphoreType.DMA,
    ],
)
def _agg(y_hbm, packed_hbm, out_hbm, packv, ridv, cidv, g0, agg_sh, s0):
    cid = lax.axis_index("c")
    sid = lax.axis_index("s")
    wid = sid * 2 + cid
    pltpu.sync_copy(packed_hbm.at[pl.ds(wid * NCH, NCH)], packv)

    def _dec(j, slot):
        for k in range(8):
            p16 = packv[j, pl.ds(k * 16, 16)]
            ridv[slot, pl.ds(k * 16, 16)] = lax.shift_right_logical(p16, 14)
            cidv[slot, pl.ds(k * 16, 16)] = lax.bitwise_and(p16, 16383)

    zeros16 = jnp.zeros((16,), jnp.float32)

    def _zero(i, _):
        for k in range(8):
            g0[i, pl.ds(k * 16, 16)] = zeros16
        return 0

    lax.fori_loop(0, CHUNK, _zero, 0)
    for t in range(N_PAD // 16 // CHUNK):
        pltpu.sync_copy(g0, agg_sh.at[pl.ds(sid * (N_PAD // 16) + t * CHUNK,
                                            CHUNK)])
    plsc.subcore_barrier()

    def _step(j, _):
        _dec(j, 0)
        pltpu.async_copy(y_hbm.at[ridv.at[0]], g0, s0).wait()
        pltpu.sync_copy(g0, agg_sh.at[cidv.at[0]], add=True)
        return 0

    lax.fori_loop(0, NCH, _step, 0)
    plsc.subcore_barrier()

    pltpu.sync_copy(agg_sh.at[pl.ds(sid * (N_PAD // 16), N_PAD // 16)],
                    out_hbm.at[cid].at[pl.ds(sid * (N_PAD // 16),
                                             N_PAD // 16)])


_BLK = 1280


def _dinv_body(h_ref, o_ref):
    deg = h_ref[0:80, :] + h_ref[80:160, :] + 1.0
    rid = lax.broadcasted_iota(jnp.int32, (80, 128), 0)
    qid = lax.broadcasted_iota(jnp.int32, (80, 128), 1)
    node = rid * 128 + qid
    o_ref[...] = jnp.where(node < N_NODES, lax.rsqrt(deg), 0.0)


def _lin_body(x_ref, w_ref, d_ref, o_ref):
    o_ref[...] = jnp.dot(x_ref[...], w_ref[...],
                         preferred_element_type=jnp.float32) * d_ref[...]


def _mid_body(a_ref, y_ref, d_ref, w_ref, b_ref, o_ref):
    h = d_ref[...] * (a_ref[0] + a_ref[1] + y_ref[...]) + b_ref[...]
    h = jnp.maximum(h, 0.0)
    o_ref[...] = jnp.dot(h, w_ref[...],
                         preferred_element_type=jnp.float32) * d_ref[...]


def _fin_body(a_ref, y_ref, d_ref, b_ref, o_ref):
    z = d_ref[...] * (a_ref[0] + a_ref[1] + y_ref[...]) + b_ref[...]
    m = jnp.max(z, axis=-1, keepdims=True)
    e = jnp.exp(z - m)
    s = jnp.sum(e, axis=-1, keepdims=True)
    o_ref[...] = (z - m) - jnp.log(s)


def _row_spec(blk):
    return pl.BlockSpec((blk, D), lambda i: (i, 0))


def _agg_spec(blk):
    return pl.BlockSpec((2, blk, D), lambda i: (0, i, 0))


_full_spec = pl.BlockSpec((D, D), lambda i: (0, 0))
_bias_spec = pl.BlockSpec((1, D), lambda i: (0, 0))


def kernel(x, edge_index, W1, b1, W2, b2, W3, b3):
    row = edge_index[0].astype(jnp.int32)
    col = edge_index[1].astype(jnp.int32)
    padi = N_NODES + (jnp.arange(E_PAD - N_EDGES, dtype=jnp.int32)
                      % (N_PAD - N_NODES))
    rowp = jnp.concatenate([row, padi])
    colp = jnp.concatenate([col, padi])
    packed = jnp.bitwise_or(jnp.left_shift(rowp, 14),
                            colp).reshape(E_PAD // CHUNK, CHUNK)
    xp = jnp.pad(x, ((0, N_PAD - N_NODES), (0, 0)))

    ones_t = jnp.concatenate([jnp.ones((N_NODES, D), jnp.float32),
                              jnp.zeros((N_PAD - N_NODES, D), jnp.float32)])
    hist = _agg(ones_t, packed)[:, :, 0]

    dinv = pl.pallas_call(
        _dinv_body,
        grid=(1,),
        in_specs=[pl.BlockSpec((160, 128), lambda i: (0, 0))],
        out_specs=pl.BlockSpec((80, 128), lambda i: (0, 0)),
        out_shape=jax.ShapeDtypeStruct((80, 128), jnp.float32),
    )(hist.reshape(160, 128))
    dinv_b = jnp.broadcast_to(dinv.reshape(N_PAD, 1), (N_PAD, D))

    grid = (N_PAD // _BLK,)
    y1 = pl.pallas_call(
        _lin_body,
        grid=grid,
        in_specs=[_row_spec(_BLK), _full_spec, _row_spec(_BLK)],
        out_specs=_row_spec(_BLK),
        out_shape=jax.ShapeDtypeStruct((N_PAD, D), jnp.float32),
    )(xp, W1, dinv_b)

    agg1 = _agg(y1, packed)

    def mid_layer(agg, y, W, b):
        return pl.pallas_call(
            _mid_body,
            grid=grid,
            in_specs=[_agg_spec(_BLK), _row_spec(_BLK), _row_spec(_BLK),
                      _full_spec, _bias_spec],
            out_specs=_row_spec(_BLK),
            out_shape=jax.ShapeDtypeStruct((N_PAD, D), jnp.float32),
        )(agg, y, dinv_b, W, b.reshape(1, D))

    y2 = mid_layer(agg1, y1, W2, b1)
    agg2 = _agg(y2, packed)
    y3 = mid_layer(agg2, y2, W3, b2)
    agg3 = _agg(y3, packed)

    out = pl.pallas_call(
        _fin_body,
        grid=grid,
        in_specs=[_agg_spec(_BLK), _row_spec(_BLK), _row_spec(_BLK),
                  _bias_spec],
        out_specs=_row_spec(_BLK),
        out_shape=jax.ShapeDtypeStruct((N_PAD, D), jnp.float32),
    )(agg3, y3, dinv_b, b3.reshape(1, D))
    return out[:N_NODES]

# --- scband reference (transcript-rebuilt; emitter-appended) ---
"""Pipeline reference for scband-gcn-17575006175346 (READ-ONLY COPY).

The authoritative reference and input builder live on the scoring server;
editing this copy changes nothing except your own understanding.
"""

import jax, jax.numpy as jnp
import numpy as np

N_NODES = 10000
N_EDGES = 320000
D_IN = 128
D_HID = 128
D_OUT = 128


def setup_inputs(seed: int = 0) -> dict:
    key = jax.random.key(seed)
    ks = jax.random.split(key, 8)
    x = jax.random.normal(ks[0], (N_NODES, D_IN), dtype=jnp.float32)
    edge_index = jax.random.randint(ks[1], (2, N_EDGES), 0, N_NODES, dtype=jnp.int64 if jax.config.jax_enable_x64 else jnp.int32)
    # Glorot-style init for GCNConv weights, zeros for bias (PyG default)
    def glorot(k, shape):
        limit = jnp.sqrt(6.0 / (shape[0] + shape[1]))
        return jax.random.uniform(k, shape, dtype=jnp.float32, minval=-limit, maxval=limit)
    W1 = glorot(ks[2], (D_IN, D_HID))
    b1 = jnp.zeros((D_HID,), dtype=jnp.float32)
    W2 = glorot(ks[3], (D_HID, D_HID))
    b2 = jnp.zeros((D_HID,), dtype=jnp.float32)
    W3 = glorot(ks[4], (D_HID, D_OUT))
    b3 = jnp.zeros((D_OUT,), dtype=jnp.float32)
    return {"x": x, "edge_index": edge_index, "W1": W1, "b1": b1, "W2": W2, "b2": b2, "W3": W3, "b3": b3}


def _gcn_conv(x, row, col, num_nodes, W, b):
    # GCNConv with added self-loops and symmetric normalization D^-1/2 A D^-1/2
    loop = jnp.arange(num_nodes, dtype=row.dtype)
    row_sl = jnp.concatenate([row, loop])
    col_sl = jnp.concatenate([col, loop])
    deg = jnp.zeros((num_nodes,), dtype=x.dtype).at[col_sl].add(1.0)
    deg_inv_sqrt = jnp.where(deg > 0, jax.lax.rsqrt(jnp.maximum(deg, 1e-12)), 0.0)
    norm = deg_inv_sqrt[row_sl] * deg_inv_sqrt[col_sl]
    xw = x @ W
    msg = jnp.take(xw, row_sl, axis=0) * norm[:, None]
    out = jnp.zeros((num_nodes, W.shape[1]), dtype=x.dtype).at[col_sl].add(msg)
    return out + b


def reference(x, edge_index, W1, b1, W2, b2, W3, b3):
    # eval mode: dropout is identity
    row = edge_index[0]
    col = edge_index[1]
    n = x.shape[0]
    h = _gcn_conv(x, row, col, n, W1, b1)
    h = jax.nn.relu(h)
    h = _gcn_conv(h, row, col, n, W2, b2)
    h = jax.nn.relu(h)
    h = _gcn_conv(h, row, col, n, W3, b3)
    return jax.nn.log_softmax(h, axis=-1)

if __name__ == "__main__":
    import jax
    _d = setup_inputs()
    print(jax.jit(kernel)(*tuple(_d.values())))

</pallas_src>

<mosaic_0001>
#map = affine_map<(d0, d1) -> (0, 0)>
#map1 = affine_map<(d0, d1) -> (0, 0, 0)>
module attributes {stable_mosaic.version = 14 : i64} {
  func.func @_agg(%arg0: i32, %arg1: i32, %arg2: memref<10240x128xf32, #tpu.memory_space<hbm>>, %arg3: memref<2560x128xi32, #tpu.memory_space<hbm>>, %arg4: memref<2x10240x128xf32, #tpu.memory_space<hbm>>, %arg5: memref<80x128xi32, #tpu.memory_space<vmem>>, %arg6: memref<2x128xi32, #tpu.memory_space<vmem>>, %arg7: memref<2x128xi32, #tpu.memory_space<vmem>>, %arg8: memref<128x128xf32, #tpu.memory_space<vmem>>, %arg9: memref<10240x128xf32, #tpu.memory_space<vmem_shared>>, %arg10: memref<!tpu.dma_semaphore, #tpu.memory_space<semaphore_mem>>) attributes {dimension_semantics = [#tpu.dimension_semantics<core_parallel>, #tpu.dimension_semantics<subcore_parallel>], iteration_bounds = array<i64: 2, 16>, scalar_prefetch = 0 : i64, scratch_operands = 6 : i64, tpu.core_type = #tpu.core_type<sc_vector_subcore>, window_params = [{transform_indices = #map}, {transform_indices = #map}, {transform_indices = #map1}]} {
    %mul3A = arith.constant 2 : i32
    %mul3A_0 = arith.muli %arg1, %mul3A : i32
    %add3A = arith.addi %mul3A_0, %arg0 : i32
    %mul3A_1 = arith.constant 80 : i32
    %mul3A_2 = arith.muli %add3A, %mul3A_1 : i32
    "tpu.region"() ({
      %run_scoped3A = tpu.sem_alloc : memref<!tpu.dma_semaphore, #tpu.memory_space<semaphore_mem>>
      %dma_start3A = arith.constant 0 : i32
      %dma_start3A_42 = tpu.memref_slice %arg3[%mul3A_2, %dma_start3A] : memref<2560x128xi32, #tpu.memory_space<hbm>> -> memref<80x128xi32, #tpu.memory_space<hbm>>
      %dma_start3A_43 = arith.constant 0 : i32
      %dma_start3A_44 = tpu.memref_slice %arg3[%mul3A_2, %dma_start3A_43] : memref<2560x128xi32, #tpu.memory_space<hbm>> -> memref<80x128xi32, #tpu.memory_space<hbm>>
      tpu.enqueue_dma source(%dma_start3A_44 : memref<80x128xi32, #tpu.memory_space<hbm>>) target(%arg5 : memref<80x128xi32, #tpu.memory_space<vmem>>) target_semaphore(%run_scoped3A : memref<!tpu.dma_semaphore, #tpu.memory_space<semaphore_mem>>)
      %dma_wait3A = arith.constant 0 : i32
      %dma_wait3A_45 = tpu.memref_slice %arg3[%mul3A_2, %dma_wait3A] : memref<2560x128xi32, #tpu.memory_space<hbm>> -> memref<80x128xi32, #tpu.memory_space<hbm>>
      %dma_wait3A_46 = arith.constant 0 : i32
      %dma_wait3A_47 = tpu.memref_slice %arg3[%mul3A_2, %dma_wait3A_46] : memref<2560x128xi32, #tpu.memory_space<hbm>> -> memref<80x128xi32, #tpu.memory_space<hbm>>
      tpu.wait_dma2 semaphore(%run_scoped3A : memref<!tpu.dma_semaphore, #tpu.memory_space<semaphore_mem>>) src(%dma_wait3A_47 : memref<80x128xi32, #tpu.memory_space<hbm>>) dst(%arg5 : memref<80x128xi32, #tpu.memory_space<vmem>>)
      tpu.yield
    }) : () -> ()
    %broadcast_in_dim3A = arith.constant 0.000000e+00 : f32
    %broadcast_in_dim3A_3 = vector.broadcast %broadcast_in_dim3A : f32 to vector<16xf32>
    %scan3A = arith.constant 0 : i32
    %scan3A_4 = arith.constant 0 : i32
    %scan3A_5 = arith.constant 128 : i32
    %scan3A_6 = arith.addi %scan3A_4, %scan3A_5 : i32
    %scan3A_7 = arith.constant 1 : i32
    %scan3A_8 = scf.for %scan3A_42 = %scan3A_4 to %scan3A_6 step %scan3A_7 iter_args(%scan3A_43 = %scan3A) -> (i32)  : i32 {
      %swap3A = arith.index_cast %scan3A_42 : i32 to index
      %swap3A_44 = arith.constant 0 : index
      %swap3A_45 = tpu.vector_load %arg8[%swap3A, %swap3A_44] {strides = array<i32>} : memref<128x128xf32, #tpu.memory_space<vmem>>, vector<1x16xf32>,
      %swap3A_46 = vector.shape_cast %swap3A_45 : vector<1x16xf32> to vector<16xf32>
      %swap3A_47 = vector.shape_cast %broadcast_in_dim3A_3 : vector<16xf32> to vector<1x16xf32>
      tpu.vector_store %arg8[%swap3A, %swap3A_44], %swap3A_47 {strides = array<i32>} : memref<128x128xf32, #tpu.memory_space<vmem>>, vector<1x16xf32>,
      %swap3A_48 = arith.index_cast %scan3A_42 : i32 to index
      %swap3A_49 = arith.constant 16 : index
      %swap3A_50 = tpu.vector_load %arg8[%swap3A_48, %swap3A_49] {strides = array<i32>} : memref<128x128xf32, #tpu.memory_space<vmem>>, vector<1x16xf32>,
      %swap3A_51 = vector.shape_cast %swap3A_50 : vector<1x16xf32> to vector<16xf32>
      %swap3A_52 = vector.shape_cast %broadcast_in_dim3A_3 : vector<16xf32> to vector<1x16xf32>
      tpu.vector_store %arg8[%swap3A_48, %swap3A_49], %swap3A_52 {strides = array<i32>} : memref<128x128xf32, #tpu.memory_space<vmem>>, vector<1x16xf32>,
      %swap3A_53 = arith.index_cast %scan3A_42 : i32 to index
      %swap3A_54 = arith.constant 32 : index
      %swap3A_55 = tpu.vector_load %arg8[%swap3A_53, %swap3A_54] {strides = array<i32>} : memref<128x128xf32, #tpu.memory_space<vmem>>, vector<1x16xf32>,
      %swap3A_56 = vector.shape_cast %swap3A_55 : vector<1x16xf32> to vector<16xf32>
      %swap3A_57 = vector.shape_cast %broadcast_in_dim3A_3 : vector<16xf32> to vector<1x16xf32>
      tpu.vector_store %arg8[%swap3A_53, %swap3A_54], %swap3A_57 {strides = array<i32>} : memref<128x128xf32, #tpu.memory_space<vmem>>, vector<1x16xf32>,
      %swap3A_58 = arith.index_cast %scan3A_42 : i32 to index
      %swap3A_59 = arith.constant 48 : index
      %swap3A_60 = tpu.vector_load %arg8[%swap3A_58, %swap3A_59] {strides = array<i32>} : memref<128x128xf32, #tpu.memory_space<vmem>>, vector<1x16xf32>,
      %swap3A_61 = vector.shape_cast %swap3A_60 : vector<1x16xf32> to vector<16xf32>
      %swap3A_62 = vector.shape_cast %broadcast_in_dim3A_3 : vector<16xf32> to vector<1x16xf32>
      tpu.vector_store %arg8[%swap3A_58, %swap3A_59], %swap3A_62 {strides = array<i32>} : memref<128x128xf32, #tpu.memory_space<vmem>>, vector<1x16xf32>,
      %swap3A_63 = arith.index_cast %scan3A_42 : i32 to index
      %swap3A_64 = arith.constant 64 : index
      %swap3A_65 = tpu.vector_load %arg8[%swap3A_63, %swap3A_64] {strides = array<i32>} : memref<128x128xf32, #tpu.memory_space<vmem>>, vector<1x16xf32>,
      %swap3A_66 = vector.shape_cast %swap3A_65 : vector<1x16xf32> to vector<16xf32>
      %swap3A_67 = vector.shape_cast %broadcast_in_dim3A_3 : vector<16xf32> to vector<1x16xf32>
      tpu.vector_store %arg8[%swap3A_63, %swap3A_64], %swap3A_67 {strides = array<i32>} : memref<128x128xf32, #tpu.memory_space<vmem>>, vector<1x16xf32>,
      %swap3A_68 = arith.index_cast %scan3A_42 : i32 to index
      %swap3A_69 = arith.constant 80 : index
      %swap3A_70 = tpu.vector_load %arg8[%swap3A_68, %swap3A_69] {strides = array<i32>} : memref<128x128xf32, #tpu.memory_space<vmem>>, vector<1x16xf32>,
      %swap3A_71 = vector.shape_cast %swap3A_70 : vector<1x16xf32> to vector<16xf32>
      %swap3A_72 = vector.shape_cast %broadcast_in_dim3A_3 : vector<16xf32> to vector<1x16xf32>
      tpu.vector_store %arg8[%swap3A_68, %swap3A_69], %swap3A_72 {strides = array<i32>} : memref<128x128xf32, #tpu.memory_space<vmem>>, vector<1x16xf32>,
      %swap3A_73 = arith.index_cast %scan3A_42 : i32 to index
      %swap3A_74 = arith.constant 96 : index
      %swap3A_75 = tpu.vector_load %arg8[%swap3A_73, %swap3A_74] {strides = array<i32>} : memref<128x128xf32, #tpu.memory_space<vmem>>, vector<1x16xf32>,
      %swap3A_76 = vector.shape_cast %swap3A_75 : vector<1x16xf32> to vector<16xf32>
      %swap3A_77 = vector.shape_cast %broadcast_in_dim3A_3 : vector<16xf32> to vector<1x16xf32>
      tpu.vector_store %arg8[%swap3A_73, %swap3A_74], %swap3A_77 {strides = array<i32>} : memref<128x128xf32, #tpu.memory_space<vmem>>, vector<1x16xf32>,
      %swap3A_78 = arith.index_cast %scan3A_42 : i32 to index
      %swap3A_79 = arith.constant 112 : index
      %swap3A_80 = tpu.vector_load %arg8[%swap3A_78, %swap3A_79] {strides = array<i32>} : memref<128x128xf32, #tpu.memory_space<vmem>>, vector<1x16xf32>,
      %swap3A_81 = vector.shape_cast %swap3A_80 : vector<1x16xf32> to vector<16xf32>
      %swap3A_82 = vector.shape_cast %broadcast_in_dim3A_3 : vector<16xf32> to vector<1x16xf32>
      tpu.vector_store %arg8[%swap3A_78, %swap3A_79], %swap3A_82 {strides = array<i32>} : memref<128x128xf32, #tpu.memory_space<vmem>>, vector<1x16xf32>,
      %scan3A_83 = arith.constant 0 : i32
      scf.yield %scan3A_83 : i32
    }
    %scan3A_9 = arith.constant 128 : i32
    %mul3A_10 = arith.constant 640 : i32
    %mul3A_11 = arith.muli %arg1, %mul3A_10 : i32
    %add3A_12 = arith.constant 0 : i32
    %add3A_13 = arith.addi %mul3A_11, %add3A_12 : i32
    "tpu.region"() ({
      %run_scoped3A = tpu.sem_alloc : memref<!tpu.dma_semaphore, #tpu.memory_space<semaphore_mem>>
      %dma_start3A = arith.constant 0 : i32
      %dma_start3A_42 = tpu.memref_slice %arg9[%add3A_13, %dma_start3A] : memref<10240x128xf32, #tpu.memory_space<vmem_shared>> -> memref<128x128xf32, #tpu.memory_space<vmem_shared>>
      %dma_start3A_43 = arith.constant 0 : i32
      %dma_start3A_44 = tpu.memref_slice %arg9[%add3A_13, %dma_start3A_43] : memref<10240x128xf32, #tpu.memory_space<vmem_shared>> -> memref<128x128xf32, #tpu.memory_space<vmem_shared>>
      tpu.enqueue_dma source(%arg8 : memref<128x128xf32, #tpu.memory_space<vmem>>) target(%dma_start3A_44 : memref<128x128xf32, #tpu.memory_space<vmem_shared>>) target_semaphore(%run_scoped3A : memref<!tpu.dma_semaphore, #tpu.memory_space<semaphore_mem>>)
      %dma_wait3A = arith.constant 0 : i32
      %dma_wait3A_45 = tpu.memref_slice %arg9[%add3A_13, %dma_wait3A] : memref<10240x128xf32, #tpu.memory_space<vmem_shared>> -> memref<128x128xf32, #tpu.memory_space<vmem_shared>>
      %dma_wait3A_46 = arith.constant 0 : i32
      %dma_wait3A_47 = tpu.memref_slice %arg9[%add3A_13, %dma_wait3A_46] : memref<10240x128xf32, #tpu.memory_space<vmem_shared>> -> memref<128x128xf32, #tpu.memory_space<vmem_shared>>
      tpu.wait_dma2 semaphore(%run_scoped3A : memref<!tpu.dma_semaphore, #tpu.memory_space<semaphore_mem>>) src(%arg8 : memref<128x128xf32, #tpu.memory_space<vmem>>) dst(%dma_wait3A_47 : memref<128x128xf32, #tpu.memory_space<vmem_shared>>)
      tpu.yield
    }) : () -> ()
    %mul3A_14 = arith.constant 640 : i32
    %mul3A_15 = arith.muli %arg1, %mul3A_14 : i32
    %add3A_16 = arith.constant 128 : i32
    %add3A_17 = arith.addi %mul3A_15, %add3A_16 : i32
    "tpu.region"() ({
      %run_scoped3A = tpu.sem_alloc : memref<!tpu.dma_semaphore, #tpu.memory_space<semaphore_mem>>
      %dma_start3A = arith.constant 0 : i32
      %dma_start3A_42 = tpu.memref_slice %arg9[%add3A_17, %dma_start3A] : memref<10240x128xf32, #tpu.memory_space<vmem_shared>> -> memref<128x128xf32, #tpu.memory_space<vmem_shared>>
      %dma_start3A_43 = arith.constant 0 : i32
      %dma_start3A_44 = tpu.memref_slice %arg9[%add3A_17, %dma_start3A_43] : memref<10240x128xf32, #tpu.memory_space<vmem_shared>> -> memref<128x128xf32, #tpu.memory_space<vmem_shared>>
      tpu.enqueue_dma source(%arg8 : memref<128x128xf32, #tpu.memory_space<vmem>>) target(%dma_start3A_44 : memref<128x128xf32, #tpu.memory_space<vmem_shared>>) target_semaphore(%run_scoped3A : memref<!tpu.dma_semaphore, #tpu.memory_space<semaphore_mem>>)
      %dma_wait3A = arith.constant 0 : i32
      %dma_wait3A_45 = tpu.memref_slice %arg9[%add3A_17, %dma_wait3A] : memref<10240x128xf32, #tpu.memory_space<vmem_shared>> -> memref<128x128xf32, #tpu.memory_space<vmem_shared>>
      %dma_wait3A_46 = arith.constant 0 : i32
      %dma_wait3A_47 = tpu.memref_slice %arg9[%add3A_17, %dma_wait3A_46] : memref<10240x128xf32, #tpu.memory_space<vmem_shared>> -> memref<128x128xf32, #tpu.memory_space<vmem_shared>>
      tpu.wait_dma2 semaphore(%run_scoped3A : memref<!tpu.dma_semaphore, #tpu.memory_space<semaphore_mem>>) src(%arg8 : memref<128x128xf32, #tpu.memory_space<vmem>>) dst(%dma_wait3A_47 : memref<128x128xf32, #tpu.memory_space<vmem_shared>>)
      tpu.yield
    }) : () -> ()
    %mul3A_18 = arith.constant 640 : i32
    %mul3A_19 = arith.muli %arg1, %mul3A_18 : i32
    %add3A_20 = arith.constant 256 : i32
    %add3A_21 = arith.addi %mul3A_19, %add3A_20 : i32
    "tpu.region"() ({
      %run_scoped3A = tpu.sem_alloc : memref<!tpu.dma_semaphore, #tpu.memory_space<semaphore_mem>>
      %dma_start3A = arith.constant 0 : i32
      %dma_start3A_42 = tpu.memref_slice %arg9[%add3A_21, %dma_start3A] : memref<10240x128xf32, #tpu.memory_space<vmem_shared>> -> memref<128x128xf32, #tpu.memory_space<vmem_shared>>
      %dma_start3A_43 = arith.constant 0 : i32
      %dma_start3A_44 = tpu.memref_slice %arg9[%add3A_21, %dma_start3A_43] : memref<10240x128xf32, #tpu.memory_space<vmem_shared>> -> memref<128x128xf32, #tpu.memory_space<vmem_shared>>
      tpu.enqueue_dma source(%arg8 : memref<128x128xf32, #tpu.memory_space<vmem>>) target(%dma_start3A_44 : memref<128x128xf32, #tpu.memory_space<vmem_shared>>) target_semaphore(%run_scoped3A : memref<!tpu.dma_semaphore, #tpu.memory_space<semaphore_mem>>)
      %dma_wait3A = arith.constant 0 : i32
      %dma_wait3A_45 = tpu.memref_slice %arg9[%add3A_21, %dma_wait3A] : memref<10240x128xf32, #tpu.memory_space<vmem_shared>> -> memref<128x128xf32, #tpu.memory_space<vmem_shared>>
      %dma_wait3A_46 = arith.constant 0 : i32
      %dma_wait3A_47 = tpu.memref_slice %arg9[%add3A_21, %dma_wait3A_46] : memref<10240x128xf32, #tpu.memory_space<vmem_shared>> -> memref<128x128xf32, #tpu.memory_space<vmem_shared>>
      tpu.wait_dma2 semaphore(%run_scoped3A : memref<!tpu.dma_semaphore, #tpu.memory_space<semaphore_mem>>) src(%arg8 : memref<128x128xf32, #tpu.memory_space<vmem>>) dst(%dma_wait3A_47 : memref<128x128xf32, #tpu.memory_space<vmem_shared>>)
      tpu.yield
    }) : () -> ()
    %mul3A_22 = arith.constant 640 : i32
    %mul3A_23 = arith.muli %arg1, %mul3A_22 : i32
    %add3A_24 = arith.constant 384 : i32
    %add3A_25 = arith.addi %mul3A_23, %add3A_24 : i32
    "tpu.region"() ({
      %run_scoped3A = tpu.sem_alloc : memref<!tpu.dma_semaphore, #tpu.memory_space<semaphore_mem>>
      %dma_start3A = arith.constant 0 : i32
      %dma_start3A_42 = tpu.memref_slice %arg9[%add3A_25, %dma_start3A] : memref<10240x128xf32, #tpu.memory_space<vmem_shared>> -> memref<128x128xf32, #tpu.memory_space<vmem_shared>>
      %dma_start3A_43 = arith.constant 0 : i32
      %dma_start3A_44 = tpu.memref_slice %arg9[%add3A_25, %dma_start3A_43] : memref<10240x128xf32, #tpu.memory_space<vmem_shared>> -> memref<128x128xf32, #tpu.memory_space<vmem_shared>>
      tpu.enqueue_dma source(%arg8 : memref<128x128xf32, #tpu.memory_space<vmem>>) target(%dma_start3A_44 : memref<128x128xf32, #tpu.memory_space<vmem_shared>>) target_semaphore(%run_scoped3A : memref<!tpu.dma_semaphore, #tpu.memory_space<semaphore_mem>>)
      %dma_wait3A = arith.constant 0 : i32
      %dma_wait3A_45 = tpu.memref_slice %arg9[%add3A_25, %dma_wait3A] : memref<10240x128xf32, #tpu.memory_space<vmem_shared>> -> memref<128x128xf32, #tpu.memory_space<vmem_shared>>
      %dma_wait3A_46 = arith.constant 0 : i32
      %dma_wait3A_47 = tpu.memref_slice %arg9[%add3A_25, %dma_wait3A_46] : memref<10240x128xf32, #tpu.memory_space<vmem_shared>> -> memref<128x128xf32, #tpu.memory_space<vmem_shared>>
      tpu.wait_dma2 semaphore(%run_scoped3A : memref<!tpu.dma_semaphore, #tpu.memory_space<semaphore_mem>>) src(%arg8 : memref<128x128xf32, #tpu.memory_space<vmem>>) dst(%dma_wait3A_47 : memref<128x128xf32, #tpu.memory_space<vmem_shared>>)
      tpu.yield
    }) : () -> ()
    %mul3A_26 = arith.constant 640 : i32
    %mul3A_27 = arith.muli %arg1, %mul3A_26 : i32
    %add3A_28 = arith.constant 512 : i32
    %add3A_29 = arith.addi %mul3A_27, %add3A_28 : i32
    "tpu.region"() ({
      %run_scoped3A = tpu.sem_alloc : memref<!tpu.dma_semaphore, #tpu.memory_space<semaphore_mem>>
      %dma_start3A = arith.constant 0 : i32
      %dma_start3A_42 = tpu.memref_slice %arg9[%add3A_29, %dma_start3A] : memref<10240x128xf32, #tpu.memory_space<vmem_shared>> -> memref<128x128xf32, #tpu.memory_space<vmem_shared>>
      %dma_start3A_43 = arith.constant 0 : i32
      %dma_start3A_44 = tpu.memref_slice %arg9[%add3A_29, %dma_start3A_43] : memref<10240x128xf32, #tpu.memory_space<vmem_shared>> -> memref<128x128xf32, #tpu.memory_space<vmem_shared>>
      tpu.enqueue_dma source(%arg8 : memref<128x128xf32, #tpu.memory_space<vmem>>) target(%dma_start3A_44 : memref<128x128xf32, #tpu.memory_space<vmem_shared>>) target_semaphore(%run_scoped3A : memref<!tpu.dma_semaphore, #tpu.memory_space<semaphore_mem>>)
      %dma_wait3A = arith.constant 0 : i32
      %dma_wait3A_45 = tpu.memref_slice %arg9[%add3A_29, %dma_wait3A] : memref<10240x128xf32, #tpu.memory_space<vmem_shared>> -> memref<128x128xf32, #tpu.memory_space<vmem_shared>>
      %dma_wait3A_46 = arith.constant 0 : i32
      %dma_wait3A_47 = tpu.memref_slice %arg9[%add3A_29, %dma_wait3A_46] : memref<10240x128xf32, #tpu.memory_space<vmem_shared>> -> memref<128x128xf32, #tpu.memory_space<vmem_shared>>
      tpu.wait_dma2 semaphore(%run_scoped3A : memref<!tpu.dma_semaphore, #tpu.memory_space<semaphore_mem>>) src(%arg8 : memref<128x128xf32, #tpu.memory_space<vmem>>) dst(%dma_wait3A_47 : memref<128x128xf32, #tpu.memory_space<vmem_shared>>)
      tpu.yield
    }) : () -> ()
    %barrier3A = arith.constant 0 : index
    tpu.barrier barrier_id(%barrier3A)
    %scan3A_30 = arith.constant 0 : i32
    %scan3A_31 = arith.constant 0 : i32
    %scan3A_32 = arith.constant 80 : i32
    %scan3A_33 = arith.addi %scan3A_31, %scan3A_32 : i32
    %scan3A_34 = arith.constant 1 : i32
    %scan3A_35 = scf.for %scan3A_42 = %scan3A_31 to %scan3A_33 step %scan3A_34 iter_args(%scan3A_43 = %scan3A_30) -> (i32)  : i32 {
      %get3A = arith.index_cast %scan3A_42 : i32 to index
      %get3A_44 = arith.constant 0 : index
      %get3A_45 = tpu.vector_load %arg5[%get3A, %get3A_44] {strides = array<i32>} : memref<80x128xi32, #tpu.memory_space<vmem>>, vector<1x16xi32>,
      %get3A_46 = vector.shape_cast %get3A_45 : vector<1x16xi32> to vector<16xi32>
      %shift_right_logical3A = arith.constant 14 : i32
      %shift_right_logical3A_47 = vector.broadcast %shift_right_logical3A : i32 to vector<16xi32>
      %shift_right_logical3A_48 = arith.shrui %get3A_46, %shift_right_logical3A_47 : vector<16xi32>
      %swap3A = arith.constant 0 : i32
      %swap3A_49 = arith.index_cast %swap3A : i32 to index
      %swap3A_50 = arith.constant 0 : index
      %swap3A_51 = tpu.vector_load %arg6[%swap3A_49, %swap3A_50] {strides = array<i32>} : memref<2x128xi32, #tpu.memory_space<vmem>>, vector<1x16xi32>,
      %swap3A_52 = vector.shape_cast %swap3A_51 : vector<1x16xi32> to vector<16xi32>
      %swap3A_53 = vector.shape_cast %shift_right_logical3A_48 : vector<16xi32> to vector<1x16xi32>
      tpu.vector_store %arg6[%swap3A_49, %swap3A_50], %swap3A_53 {strides = array<i32>} : memref<2x128xi32, #tpu.memory_space<vmem>>, vector<1x16xi32>,
      %and3A = arith.constant 16383 : i32
      %and3A_54 = vector.broadcast %and3A : i32 to vector<16xi32>
      %and3A_55 = arith.andi %get3A_46, %and3A_54 : vector<16xi32>
      %swap3A_56 = arith.constant 0 : i32
      %swap3A_57 = arith.index_cast %swap3A_56 : i32 to index
      %swap3A_58 = arith.constant 0 : index
      %swap3A_59 = tpu.vector_load %arg7[%swap3A_57, %swap3A_58] {strides = array<i32>} : memref<2x128xi32, #tpu.memory_space<vmem>>, vector<1x16xi32>,
      %swap3A_60 = vector.shape_cast %swap3A_59 : vector<1x16xi32> to vector<16xi32>
      %swap3A_61 = vector.shape_cast %and3A_55 : vector<16xi32> to vector<1x16xi32>
      tpu.vector_store %arg7[%swap3A_57, %swap3A_58], %swap3A_61 {strides = array<i32>} : memref<2x128xi32, #tpu.memory_space<vmem>>, vector<1x16xi32>,
      %get3A_62 = arith.index_cast %scan3A_42 : i32 to index
      %get3A_63 = arith.constant 16 : index
      %get3A_64 = tpu.vector_load %arg5[%get3A_62, %get3A_63] {strides = array<i32>} : memref<80x128xi32, #tpu.memory_space<vmem>>, vector<1x16xi32>,
      %get3A_65 = vector.shape_cast %get3A_64 : vector<1x16xi32> to vector<16xi32>
      %shift_right_logical3A_66 = arith.constant 14 : i32
      %shift_right_logical3A_67 = vector.broadcast %shift_right_logical3A_66 : i32 to vector<16xi32>
      %shift_right_logical3A_68 = arith.shrui %get3A_65, %shift_right_logical3A_67 : vector<16xi32>
      %swap3A_69 = arith.constant 0 : i32
      %swap3A_70 = arith.index_cast %swap3A_69 : i32 to index
      %swap3A_71 = arith.constant 16 : index
      %swap3A_72 = tpu.vector_load %arg6[%swap3A_70, %swap3A_71] {strides = array<i32>} : memref<2x128xi32, #tpu.memory_space<vmem>>, vector<1x16xi32>,
      %swap3A_73 = vector.shape_cast %swap3A_72 : vector<1x16xi32> to vector<16xi32>
      %swap3A_74 = vector.shape_cast %shift_right_logical3A_68 : vector<16xi32> to vector<1x16xi32>
      tpu.vector_store %arg6[%swap3A_70, %swap3A_71], %swap3A_74 {strides = array<i32>} : memref<2x128xi32, #tpu.memory_space<vmem>>, vector<1x16xi32>,
      %and3A_75 = arith.constant 16383 : i32
      %and3A_76 = vector.broadcast %and3A_75 : i32 to vector<16xi32>
      %and3A_77 = arith.andi %get3A_65, %and3A_76 : vector<16xi32>
      %swap3A_78 = arith.constant 0 : i32
      %swap3A_79 = arith.index_cast %swap3A_78 : i32 to index
      %swap3A_80 = arith.constant 16 : index
      %swap3A_81 = tpu.vector_load %arg7[%swap3A_79, %swap3A_80] {strides = array<i32>} : memref<2x128xi32, #tpu.memory_space<vmem>>, vector<1x16xi32>,
      %swap3A_82 = vector.shape_cast %swap3A_81 : vector<1x16xi32> to vector<16xi32>
      %swap3A_83 = vector.shape_cast %and3A_77 : vector<16xi32> to vector<1x16xi32>
      tpu.vector_store %arg7[%swap3A_79, %swap3A_80], %swap3A_83 {strides = array<i32>} : memref<2x128xi32, #tpu.memory_space<vmem>>, vector<1x16xi32>,
      %get3A_84 = arith.index_cast %scan3A_42 : i32 to index
      %get3A_85 = arith.constant 32 : index
      %get3A_86 = tpu.vector_load %arg5[%get3A_84, %get3A_85] {strides = array<i32>} : memref<80x128xi32, #tpu.memory_space<vmem>>, vector<1x16xi32>,
      %get3A_87 = vector.shape_cast %get3A_86 : vector<1x16xi32> to vector<16xi32>
      %shift_right_logical3A_88 = arith.constant 14 : i32
      %shift_right_logical3A_89 = vector.broadcast %shift_right_logical3A_88 : i32 to vector<16xi32>
      %shift_right_logical3A_90 = arith.shrui %get3A_87, %shift_right_logical3A_89 : vector<16xi32>
      %swap3A_91 = arith.constant 0 : i32
      %swap3A_92 = arith.index_cast %swap3A_91 : i32 to index
      %swap3A_93 = arith.constant 32 : index
      %swap3A_94 = tpu.vector_load %arg6[%swap3A_92, %swap3A_93] {strides = array<i32>} : memref<2x128xi32, #tpu.memory_space<vmem>>, vector<1x16xi32>,
      %swap3A_95 = vector.shape_cast %swap3A_94 : vector<1x16xi32> to vector<16xi32>
      %swap3A_96 = vector.shape_cast %shift_right_logical3A_90 : vector<16xi32> to vector<1x16xi32>
      tpu.vector_store %arg6[%swap3A_92, %swap3A_93], %swap3A_96 {strides = array<i32>} : memref<2x128xi32, #tpu.memory_space<vmem>>, vector<1x16xi32>,
      %and3A_97 = arith.constant 16383 : i32
      %and3A_98 = vector.broadcast %and3A_97 : i32 to vector<16xi32>
      %and3A_99 = arith.andi %get3A_87, %and3A_98 : vector<16xi32>
      %swap3A_100 = arith.constant 0 : i32
      %swap3A_101 = arith.index_cast %swap3A_100 : i32 to index
      %swap3A_102 = arith.constant 32 : index
      %swap3A_103 = tpu.vector_load %arg7[%swap3A_101, %swap3A_102] {strides = array<i32>} : memref<2x128xi32, #tpu.memory_space<vmem>>, vector<1x16xi32>,
      %swap3A_104 = vector.shape_cast %swap3A_103 : vector<1x16xi32> to vector<16xi32>
      %swap3A_105 = vector.shape_cast %and3A_99 : vector<16xi32> to vector<1x16xi32>
      tpu.vector_store %arg7[%swap3A_101, %swap3A_102], %swap3A_105 {strides = array<i32>} : memref<2x128xi32, #tpu.memory_space<vmem>>, vector<1x16xi32>,
      %get3A_106 = arith.index_cast %scan3A_42 : i32 to index
      %get3A_107 = arith.constant 48 : index
      %get3A_108 = tpu.vector_load %arg5[%get3A_106, %get3A_107] {strides = array<i32>} : memref<80x128xi32, #tpu.memory_space<vmem>>, vector<1x16xi32>,
      %get3A_109 = vector.shape_cast %get3A_108 : vector<1x16xi32> to vector<16xi32>
      %shift_right_logical3A_110 = arith.constant 14 : i32
      %shift_right_logical3A_111 = vector.broadcast %shift_right_logical3A_110 : i32 to vector<16xi32>
      %shift_right_logical3A_112 = arith.shrui %get3A_109, %shift_right_logical3A_111 : vector<16xi32>
      %swap3A_113 = arith.constant 0 : i32
      %swap3A_114 = arith.index_cast %swap3A_113 : i32 to index
      %swap3A_115 = arith.constant 48 : index
      %swap3A_116 = tpu.vector_load %arg6[%swap3A_114, %swap3A_115] {strides = array<i32>} : memref<2x128xi32, #tpu.memory_space<vmem>>, vector<1x16xi32>,
      %swap3A_117 = vector.shape_cast %swap3A_116 : vector<1x16xi32> to vector<16xi32>
      %swap3A_118 = vector.shape_cast %shift_right_logical3A_112 : vector<16xi32> to vector<1x16xi32>
      tpu.vector_store %arg6[%swap3A_114, %swap3A_115], %swap3A_118 {strides = array<i32>} : memref<2x128xi32, #tpu.memory_space<vmem>>, vector<1x16xi32>,
      %and3A_119 = arith.constant 16383 : i32
      %and3A_120 = vector.broadcast %and3A_119 : i32 to vector<16xi32>
      %and3A_121 = arith.andi %get3A_109, %and3A_120 : vector<16xi32>
      %swap3A_122 = arith.constant 0 : i32
      %swap3A_123 = arith.index_cast %swap3A_122 : i32 to index
      %swap3A_124 = arith.constant 48 : index
      %swap3A_125 = tpu.vector_load %arg7[%swap3A_123, %swap3A_124] {strides = array<i32>} : memref<2x128xi32, #tpu.memory_space<vmem>>, vector<1x16xi32>,
      %swap3A_126 = vector.shape_cast %swap3A_125 : vector<1x16xi32> to vector<16xi32>
      %swap3A_127 = vector.shape_cast %and3A_121 : vector<16xi32> to vector<1x16xi32>
      tpu.vector_store %arg7[%swap3A_123, %swap3A_124], %swap3A_127 {strides = array<i32>} : memref<2x128xi32, #tpu.memory_space<vmem>>, vector<1x16xi32>,
      %get3A_128 = arith.index_cast %scan3A_42 : i32 to index
      %get3A_129 = arith.constant 64 : index
      %get3A_130 = tpu.vector_load %arg5[%get3A_128, %get3A_129] {strides = array<i32>} : memref<80x128xi32, #tpu.memory_space<vmem>>, vector<1x16xi32>,
      %get3A_131 = vector.shape_cast %get3A_130 : vector<1x16xi32> to vector<16xi32>
      %shift_right_logical3A_132 = arith.constant 14 : i32
      %shift_right_logical3A_133 = vector.broadcast %shift_right_logical3A_132 : i32 to vector<16xi32>
      %shift_right_logical3A_134 = arith.shrui %get3A_131, %shift_right_logical3A_133 : vector<16xi32>
      %swap3A_135 = arith.constant 0 : i32
      %swap3A_136 = arith.index_cast %swap3A_135 : i32 to index
      %swap3A_137 = arith.constant 64 : index
      %swap3A_138 = tpu.vector_load %arg6[%swap3A_136, %swap3A_137] {strides = array<i32>} : memref<2x128xi32, #tpu.memory_space<vmem>>, vector<1x16xi32>,
      %swap3A_139 = vector.shape_cast %swap3A_138 : vector<1x16xi32> to vector<16xi32>
      %swap3A_140 = vector.shape_cast %shift_right_logical3A_134 : vector<16xi32> to vector<1x16xi32>
      tpu.vector_store %arg6[%swap3A_136, %swap3A_137], %swap3A_140 {strides = array<i32>} : memref<2x128xi32, #tpu.memory_space<vmem>>, vector<1x16xi32>,
      %and3A_141 = arith.constant 16383 : i32
      %and3A_142 = vector.broadcast %and3A_141 : i32 to vector<16xi32>
      %and3A_143 = arith.andi %get3A_131, %and3A_142 : vector<16xi32>
      %swap3A_144 = arith.constant 0 : i32
      %swap3A_145 = arith.index_cast %swap3A_144 : i32 to index
      %swap3A_146 = arith.constant 64 : index
      %swap3A_147 = tpu.vector_load %arg7[%swap3A_145, %swap3A_146] {strides = array<i32>} : memref<2x128xi32, #tpu.memory_space<vmem>>, vector<1x16xi32>,
      %swap3A_148 = vector.shape_cast %swap3A_147 : vector<1x16xi32> to vector<16xi32>
      %swap3A_149 = vector.shape_cast %and3A_143 : vector<16xi32> to vector<1x16xi32>
      tpu.vector_store %arg7[%swap3A_145, %swap3A_146], %swap3A_149 {strides = array<i32>} : memref<2x128xi32, #tpu.memory_space<vmem>>, vector<1x16xi32>,
      %get3A_150 = arith.index_cast %scan3A_42 : i32 to index
      %get3A_151 = arith.constant 80 : index
      %get3A_152 = tpu.vector_load %arg5[%get3A_150, %get3A_151] {strides = array<i32>} : memref<80x128xi32, #tpu.memory_space<vmem>>, vector<1x16xi32>,
      %get3A_153 = vector.shape_cast %get3A_152 : vector<1x16xi32> to vector<16xi32>
      %shift_right_logical3A_154 = arith.constant 14 : i32
      %shift_right_logical3A_155 = vector.broadcast %shift_right_logical3A_154 : i32 to vector<16xi32>
      %shift_right_logical3A_156 = arith.shrui %get3A_153, %shift_right_logical3A_155 : vector<16xi32>
      %swap3A_157 = arith.constant 0 : i32
      %swap3A_158 = arith.index_cast %swap3A_157 : i32 to index
      %swap3A_159 = arith.constant 80 : index
      %swap3A_160 = tpu.vector_load %arg6[%swap3A_158, %swap3A_159] {strides = array<i32>} : memref<2x128xi32, #tpu.memory_space<vmem>>, vector<1x16xi32>,
      %swap3A_161 = vector.shape_cast %swap3A_160 : vector<1x16xi32> to vector<16xi32>
      %swap3A_162 = vector.shape_cast %shift_right_logical3A_156 : vector<16xi32> to vector<1x16xi32>
      tpu.vector_store %arg6[%swap3A_158, %swap3A_159], %swap3A_162 {strides = array<i32>} : memref<2x128xi32, #tpu.memory_space<vmem>>, vector<1x16xi32>,
      %and3A_163 = arith.constant 16383 : i32
      %and3A_164 = vector.broadcast %and3A_163 : i32 to vector<16xi32>
      %and3A_165 = arith.andi %get3A_153, %and3A_164 : vector<16xi32>
      %swap3A_166 = arith.constant 0 : i32
      %swap3A_167 = arith.index_cast %swap3A_166 : i32 to index
      %swap3A_168 = arith.constant 80 : index
      %swap3A_169 = tpu.vector_load %arg7[%swap3A_167, %swap3A_168] {strides = array<i32>} : memref<2x128xi32, #tpu.memory_space<vmem>>, vector<1x16xi32>,
      %swap3A_170 = vector.shape_cast %swap3A_169 : vector<1x16xi32> to vector<16xi32>
      %swap3A_171 = vector.shape_cast %and3A_165 : vector<16xi32> to vector<1x16xi32>
      tpu.vector_store %arg7[%swap3A_167, %swap3A_168], %swap3A_171 {strides = array<i32>} : memref<2x128xi32, #tpu.memory_space<vmem>>, vector<1x16xi32>,
      %get3A_172 = arith.index_cast %scan3A_42 : i32 to index
      %get3A_173 = arith.constant 96 : index
      %get3A_174 = tpu.vector_load %arg5[%get3A_172, %get3A_173] {strides = array<i32>} : memref<80x128xi32, #tpu.memory_space<vmem>>, vector<1x16xi32>,
      %get3A_175 = vector.shape_cast %get3A_174 : vector<1x16xi32> to vector<16xi32>
      %shift_right_logical3A_176 = arith.constant 14 : i32
      %shift_right_logical3A_177 = vector.broadcast %shift_right_logical3A_176 : i32 to vector<16xi32>
      %shift_right_logical3A_178 = arith.shrui %get3A_175, %shift_right_logical3A_177 : vector<16xi32>
      %swap3A_179 = arith.constant 0 : i32
      %swap3A_180 = arith.index_cast %swap3A_179 : i32 to index
      %swap3A_181 = arith.constant 96 : index
      %swap3A_182 = tpu.vector_load %arg6[%swap3A_180, %swap3A_181] {strides = array<i32>} : memref<2x128xi32, #tpu.memory_space<vmem>>, vector<1x16xi32>,
      %swap3A_183 = vector.shape_cast %swap3A_182 : vector<1x16xi32> to vector<16xi32>
      %swap3A_184 = vector.shape_cast %shift_right_logical3A_178 : vector<16xi32> to vector<1x16xi32>
      tpu.vector_store %arg6[%swap3A_180, %swap3A_181], %swap3A_184 {strides = array<i32>} : memref<2x128xi32, #tpu.memory_space<vmem>>, vector<1x16xi32>,
      %and3A_185 = arith.constant 16383 : i32
      %and3A_186 = vector.broadcast %and3A_185 : i32 to vector<16xi32>
      %and3A_187 = arith.andi %get3A_175, %and3A_186 : vector<16xi32>
      %swap3A_188 = arith.constant 0 : i32
      %swap3A_189 = arith.index_cast %swap3A_188 : i32 to index
      %swap3A_190 = arith.constant 96 : index
      %swap3A_191 = tpu.vector_load %arg7[%swap3A_189, %swap3A_190] {strides = array<i32>} : memref<2x128xi32, #tpu.memory_space<vmem>>, vector<1x16xi32>,
      %swap3A_192 = vector.shape_cast %swap3A_191 : vector<1x16xi32> to vector<16xi32>
      %swap3A_193 = vector.shape_cast %and3A_187 : vector<16xi32> to vector<1x16xi32>
      tpu.vector_store %arg7[%swap3A_189, %swap3A_190], %swap3A_193 {strides = array<i32>} : memref<2x128xi32, #tpu.memory_space<vmem>>, vector<1x16xi32>,
      %get3A_194 = arith.index_cast %scan3A_42 : i32 to index
      %get3A_195 = arith.constant 112 : index
      %get3A_196 = tpu.vector_load %arg5[%get3A_194, %get3A_195] {strides = array<i32>} : memref<80x128xi32, #tpu.memory_space<vmem>>, vector<1x16xi32>,
      %get3A_197 = vector.shape_cast %get3A_196 : vector<1x16xi32> to vector<16xi32>
      %shift_right_logical3A_198 = arith.constant 14 : i32
      %shift_right_logical3A_199 = vector.broadcast %shift_right_logical3A_198 : i32 to vector<16xi32>
      %shift_right_logical3A_200 = arith.shrui %get3A_197, %shift_right_logical3A_199 : vector<16xi32>
      %swap3A_201 = arith.constant 0 : i32
      %swap3A_202 = arith.index_cast %swap3A_201 : i32 to index
      %swap3A_203 = arith.constant 112 : index
      %swap3A_204 = tpu.vector_load %arg6[%swap3A_202, %swap3A_203] {strides = array<i32>} : memref<2x128xi32, #tpu.memory_space<vmem>>, vector<1x16xi32>,
      %swap3A_205 = vector.shape_cast %swap3A_204 : vector<1x16xi32> to vector<16xi32>
      %swap3A_206 = vector.shape_cast %shift_right_logical3A_200 : vector<16xi32> to vector<1x16xi32>
      tpu.vector_store %arg6[%swap3A_202, %swap3A_203], %swap3A_206 {strides = array<i32>} : memref<2x128xi32, #tpu.memory_space<vmem>>, vector<1x16xi32>,
      %and3A_207 = arith.constant 16383 : i32
      %and3A_208 = vector.broadcast %and3A_207 : i32 to vector<16xi32>
      %and3A_209 = arith.andi %get3A_197, %and3A_208 : vector<16xi32>
      %swap3A_210 = arith.constant 0 : i32
      %swap3A_211 = arith.index_cast %swap3A_210 : i32 to index
      %swap3A_212 = arith.constant 112 : index
      %swap3A_213 = tpu.vector_load %arg7[%swap3A_211, %swap3A_212] {strides = array<i32>} : memref<2x128xi32, #tpu.memory_space<vmem>>, vector<1x16xi32>,
      %swap3A_214 = vector.shape_cast %swap3A_213 : vector<1x16xi32> to vector<16xi32>
      %swap3A_215 = vector.shape_cast %and3A_209 : vector<16xi32> to vector<1x16xi32>
      tpu.vector_store %arg7[%swap3A_211, %swap3A_212], %swap3A_215 {strides = array<i32>} : memref<2x128xi32, #tpu.memory_space<vmem>>, vector<1x16xi32>,
      %dma_start3A = arith.constant 0 : i32
      %dma_start3A_216 = arith.constant 0 : i32
      %dma_start3A_217 = tpu.memref_slice %arg6[%dma_start3A, %dma_start3A_216] : memref<2x128xi32, #tpu.memory_space<vmem>> -> memref<1x128xi32, #tpu.memory_space<vmem>>
      %dma_start3A_218 = tpu.memref_squeeze %dma_start3A_217 : memref<1x128xi32, #tpu.memory_space<vmem>> -> memref<128xi32, #tpu.memory_space<vmem>>
      %dma_start3A_219 = arith.constant 0 : i32
      %dma_start3A_220 = arith.constant 0 : i32
      %dma_start3A_221 = tpu.memref_slice %arg2[%dma_start3A_219, %dma_start3A_220] : memref<10240x128xf32, #tpu.memory_space<hbm>> -> memref<10240x128xf32, #tpu.memory_space<hbm>>
      tpu.enqueue_indirect_dma source(%dma_start3A_221 : memref<10240x128xf32, #tpu.memory_space<hbm>>) target(%arg8 : memref<128x128xf32, #tpu.memory_space<vmem>>) offsets(%dma_start3A_218 : memref<128xi32, #tpu.memory_space<vmem>>) semaphore(%arg10 : memref<!tpu.dma_semaphore, #tpu.memory_space<semaphore_mem>>)
      %dma_wait3A = arith.constant 0 : i32
      %dma_wait3A_222 = arith.constant 0 : i32
      %dma_wait3A_223 = tpu.memref_slice %arg6[%dma_wait3A, %dma_wait3A_222] : memref<2x128xi32, #tpu.memory_space<vmem>> -> memref<1x128xi32, #tpu.memory_space<vmem>>
      %dma_wait3A_224 = tpu.memref_squeeze %dma_wait3A_223 : memref<1x128xi32, #tpu.memory_space<vmem>> -> memref<128xi32, #tpu.memory_space<vmem>>
      %dma_wait3A_225 = arith.constant 0 : i32
      %dma_wait3A_226 = arith.constant 0 : i32
      %dma_wait3A_227 = tpu.memref_slice %arg2[%dma_wait3A_225, %dma_wait3A_226] : memref<10240x128xf32, #tpu.memory_space<hbm>> -> memref<10240x128xf32, #tpu.memory_space<hbm>>
      tpu.wait_indirect_dma semaphore(%arg10 : memref<!tpu.dma_semaphore, #tpu.memory_space<semaphore_mem>>) src(%dma_wait3A_227 : memref<10240x128xf32, #tpu.memory_space<hbm>>) dst(%arg8 : memref<128x128xf32, #tpu.memory_space<vmem>>)
      %run_scoped3A = arith.constant 0 : i32
      "tpu.region"() ({
        %run_scoped3A_229 = tpu.sem_alloc : memref<!tpu.dma_semaphore, #tpu.memory_space<semaphore_mem>>
        %dma_start3A_230 = arith.constant 0 : i32
        %dma_start3A_231 = tpu.memref_slice %arg7[%run_scoped3A, %dma_start3A_230] : memref<2x128xi32, #tpu.memory_space<vmem>> -> memref<1x128xi32, #tpu.memory_space<vmem>>
        %dma_start3A_232 = tpu.memref_squeeze %dma_start3A_231 : memref<1x128xi32, #tpu.memory_space<vmem>> -> memref<128xi32, #tpu.memory_space<vmem>>
        %dma_start3A_233 = arith.constant 0 : i32
        %dma_start3A_234 = arith.constant 0 : i32
        %dma_start3A_235 = tpu.memref_slice %arg9[%dma_start3A_233, %dma_start3A_234] : memref<10240x128xf32, #tpu.memory_space<vmem_shared>> -> memref<10240x128xf32, #tpu.memory_space<vmem_shared>>
        tpu.enqueue_indirect_dma source(%arg8 : memref<128x128xf32, #tpu.memory_space<vmem>>) target(%dma_start3A_235 : memref<10240x128xf32, #tpu.memory_space<vmem_shared>>) offsets(%dma_start3A_232 : memref<128xi32, #tpu.memory_space<vmem>>) semaphore(%run_scoped3A_229 : memref<!tpu.dma_semaphore, #tpu.memory_space<semaphore_mem>>) {add = true}
        %dma_wait3A_236 = arith.constant 0 : i32
        %dma_wait3A_237 = tpu.memref_slice %arg7[%run_scoped3A, %dma_wait3A_236] : memref<2x128xi32, #tpu.memory_space<vmem>> -> memref<1x128xi32, #tpu.memory_space<vmem>>
        %dma_wait3A_238 = tpu.memref_squeeze %dma_wait3A_237 : memref<1x128xi32, #tpu.memory_space<vmem>> -> memref<128xi32, #tpu.memory_space<vmem>>
        %dma_wait3A_239 = arith.constant 0 : i32
        %dma_wait3A_240 = arith.constant 0 : i32
        %dma_wait3A_241 = tpu.memref_slice %arg9[%dma_wait3A_239, %dma_wait3A_240] : memref<10240x128xf32, #tpu.memory_space<vmem_shared>> -> memref<10240x128xf32, #tpu.memory_space<vmem_shared>>
        tpu.wait_indirect_dma semaphore(%run_scoped3A_229 : memref<!tpu.dma_semaphore, #tpu.memory_space<semaphore_mem>>) src(%arg8 : memref<128x128xf32, #tpu.memory_space<vmem>>) dst(%dma_wait3A_241 : memref<10240x128xf32, #tpu.memory_space<vmem_shared>>)
        tpu.yield
      }) : () -> ()
      %scan3A_228 = arith.constant 0 : i32
      scf.yield %scan3A_228 : i32
    }
    %scan3A_36 = arith.constant 80 : i32
    %barrier3A_37 = arith.constant 0 : index
    tpu.barrier barrier_id(%barrier3A_37)
    %mul3A_38 = arith.constant 640 : i32
    %mul3A_39 = arith.muli %arg1, %mul3A_38 : i32
    %mul3A_40 = arith.constant 640 : i32
    %mul3A_41 = arith.muli %arg1, %mul3A_40 : i32
    "tpu.region"() ({
      %run_scoped3A = tpu.sem_alloc : memref<!tpu.dma_semaphore, #tpu.memory_space<semaphore_mem>>
      %dma_start3A = arith.constant 0 : i32
      %dma_start3A_42 = arith.constant 0 : i32
      %dma_start3A_43 = tpu.memref_slice %arg4[%arg0, %dma_start3A, %dma_start3A_42] : memref<2x10240x128xf32, #tpu.memory_space<hbm>> -> memref<1x10240x128xf32, #tpu.memory_space<hbm>>
      %dma_start3A_44 = tpu.memref_squeeze %dma_start3A_43 : memref<1x10240x128xf32, #tpu.memory_space<hbm>> -> memref<10240x128xf32, #tpu.memory_space<hbm>>
      %dma_start3A_45 = arith.constant 0 : i32
      %dma_start3A_46 = tpu.memref_slice %dma_start3A_44[%mul3A_41, %dma_start3A_45] : memref<10240x128xf32, #tpu.memory_space<hbm>> -> memref<640x128xf32, #tpu.memory_space<hbm>>
      %dma_start3A_47 = arith.constant 0 : i32
      %dma_start3A_48 = tpu.memref_slice %arg9[%mul3A_39, %dma_start3A_47] : memref<10240x128xf32, #tpu.memory_space<vmem_shared>> -> memref<640x128xf32, #tpu.memory_space<vmem_shared>>
      tpu.enqueue_dma source(%dma_start3A_48 : memref<640x128xf32, #tpu.memory_space<vmem_shared>>) target(%dma_start3A_46 : memref<640x128xf32, #tpu.memory_space<hbm>>) target_semaphore(%run_scoped3A : memref<!tpu.dma_semaphore, #tpu.memory_space<semaphore_mem>>)
      %dma_wait3A = arith.constant 0 : i32
      %dma_wait3A_49 = arith.constant 0 : i32
      %dma_wait3A_50 = tpu.memref_slice %arg4[%arg0, %dma_wait3A, %dma_wait3A_49] : memref<2x10240x128xf32, #tpu.memory_space<hbm>> -> memref<1x10240x128xf32, #tpu.memory_space<hbm>>
      %dma_wait3A_51 = tpu.memref_squeeze %dma_wait3A_50 : memref<1x10240x128xf32, #tpu.memory_space<hbm>> -> memref<10240x128xf32, #tpu.memory_space<hbm>>
      %dma_wait3A_52 = arith.constant 0 : i32
      %dma_wait3A_53 = tpu.memref_slice %dma_wait3A_51[%mul3A_41, %dma_wait3A_52] : memref<10240x128xf32, #tpu.memory_space<hbm>> -> memref<640x128xf32, #tpu.memory_space<hbm>>
      %dma_wait3A_54 = arith.constant 0 : i32
      %dma_wait3A_55 = tpu.memref_slice %arg9[%mul3A_39, %dma_wait3A_54] : memref<10240x128xf32, #tpu.memory_space<vmem_shared>> -> memref<640x128xf32, #tpu.memory_space<vmem_shared>>
      tpu.wait_dma2 semaphore(%run_scoped3A : memref<!tpu.dma_semaphore, #tpu.memory_space<semaphore_mem>>) src(%dma_wait3A_55 : memref<640x128xf32, #tpu.memory_space<vmem_shared>>) dst(%dma_wait3A_53 : memref<640x128xf32, #tpu.memory_space<hbm>>)
      tpu.yield
    }) : () -> ()
    return
  }
}

#map = affine_map<(d0, d1) -> (0, 0)>
#map1 = affine_map<(d0, d1) -> (0, 0, 0)>
module attributes {stable_mosaic.version = 14 : i64} {
  func.func @_agg(%arg0: i32, %arg1: i32, %arg2: memref<10240x128xf32, #tpu.memory_space<hbm>>, %arg3: memref<2560x128xi32, #tpu.memory_space<hbm>>, %arg4: memref<2x10240x128xf32, #tpu.memory_space<hbm>>, %arg5: memref<80x128xi32, #tpu.memory_space<vmem>>, %arg6: memref<2x128xi32, #tpu.memory_space<vmem>>, %arg7: memref<2x128xi32, #tpu.memory_space<vmem>>, %arg8: memref<128x128xf32, #tpu.memory_space<vmem>>, %arg9: memref<10240x128xf32, #tpu.memory_space<vmem_shared>>, %arg10: memref<!tpu.dma_semaphore, #tpu.memory_space<semaphore_mem>>) attributes {dimension_semantics = [#tpu.dimension_semantics<core_parallel>, #tpu.dimension_semantics<subcore_parallel>], iteration_bounds = array<i64: 2, 16>, scalar_prefetch = 0 : i64, scratch_operands = 6 : i64, tpu.core_type = #tpu.core_type<sc_vector_subcore>, window_params = [{transform_indices = #map}, {transform_indices = #map}, {transform_indices = #map1}]} {
    %mul3A = arith.constant 2 : i32
    %mul3A_0 = arith.muli %arg1, %mul3A : i32
    %add3A = arith.addi %mul3A_0, %arg0 : i32
    %mul3A_1 = arith.constant 80 : i32
    %mul3A_2 = arith.muli %add3A, %mul3A_1 : i32
    "tpu.region"() ({
      %run_scoped3A = tpu.sem_alloc : memref<!tpu.dma_semaphore, #tpu.memory_space<semaphore_mem>>
      %dma_start3A = arith.constant 0 : i32
      %dma_start3A_42 = tpu.memref_slice %arg3[%mul3A_2, %dma_start3A] : memref<2560x128xi32, #tpu.memory_space<hbm>> -> memref<80x128xi32, #tpu.memory_space<hbm>>
      %dma_start3A_43 = arith.constant 0 : i32
      %dma_start3A_44 = tpu.memref_slice %arg3[%mul3A_2, %dma_start3A_43] : memref<2560x128xi32, #tpu.memory_space<hbm>> -> memref<80x128xi32, #tpu.memory_space<hbm>>
      tpu.enqueue_dma source(%dma_start3A_44 : memref<80x128xi32, #tpu.memory_space<hbm>>) target(%arg5 : memref<80x128xi32, #tpu.memory_space<vmem>>) target_semaphore(%run_scoped3A : memref<!tpu.dma_semaphore, #tpu.memory_space<semaphore_mem>>)
      %dma_wait3A = arith.constant 0 : i32
      %dma_wait3A_45 = tpu.memref_slice %arg3[%mul3A_2, %dma_wait3A] : memref<2560x128xi32, #tpu.memory_space<hbm>> -> memref<80x128xi32, #tpu.memory_space<hbm>>
      %dma_wait3A_46 = arith.constant 0 : i32
      %dma_wait3A_47 = tpu.memref_slice %arg3[%mul3A_2, %dma_wait3A_46] : memref<2560x128xi32, #tpu.memory_space<hbm>> -> memref<80x128xi32, #tpu.memory_space<hbm>>
      tpu.wait_dma2 semaphore(%run_scoped3A : memref<!tpu.dma_semaphore, #tpu.memory_space<semaphore_mem>>) src(%dma_wait3A_47 : memref<80x128xi32, #tpu.memory_space<hbm>>) dst(%arg5 : memref<80x128xi32, #tpu.memory_space<vmem>>)
      tpu.yield
    }) : () -> ()
    %broadcast_in_dim3A = arith.constant 0.000000e+00 : f32
    %broadcast_in_dim3A_3 = vector.broadcast %broadcast_in_dim3A : f32 to vector<16xf32>
    %scan3A = arith.constant 0 : i32
    %scan3A_4 = arith.constant 0 : i32
    %scan3A_5 = arith.constant 128 : i32
    %scan3A_6 = arith.addi %scan3A_4, %scan3A_5 : i32
    %scan3A_7 = arith.constant 1 : i32
    %scan3A_8 = scf.for %scan3A_42 = %scan3A_4 to %scan3A_6 step %scan3A_7 iter_args(%scan3A_43 = %scan3A) -> (i32)  : i32 {
      %swap3A = arith.index_cast %scan3A_42 : i32 to index
      %swap3A_44 = arith.constant 0 : index
      %swap3A_45 = tpu.vector_load %arg8[%swap3A, %swap3A_44] {strides = array<i32>} : memref<128x128xf32, #tpu.memory_space<vmem>>, vector<1x16xf32>,
      %swap3A_46 = vector.shape_cast %swap3A_45 : vector<1x16xf32> to vector<16xf32>
      %swap3A_47 = vector.shape_cast %broadcast_in_dim3A_3 : vector<16xf32> to vector<1x16xf32>
      tpu.vector_store %arg8[%swap3A, %swap3A_44], %swap3A_47 {strides = array<i32>} : memref<128x128xf32, #tpu.memory_space<vmem>>, vector<1x16xf32>,
      %swap3A_48 = arith.index_cast %scan3A_42 : i32 to index
      %swap3A_49 = arith.constant 16 : index
      %swap3A_50 = tpu.vector_load %arg8[%swap3A_48, %swap3A_49] {strides = array<i32>} : memref<128x128xf32, #tpu.memory_space<vmem>>, vector<1x16xf32>,
      %swap3A_51 = vector.shape_cast %swap3A_50 : vector<1x16xf32> to vector<16xf32>
      %swap3A_52 = vector.shape_cast %broadcast_in_dim3A_3 : vector<16xf32> to vector<1x16xf32>
      tpu.vector_store %arg8[%swap3A_48, %swap3A_49], %swap3A_52 {strides = array<i32>} : memref<128x128xf32, #tpu.memory_space<vmem>>, vector<1x16xf32>,
      %swap3A_53 = arith.index_cast %scan3A_42 : i32 to index
      %swap3A_54 = arith.constant 32 : index
      %swap3A_55 = tpu.vector_load %arg8[%swap3A_53, %swap3A_54] {strides = array<i32>} : memref<128x128xf32, #tpu.memory_space<vmem>>, vector<1x16xf32>,
      %swap3A_56 = vector.shape_cast %swap3A_55 : vector<1x16xf32> to vector<16xf32>
      %swap3A_57 = vector.shape_cast %broadcast_in_dim3A_3 : vector<16xf32> to vector<1x16xf32>
      tpu.vector_store %arg8[%swap3A_53, %swap3A_54], %swap3A_57 {strides = array<i32>} : memref<128x128xf32, #tpu.memory_space<vmem>>, vector<1x16xf32>,
      %swap3A_58 = arith.index_cast %scan3A_42 : i32 to index
      %swap3A_59 = arith.constant 48 : index
      %swap3A_60 = tpu.vector_load %arg8[%swap3A_58, %swap3A_59] {strides = array<i32>} : memref<128x128xf32, #tpu.memory_space<vmem>>, vector<1x16xf32>,
      %swap3A_61 = vector.shape_cast %swap3A_60 : vector<1x16xf32> to vector<16xf32>
      %swap3A_62 = vector.shape_cast %broadcast_in_dim3A_3 : vector<16xf32> to vector<1x16xf32>
      tpu.vector_store %arg8[%swap3A_58, %swap3A_59], %swap3A_62 {strides = array<i32>} : memref<128x128xf32, #tpu.memory_space<vmem>>, vector<1x16xf32>,
      %swap3A_63 = arith.index_cast %scan3A_42 : i32 to index
      %swap3A_64 = arith.constant 64 : index
      %swap3A_65 = tpu.vector_load %arg8[%swap3A_63, %swap3A_64] {strides = array<i32>} : memref<128x128xf32, #tpu.memory_space<vmem>>, vector<1x16xf32>,
      %swap3A_66 = vector.shape_cast %swap3A_65 : vector<1x16xf32> to vector<16xf32>
      %swap3A_67 = vector.shape_cast %broadcast_in_dim3A_3 : vector<16xf32> to vector<1x16xf32>
      tpu.vector_store %arg8[%swap3A_63, %swap3A_64], %swap3A_67 {strides = array<i32>} : memref<128x128xf32, #tpu.memory_space<vmem>>, vector<1x16xf32>,
      %swap3A_68 = arith.index_cast %scan3A_42 : i32 to index
      %swap3A_69 = arith.constant 80 : index
      %swap3A_70 = tpu.vector_load %arg8[%swap3A_68, %swap3A_69] {strides = array<i32>} : memref<128x128xf32, #tpu.memory_space<vmem>>, vector<1x16xf32>,
      %swap3A_71 = vector.shape_cast %swap3A_70 : vector<1x16xf32> to vector<16xf32>
      %swap3A_72 = vector.shape_cast %broadcast_in_dim3A_3 : vector<16xf32> to vector<1x16xf32>
      tpu.vector_store %arg8[%swap3A_68, %swap3A_69], %swap3A_72 {strides = array<i32>} : memref<128x128xf32, #tpu.memory_space<vmem>>, vector<1x16xf32>,
      %swap3A_73 = arith.index_cast %scan3A_42 : i32 to index
      %swap3A_74 = arith.constant 96 : index
      %swap3A_75 = tpu.vector_load %arg8[%swap3A_73, %swap3A_74] {strides = array<i32>} : memref<128x128xf32, #tpu.memory_space<vmem>>, vector<1x16xf32>,
      %swap3A_76 = vector.shape_cast %swap3A_75 : vector<1x16xf32> to vector<16xf32>
      %swap3A_77 = vector.shape_cast %broadcast_in_dim3A_3 : vector<16xf32> to vector<1x16xf32>
      tpu.vector_store %arg8[%swap3A_73, %swap3A_74], %swap3A_77 {strides = array<i32>} : memref<128x128xf32, #tpu.memory_space<vmem>>, vector<1x16xf32>,
      %swap3A_78 = arith.index_cast %scan3A_42 : i32 to index
      %swap3A_79 = arith.constant 112 : index
      %swap3A_80 = tpu.vector_load %arg8[%swap3A_78, %swap3A_79] {strides = array<i32>} : memref<128x128xf32, #tpu.memory_space<vmem>>, vector<1x16xf32>,
      %swap3A_81 = vector.shape_cast %swap3A_80 : vector<1x16xf32> to vector<16xf32>
      %swap3A_82 = vector.shape_cast %broadcast_in_dim3A_3 : vector<16xf32> to vector<1x16xf32>
      tpu.vector_store %arg8[%swap3A_78, %swap3A_79], %swap3A_82 {strides = array<i32>} : memref<128x128xf32, #tpu.memory_space<vmem>>, vector<1x16xf32>,
      %scan3A_83 = arith.constant 0 : i32
      scf.yield %scan3A_83 : i32
    }
    %scan3A_9 = arith.constant 128 : i32
    %mul3A_10 = arith.constant 640 : i32
    %mul3A_11 = arith.muli %arg1, %mul3A_10 : i32
    %add3A_12 = arith.constant 0 : i32
    %add3A_13 = arith.addi %mul3A_11, %add3A_12 : i32
    "tpu.region"() ({
      %run_scoped3A = tpu.sem_alloc : memref<!tpu.dma_semaphore, #tpu.memory_space<semaphore_mem>>
      %dma_start3A = arith.constant 0 : i32
      %dma_start3A_42 = tpu.memref_slice %arg9[%add3A_13, %dma_start3A] : memref<10240x128xf32, #tpu.memory_space<vmem_shared>> -> memref<128x128xf32, #tpu.memory_space<vmem_shared>>
      %dma_start3A_43 = arith.constant 0 : i32
      %dma_start3A_44 = tpu.memref_slice %arg9[%add3A_13, %dma_start3A_43] : memref<10240x128xf32, #tpu.memory_space<vmem_shared>> -> memref<128x128xf32, #tpu.memory_space<vmem_shared>>
      tpu.enqueue_dma source(%arg8 : memref<128x128xf32, #tpu.memory_space<vmem>>) target(%dma_start3A_44 : memref<128x128xf32, #tpu.memory_space<vmem_shared>>) target_semaphore(%run_scoped3A : memref<!tpu.dma_semaphore, #tpu.memory_space<semaphore_mem>>)
      %dma_wait3A = arith.constant 0 : i32
      %dma_wait3A_45 = tpu.memref_slice %arg9[%add3A_13, %dma_wait3A] : memref<10240x128xf32, #tpu.memory_space<vmem_shared>> -> memref<128x128xf32, #tpu.memory_space<vmem_shared>>
      %dma_wait3A_46 = arith.constant 0 : i32
      %dma_wait3A_47 = tpu.memref_slice %arg9[%add3A_13, %dma_wait3A_46] : memref<10240x128xf32, #tpu.memory_space<vmem_shared>> -> memref<128x128xf32, #tpu.memory_space<vmem_shared>>
      tpu.wait_dma2 semaphore(%run_scoped3A : memref<!tpu.dma_semaphore, #tpu.memory_space<semaphore_mem>>) src(%arg8 : memref<128x128xf32, #tpu.memory_space<vmem>>) dst(%dma_wait3A_47 : memref<128x128xf32, #tpu.memory_space<vmem_shared>>)
      tpu.yield
    }) : () -> ()
    %mul3A_14 = arith.constant 640 : i32
    %mul3A_15 = arith.muli %arg1, %mul3A_14 : i32
    %add3A_16 = arith.constant 128 : i32
    %add3A_17 = arith.addi %mul3A_15, %add3A_16 : i32
    "tpu.region"() ({
      %run_scoped3A = tpu.sem_alloc : memref<!tpu.dma_semaphore, #tpu.memory_space<semaphore_mem>>
      %dma_start3A = arith.constant 0 : i32
      %dma_start3A_42 = tpu.memref_slice %arg9[%add3A_17, %dma_start3A] : memref<10240x128xf32, #tpu.memory_space<vmem_shared>> -> memref<128x128xf32, #tpu.memory_space<vmem_shared>>
      %dma_start3A_43 = arith.constant 0 : i32
      %dma_start3A_44 = tpu.memref_slice %arg9[%add3A_17, %dma_start3A_43] : memref<10240x128xf32, #tpu.memory_space<vmem_shared>> -> memref<128x128xf32, #tpu.memory_space<vmem_shared>>
      tpu.enqueue_dma source(%arg8 : memref<128x128xf32, #tpu.memory_space<vmem>>) target(%dma_start3A_44 : memref<128x128xf32, #tpu.memory_space<vmem_shared>>) target_semaphore(%run_scoped3A : memref<!tpu.dma_semaphore, #tpu.memory_space<semaphore_mem>>)
      %dma_wait3A = arith.constant 0 : i32
      %dma_wait3A_45 = tpu.memref_slice %arg9[%add3A_17, %dma_wait3A] : memref<10240x128xf32, #tpu.memory_space<vmem_shared>> -> memref<128x128xf32, #tpu.memory_space<vmem_shared>>
      %dma_wait3A_46 = arith.constant 0 : i32
      %dma_wait3A_47 = tpu.memref_slice %arg9[%add3A_17, %dma_wait3A_46] : memref<10240x128xf32, #tpu.memory_space<vmem_shared>> -> memref<128x128xf32, #tpu.memory_space<vmem_shared>>
      tpu.wait_dma2 semaphore(%run_scoped3A : memref<!tpu.dma_semaphore, #tpu.memory_space<semaphore_mem>>) src(%arg8 : memref<128x128xf32, #tpu.memory_space<vmem>>) dst(%dma_wait3A_47 : memref<128x128xf32, #tpu.memory_space<vmem_shared>>)
      tpu.yield
    }) : () -> ()
    %mul3A_18 = arith.constant 640 : i32
    %mul3A_19 = arith.muli %arg1, %mul3A_18 : i32
    %add3A_20 = arith.constant 256 : i32
    %add3A_21 = arith.addi %mul3A_19, %add3A_20 : i32
    "tpu.region"() ({
      %run_scoped3A = tpu.sem_alloc : memref<!tpu.dma_semaphore, #tpu.memory_space<semaphore_mem>>
      %dma_start3A = arith.constant 0 : i32
      %dma_start3A_42 = tpu.memref_slice %arg9[%add3A_21, %dma_start3A] : memref<10240x128xf32, #tpu.memory_space<vmem_shared>> -> memref<128x128xf32, #tpu.memory_space<vmem_shared>>
      %dma_start3A_43 = arith.constant 0 : i32
      %dma_start3A_44 = tpu.memref_slice %arg9[%add3A_21, %dma_start3A_43] : memref<10240x128xf32, #tpu.memory_space<vmem_shared>> -> memref<128x128xf32, #tpu.memory_space<vmem_shared>>
      tpu.enqueue_dma source(%arg8 : memref<128x128xf32, #tpu.memory_space<vmem>>) target(%dma_start3A_44 : memref<128x128xf32, #tpu.memory_space<vmem_shared>>) target_semaphore(%run_scoped3A : memref<!tpu.dma_semaphore, #tpu.memory_space<semaphore_mem>>)
      %dma_wait3A = arith.constant 0 : i32
      %dma_wait3A_45 = tpu.memref_slice %arg9[%add3A_21, %dma_wait3A] : memref<10240x128xf32, #tpu.memory_space<vmem_shared>> -> memref<128x128xf32, #tpu.memory_space<vmem_shared>>
      %dma_wait3A_46 = arith.constant 0 : i32
      %dma_wait3A_47 = tpu.memref_slice %arg9[%add3A_21, %dma_wait3A_46] : memref<10240x128xf32, #tpu.memory_space<vmem_shared>> -> memref<128x128xf32, #tpu.memory_space<vmem_shared>>
      tpu.wait_dma2 semaphore(%run_scoped3A : memref<!tpu.dma_semaphore, #tpu.memory_space<semaphore_mem>>) src(%arg8 : memref<128x128xf32, #tpu.memory_space<vmem>>) dst(%dma_wait3A_47 : memref<128x128xf32, #tpu.memory_space<vmem_shared>>)
      tpu.yield
    }) : () -> ()
    %mul3A_22 = arith.constant 640 : i32
    %mul3A_23 = arith.muli %arg1, %mul3A_22 : i32
    %add3A_24 = arith.constant 384 : i32
    %add3A_25 = arith.addi %mul3A_23, %add3A_24 : i32
    "tpu.region"() ({
      %run_scoped3A = tpu.sem_alloc : memref<!tpu.dma_semaphore, #tpu.memory_space<semaphore_mem>>
      %dma_start3A = arith.constant 0 : i32
      %dma_start3A_42 = tpu.memref_slice %arg9[%add3A_25, %dma_start3A] : memref<10240x128xf32, #tpu.memory_space<vmem_shared>> -> memref<128x128xf32, #tpu.memory_space<vmem_shared>>
      %dma_start3A_43 = arith.constant 0 : i32
      %dma_start3A_44 = tpu.memref_slice %arg9[%add3A_25, %dma_start3A_43] : memref<10240x128xf32, #tpu.memory_space<vmem_shared>> -> memref<128x128xf32, #tpu.memory_space<vmem_shared>>
      tpu.enqueue_dma source(%arg8 : memref<128x128xf32, #tpu.memory_space<vmem>>) target(%dma_start3A_44 : memref<128x128xf32, #tpu.memory_space<vmem_shared>>) target_semaphore(%run_scoped3A : memref<!tpu.dma_semaphore, #tpu.memory_space<semaphore_mem>>)
      %dma_wait3A = arith.constant 0 : i32
      %dma_wait3A_45 = tpu.memref_slice %arg9[%add3A_25, %dma_wait3A] : memref<10240x128xf32, #tpu.memory_space<vmem_shared>> -> memref<128x128xf32, #tpu.memory_space<vmem_shared>>
      %dma_wait3A_46 = arith.constant 0 : i32
      %dma_wait3A_47 = tpu.memref_slice %arg9[%add3A_25, %dma_wait3A_46] : memref<10240x128xf32, #tpu.memory_space<vmem_shared>> -> memref<128x128xf32, #tpu.memory_space<vmem_shared>>
      tpu.wait_dma2 semaphore(%run_scoped3A : memref<!tpu.dma_semaphore, #tpu.memory_space<semaphore_mem>>) src(%arg8 : memref<128x128xf32, #tpu.memory_space<vmem>>) dst(%dma_wait3A_47 : memref<128x128xf32, #tpu.memory_space<vmem_shared>>)
      tpu.yield
    }) : () -> ()
    %mul3A_26 = arith.constant 640 : i32
    %mul3A_27 = arith.muli %arg1, %mul3A_26 : i32
    %add3A_28 = arith.constant 512 : i32
    %add3A_29 = arith.addi %mul3A_27, %add3A_28 : i32
    "tpu.region"() ({
      %run_scoped3A = tpu.sem_alloc : memref<!tpu.dma_semaphore, #tpu.memory_space<semaphore_mem>>
      %dma_start3A = arith.constant 0 : i32
      %dma_start3A_42 = tpu.memref_slice %arg9[%add3A_29, %dma_start3A] : memref<10240x128xf32, #tpu.memory_space<vmem_shared>> -> memref<128x128xf32, #tpu.memory_space<vmem_shared>>
      %dma_start3A_43 = arith.constant 0 : i32
      %dma_start3A_44 = tpu.memref_slice %arg9[%add3A_29, %dma_start3A_43] : memref<10240x128xf32, #tpu.memory_space<vmem_shared>> -> memref<128x128xf32, #tpu.memory_space<vmem_shared>>
      tpu.enqueue_dma source(%arg8 : memref<128x128xf32, #tpu.memory_space<vmem>>) target(%dma_start3A_44 : memref<128x128xf32, #tpu.memory_space<vmem_shared>>) target_semaphore(%run_scoped3A : memref<!tpu.dma_semaphore, #tpu.memory_space<semaphore_mem>>)
      %dma_wait3A = arith.constant 0 : i32
      %dma_wait3A_45 = tpu.memref_slice %arg9[%add3A_29, %dma_wait3A] : memref<10240x128xf32, #tpu.memory_space<vmem_shared>> -> memref<128x128xf32, #tpu.memory_space<vmem_shared>>
      %dma_wait3A_46 = arith.constant 0 : i32
      %dma_wait3A_47 = tpu.memref_slice %arg9[%add3A_29, %dma_wait3A_46] : memref<10240x128xf32, #tpu.memory_space<vmem_shared>> -> memref<128x128xf32, #tpu.memory_space<vmem_shared>>
      tpu.wait_dma2 semaphore(%run_scoped3A : memref<!tpu.dma_semaphore, #tpu.memory_space<semaphore_mem>>) src(%arg8 : memref<128x128xf32, #tpu.memory_space<vmem>>) dst(%dma_wait3A_47 : memref<128x128xf32, #tpu.memory_space<vmem_shared>>)
      tpu.yield
    }) : () -> ()
    %barrier3A = arith.constant 0 : index
    tpu.barrier barrier_id(%barrier3A)
    %scan3A_30 = arith.constant 0 : i32
    %scan3A_31 = arith.constant 0 : i32
    %scan3A_32 = arith.constant 80 : i32
    %scan3A_33 = arith.addi %scan3A_31, %scan3A_32 : i32
    %scan3A_34 = arith.constant 1 : i32
    %scan3A_35 = scf.for %scan3A_42 = %scan3A_31 to %scan3A_33 step %scan3A_34 iter_args(%scan3A_43 = %scan3A_30) -> (i32)  : i32 {
      %get3A = arith.index_cast %scan3A_42 : i32 to index
      %get3A_44 = arith.constant 0 : index
      %get3A_45 = tpu.vector_load %arg5[%get3A, %get3A_44] {strides = array<i32>} : memref<80x128xi32, #tpu.memory_space<vmem>>, vector<1x16xi32>,
      %get3A_46 = vector.shape_cast %get3A_45 : vector<1x16xi32> to vector<16xi32>
      %shift_right_logical3A = arith.constant 14 : i32
      %shift_right_logical3A_47 = vector.broadcast %shift_right_logical3A : i32 to vector<16xi32>
      %shift_right_logical3A_48 = arith.shrui %get3A_46, %shift_right_logical3A_47 : vector<16xi32>
      %swap3A = arith.constant 0 : i32
      %swap3A_49 = arith.index_cast %swap3A : i32 to index
      %swap3A_50 = arith.constant 0 : index
      %swap3A_51 = tpu.vector_load %arg6[%swap3A_49, %swap3A_50] {strides = array<i32>} : memref<2x128xi32, #tpu.memory_space<vmem>>, vector<1x16xi32>,
      %swap3A_52 = vector.shape_cast %swap3A_51 : vector<1x16xi32> to vector<16xi32>
      %swap3A_53 = vector.shape_cast %shift_right_logical3A_48 : vector<16xi32> to vector<1x16xi32>
      tpu.vector_store %arg6[%swap3A_49, %swap3A_50], %swap3A_53 {strides = array<i32>} : memref<2x128xi32, #tpu.memory_space<vmem>>, vector<1x16xi32>,
      %and3A = arith.constant 16383 : i32
      %and3A_54 = vector.broadcast %and3A : i32 to vector<16xi32>
      %and3A_55 = arith.andi %get3A_46, %and3A_54 : vector<16xi32>
      %swap3A_56 = arith.constant 0 : i32
      %swap3A_57 = arith.index_cast %swap3A_56 : i32 to index
      %swap3A_58 = arith.constant 0 : index
      %swap3A_59 = tpu.vector_load %arg7[%swap3A_57, %swap3A_58] {strides = array<i32>} : memref<2x128xi32, #tpu.memory_space<vmem>>, vector<1x16xi32>,
      %swap3A_60 = vector.shape_cast %swap3A_59 : vector<1x16xi32> to vector<16xi32>
      %swap3A_61 = vector.shape_cast %and3A_55 : vector<16xi32> to vector<1x16xi32>
      tpu.vector_store %arg7[%swap3A_57, %swap3A_58], %swap3A_61 {strides = array<i32>} : memref<2x128xi32, #tpu.memory_space<vmem>>, vector<1x16xi32>,
      %get3A_62 = arith.index_cast %scan3A_42 : i32 to index
      %get3A_63 = arith.constant 16 : index
      %get3A_64 = tpu.vector_load %arg5[%get3A_62, %get3A_63] {strides = array<i32>} : memref<80x128xi32, #tpu.memory_space<vmem>>, vector<1x16xi32>,
      %get3A_65 = vector.shape_cast %get3A_64 : vector<1x16xi32> to vector<16xi32>
      %shift_right_logical3A_66 = arith.constant 14 : i32
      %shift_right_logical3A_67 = vector.broadcast %shift_right_logical3A_66 : i32 to vector<16xi32>
      %shift_right_logical3A_68 = arith.shrui %get3A_65, %shift_right_logical3A_67 : vector<16xi32>
      %swap3A_69 = arith.constant 0 : i32
      %swap3A_70 = arith.index_cast %swap3A_69 : i32 to index
      %swap3A_71 = arith.constant 16 : index
      %swap3A_72 = tpu.vector_load %arg6[%swap3A_70, %swap3A_71] {strides = array<i32>} : memref<2x128xi32, #tpu.memory_space<vmem>>, vector<1x16xi32>,
      %swap3A_73 = vector.shape_cast %swap3A_72 : vector<1x16xi32> to vector<16xi32>
      %swap3A_74 = vector.shape_cast %shift_right_logical3A_68 : vector<16xi32> to vector<1x16xi32>
      tpu.vector_store %arg6[%swap3A_70, %swap3A_71], %swap3A_74 {strides = array<i32>} : memref<2x128xi32, #tpu.memory_space<vmem>>, vector<1x16xi32>,
      %and3A_75 = arith.constant 16383 : i32
      %and3A_76 = vector.broadcast %and3A_75 : i32 to vector<16xi32>
      %and3A_77 = arith.andi %get3A_65, %and3A_76 : vector<16xi32>
      %swap3A_78 = arith.constant 0 : i32
      %swap3A_79 = arith.index_cast %swap3A_78 : i32 to index
      %swap3A_80 = arith.constant 16 : index
      %swap3A_81 = tpu.vector_load %arg7[%swap3A_79, %swap3A_80] {strides = array<i32>} : memref<2x128xi32, #tpu.memory_space<vmem>>, vector<1x16xi32>,
      %swap3A_82 = vector.shape_cast %swap3A_81 : vector<1x16xi32> to vector<16xi32>
      %swap3A_83 = vector.shape_cast %and3A_77 : vector<16xi32> to vector<1x16xi32>
      tpu.vector_store %arg7[%swap3A_79, %swap3A_80], %swap3A_83 {strides = array<i32>} : memref<2x128xi32, #tpu.memory_space<vmem>>, vector<1x16xi32>,
      %get3A_84 = arith.index_cast %scan3A_42 : i32 to index
      %get3A_85 = arith.constant 32 : index
      %get3A_86 = tpu.vector_load %arg5[%get3A_84, %get3A_85] {strides = array<i32>} : memref<80x128xi32, #tpu.memory_space<vmem>>, vector<1x16xi32>,
      %get3A_87 = vector.shape_cast %get3A_86 : vector<1x16xi32> to vector<16xi32>
      %shift_right_logical3A_88 = arith.constant 14 : i32
      %shift_right_logical3A_89 = vector.broadcast %shift_right_logical3A_88 : i32 to vector<16xi32>
      %shift_right_logical3A_90 = arith.shrui %get3A_87, %shift_right_logical3A_89 : vector<16xi32>
      %swap3A_91 = arith.constant 0 : i32
      %swap3A_92 = arith.index_cast %swap3A_91 : i32 to index
      %swap3A_93 = arith.constant 32 : index
      %swap3A_94 = tpu.vector_load %arg6[%swap3A_92, %swap3A_93] {strides = array<i32>} : memref<2x128xi32, #tpu.memory_space<vmem>>, vector<1x16xi32>,
      %swap3A_95 = vector.shape_cast %swap3A_94 : vector<1x16xi32> to vector<16xi32>
      %swap3A_96 = vector.shape_cast %shift_right_logical3A_90 : vector<16xi32> to vector<1x16xi32>
      tpu.vector_store %arg6[%swap3A_92, %swap3A_93], %swap3A_96 {strides = array<i32>} : memref<2x128xi32, #tpu.memory_space<vmem>>, vector<1x16xi32>,
      %and3A_97 = arith.constant 16383 : i32
      %and3A_98 = vector.broadcast %and3A_97 : i32 to vector<16xi32>
      %and3A_99 = arith.andi %get3A_87, %and3A_98 : vector<16xi32>
      %swap3A_100 = arith.constant 0 : i32
      %swap3A_101 = arith.index_cast %swap3A_100 : i32 to index
      %swap3A_102 = arith.constant 32 : index
      %swap3A_103 = tpu.vector_load %arg7[%swap3A_101, %swap3A_102] {strides = array<i32>} : memref<2x128xi32, #tpu.memory_space<vmem>>, vector<1x16xi32>,
      %swap3A_104 = vector.shape_cast %swap3A_103 : vector<1x16xi32> to vector<16xi32>
      %swap3A_105 = vector.shape_cast %and3A_99 : vector<16xi32> to vector<1x16xi32>
      tpu.vector_store %arg7[%swap3A_101, %swap3A_102], %swap3A_105 {strides = array<i32>} : memref<2x128xi32, #tpu.memory_space<vmem>>, vector<1x16xi32>,
      %get3A_106 = arith.index_cast %scan3A_42 : i32 to index
      %get3A_107 = arith.constant 48 : index
      %get3A_108 = tpu.vector_load %arg5[%get3A_106, %get3A_107] {strides = array<i32>} : memref<80x128xi32, #tpu.memory_space<vmem>>, vector<1x16xi32>,
      %get3A_109 = vector.shape_cast %get3A_108 : vector<1x16xi32> to vector<16xi32>
      %shift_right_logical3A_110 = arith.constant 14 : i32
      %shift_right_logical3A_111 = vector.broadcast %shift_right_logical3A_110 : i32 to vector<16xi32>
      %shift_right_logical3A_112 = arith.shrui %get3A_109, %shift_right_logical3A_111 : vector<16xi32>
      %swap3A_113 = arith.constant 0 : i32
      %swap3A_114 = arith.index_cast %swap3A_113 : i32 to index
      %swap3A_115 = arith.constant 48 : index
      %swap3A_116 = tpu.vector_load %arg6[%swap3A_114, %swap3A_115] {strides = array<i32>} : memref<2x128xi32, #tpu.memory_space<vmem>>, vector<1x16xi32>,
      %swap3A_117 = vector.shape_cast %swap3A_116 : vector<1x16xi32> to vector<16xi32>
      %swap3A_118 = vector.shape_cast %shift_right_logical3A_112 : vector<16xi32> to vector<1x16xi32>
      tpu.vector_store %arg6[%swap3A_114, %swap3A_115], %swap3A_118 {strides = array<i32>} : memref<2x128xi32, #tpu.memory_space<vmem>>, vector<1x16xi32>,
      %and3A_119 = arith.constant 16383 : i32
      %and3A_120 = vector.broadcast %and3A_119 : i32 to vector<16xi32>
      %and3A_121 = arith.andi %get3A_109, %and3A_120 : vector<16xi32>
      %swap3A_122 = arith.constant 0 : i32
      %swap3A_123 = arith.index_cast %swap3A_122 : i32 to index
      %swap3A_124 = arith.constant 48 : index
      %swap3A_125 = tpu.vector_load %arg7[%swap3A_123, %swap3A_124] {strides = array<i32>} : memref<2x128xi32, #tpu.memory_space<vmem>>, vector<1x16xi32>,
      %swap3A_126 = vector.shape_cast %swap3A_125 : vector<1x16xi32> to vector<16xi32>
      %swap3A_127 = vector.shape_cast %and3A_121 : vector<16xi32> to vector<1x16xi32>
      tpu.vector_store %arg7[%swap3A_123, %swap3A_124], %swap3A_127 {strides = array<i32>} : memref<2x128xi32, #tpu.memory_space<vmem>>, vector<1x16xi32>,
      %get3A_128 = arith.index_cast %scan3A_42 : i32 to index
      %get3A_129 = arith.constant 64 : index
      %get3A_130 = tpu.vector_load %arg5[%get3A_128, %get3A_129] {strides = array<i32>} : memref<80x128xi32, #tpu.memory_space<vmem>>, vector<1x16xi32>,
      %get3A_131 = vector.shape_cast %get3A_130 : vector<1x16xi32> to vector<16xi32>
      %shift_right_logical3A_132 = arith.constant 14 : i32
      %shift_right_logical3A_133 = vector.broadcast %shift_right_logical3A_132 : i32 to vector<16xi32>
      %shift_right_logical3A_134 = arith.shrui %get3A_131, %shift_right_logical3A_133 : vector<16xi32>
      %swap3A_135 = arith.constant 0 : i32
      %swap3A_136 = arith.index_cast %swap3A_135 : i32 to index
      %swap3A_137 = arith.constant 64 : index
      %swap3A_138 = tpu.vector_load %arg6[%swap3A_136, %swap3A_137] {strides = array<i32>} : memref<2x128xi32, #tpu.memory_space<vmem>>, vector<1x16xi32>,
      %swap3A_139 = vector.shape_cast %swap3A_138 : vector<1x16xi32> to vector<16xi32>
      %swap3A_140 = vector.shape_cast %shift_right_logical3A_134 : vector<16xi32> to vector<1x16xi32>
      tpu.vector_store %arg6[%swap3A_136, %swap3A_137], %swap3A_140 {strides = array<i32>} : memref<2x128xi32, #tpu.memory_space<vmem>>, vector<1x16xi32>,
      %and3A_141 = arith.constant 16383 : i32
      %and3A_142 = vector.broadcast %and3A_141 : i32 to vector<16xi32>
      %and3A_143 = arith.andi %get3A_131, %and3A_142 : vector<16xi32>
      %swap3A_144 = arith.constant 0 : i32
      %swap3A_145 = arith.index_cast %swap3A_144 : i32 to index
      %swap3A_146 = arith.constant 64 : index
      %swap3A_147 = tpu.vector_load %arg7[%swap3A_145, %swap3A_146] {strides = array<i32>} : memref<2x128xi32, #tpu.memory_space<vmem>>, vector<1x16xi32>,
      %swap3A_148 = vector.shape_cast %swap3A_147 : vector<1x16xi32> to vector<16xi32>
      %swap3A_149 = vector.shape_cast %and3A_143 : vector<16xi32> to vector<1x16xi32>
      tpu.vector_store %arg7[%swap3A_145, %swap3A_146], %swap3A_149 {strides = array<i32>} : memref<2x128xi32, #tpu.memory_space<vmem>>, vector<1x16xi32>,
      %get3A_150 = arith.index_cast %scan3A_42 : i32 to index
      %get3A_151 = arith.constant 80 : index
      %get3A_152 = tpu.vector_load %arg5[%get3A_150, %get3A_151] {strides = array<i32>} : memref<80x128xi32, #tpu.memory_space<vmem>>, vector<1x16xi32>,
      %get3A_153 = vector.shape_cast %get3A_152 : vector<1x16xi32> to vector<16xi32>
      %shift_right_logical3A_154 = arith.constant 14 : i32
      %shift_right_logical3A_155 = vector.broadcast %shift_right_logical3A_154 : i32 to vector<16xi32>
      %shift_right_logical3A_156 = arith.shrui %get3A_153, %shift_right_logical3A_155 : vector<16xi32>
      %swap3A_157 = arith.constant 0 : i32
      %swap3A_158 = arith.index_cast %swap3A_157 : i32 to index
      %swap3A_159 = arith.constant 80 : index
      %swap3A_160 = tpu.vector_load %arg6[%swap3A_158, %swap3A_159] {strides = array<i32>} : memref<2x128xi32, #tpu.memory_space<vmem>>, vector<1x16xi32>,
      %swap3A_161 = vector.shape_cast %swap3A_160 : vector<1x16xi32> to vector<16xi32>
      %swap3A_162 = vector.shape_cast %shift_right_logical3A_156 : vector<16xi32> to vector<1x16xi32>
      tpu.vector_store %arg6[%swap3A_158, %swap3A_159], %swap3A_162 {strides = array<i32>} : memref<2x128xi32, #tpu.memory_space<vmem>>, vector<1x16xi32>,
      %and3A_163 = arith.constant 16383 : i32
      %and3A_164 = vector.broadcast %and3A_163 : i32 to vector<16xi32>
      %and3A_165 = arith.andi %get3A_153, %and3A_164 : vector<16xi32>
      %swap3A_166 = arith.constant 0 : i32
      %swap3A_167 = arith.index_cast %swap3A_166 : i32 to index
      %swap3A_168 = arith.constant 80 : index
      %swap3A_169 = tpu.vector_load %arg7[%swap3A_167, %swap3A_168] {strides = array<i32>} : memref<2x128xi32, #tpu.memory_space<vmem>>, vector<1x16xi32>,
      %swap3A_170 = vector.shape_cast %swap3A_169 : vector<1x16xi32> to vector<16xi32>
      %swap3A_171 = vector.shape_cast %and3A_165 : vector<16xi32> to vector<1x16xi32>
      tpu.vector_store %arg7[%swap3A_167, %swap3A_168], %swap3A_171 {strides = array<i32>} : memref<2x128xi32, #tpu.memory_space<vmem>>, vector<1x16xi32>,
      %get3A_172 = arith.index_cast %scan3A_42 : i32 to index
      %get3A_173 = arith.constant 96 : index
      %get3A_174 = tpu.vector_load %arg5[%get3A_172, %get3A_173] {strides = array<i32>} : memref<80x128xi32, #tpu.memory_space<vmem>>, vector<1x16xi32>,
      %get3A_175 = vector.shape_cast %get3A_174 : vector<1x16xi32> to vector<16xi32>
      %shift_right_logical3A_176 = arith.constant 14 : i32
      %shift_right_logical3A_177 = vector.broadcast %shift_right_logical3A_176 : i32 to vector<16xi32>
      %shift_right_logical3A_178 = arith.shrui %get3A_175, %shift_right_logical3A_177 : vector<16xi32>
      %swap3A_179 = arith.constant 0 : i32
      %swap3A_180 = arith.index_cast %swap3A_179 : i32 to index
      %swap3A_181 = arith.constant 96 : index
      %swap3A_182 = tpu.vector_load %arg6[%swap3A_180, %swap3A_181] {strides = array<i32>} : memref<2x128xi32, #tpu.memory_space<vmem>>, vector<1x16xi32>,
      %swap3A_183 = vector.shape_cast %swap3A_182 : vector<1x16xi32> to vector<16xi32>
      %swap3A_184 = vector.shape_cast %shift_right_logical3A_178 : vector<16xi32> to vector<1x16xi32>
      tpu.vector_store %arg6[%swap3A_180, %swap3A_181], %swap3A_184 {strides = array<i32>} : memref<2x128xi32, #tpu.memory_space<vmem>>, vector<1x16xi32>,
      %and3A_185 = arith.constant 16383 : i32
      %and3A_186 = vector.broadcast %and3A_185 : i32 to vector<16xi32>
      %and3A_187 = arith.andi %get3A_175, %and3A_186 : vector<16xi32>
      %swap3A_188 = arith.constant 0 : i32
      %swap3A_189 = arith.index_cast %swap3A_188 : i32 to index
      %swap3A_190 = arith.constant 96 : index
      %swap3A_191 = tpu.vector_load %arg7[%swap3A_189, %swap3A_190] {strides = array<i32>} : memref<2x128xi32, #tpu.memory_space<vmem>>, vector<1x16xi32>,
      %swap3A_192 = vector.shape_cast %swap3A_191 : vector<1x16xi32> to vector<16xi32>
      %swap3A_193 = vector.shape_cast %and3A_187 : vector<16xi32> to vector<1x16xi32>
      tpu.vector_store %arg7[%swap3A_189, %swap3A_190], %swap3A_193 {strides = array<i32>} : memref<2x128xi32, #tpu.memory_space<vmem>>, vector<1x16xi32>,
      %get3A_194 = arith.index_cast %scan3A_42 : i32 to index
      %get3A_195 = arith.constant 112 : index
      %get3A_196 = tpu.vector_load %arg5[%get3A_194, %get3A_195] {strides = array<i32>} : memref<80x128xi32, #tpu.memory_space<vmem>>, vector<1x16xi32>,
      %get3A_197 = vector.shape_cast %get3A_196 : vector<1x16xi32> to vector<16xi32>
      %shift_right_logical3A_198 = arith.constant 14 : i32
      %shift_right_logical3A_199 = vector.broadcast %shift_right_logical3A_198 : i32 to vector<16xi32>
      %shift_right_logical3A_200 = arith.shrui %get3A_197, %shift_right_logical3A_199 : vector<16xi32>
      %swap3A_201 = arith.constant 0 : i32
      %swap3A_202 = arith.index_cast %swap3A_201 : i32 to index
      %swap3A_203 = arith.constant 112 : index
      %swap3A_204 = tpu.vector_load %arg6[%swap3A_202, %swap3A_203] {strides = array<i32>} : memref<2x128xi32, #tpu.memory_space<vmem>>, vector<1x16xi32>,
      %swap3A_205 = vector.shape_cast %swap3A_204 : vector<1x16xi32> to vector<16xi32>
      %swap3A_206 = vector.shape_cast %shift_right_logical3A_200 : vector<16xi32> to vector<1x16xi32>
      tpu.vector_store %arg6[%swap3A_202, %swap3A_203], %swap3A_206 {strides = array<i32>} : memref<2x128xi32, #tpu.memory_space<vmem>>, vector<1x16xi32>,
      %and3A_207 = arith.constant 16383 : i32
      %and3A_208 = vector.broadcast %and3A_207 : i32 to vector<16xi32>
      %and3A_209 = arith.andi %get3A_197, %and3A_208 : vector<16xi32>
      %swap3A_210 = arith.constant 0 : i32
      %swap3A_211 = arith.index_cast %swap3A_210 : i32 to index
      %swap3A_212 = arith.constant 112 : index
      %swap3A_213 = tpu.vector_load %arg7[%swap3A_211, %swap3A_212] {strides = array<i32>} : memref<2x128xi32, #tpu.memory_space<vmem>>, vector<1x16xi32>,
      %swap3A_214 = vector.shape_cast %swap3A_213 : vector<1x16xi32> to vector<16xi32>
      %swap3A_215 = vector.shape_cast %and3A_209 : vector<16xi32> to vector<1x16xi32>
      tpu.vector_store %arg7[%swap3A_211, %swap3A_212], %swap3A_215 {strides = array<i32>} : memref<2x128xi32, #tpu.memory_space<vmem>>, vector<1x16xi32>,
      %dma_start3A = arith.constant 0 : i32
      %dma_start3A_216 = arith.constant 0 : i32
      %dma_start3A_217 = tpu.memref_slice %arg6[%dma_start3A, %dma_start3A_216] : memref<2x128xi32, #tpu.memory_space<vmem>> -> memref<1x128xi32, #tpu.memory_space<vmem>>
      %dma_start3A_218 = tpu.memref_squeeze %dma_start3A_217 : memref<1x128xi32, #tpu.memory_space<vmem>> -> memref<128xi32, #tpu.memory_space<vmem>>
      %dma_start3A_219 = arith.constant 0 : i32
      %dma_start3A_220 = arith.constant 0 : i32
      %dma_start3A_221 = tpu.memref_slice %arg2[%dma_start3A_219, %dma_start3A_220] : memref<10240x128xf32, #tpu.memory_space<hbm>> -> memref<10240x128xf32, #tpu.memory_space<hbm>>
      tpu.enqueue_indirect_dma source(%dma_start3A_221 : memref<10240x128xf32, #tpu.memory_space<hbm>>) target(%arg8 : memref<128x128xf32, #tpu.memory_space<vmem>>) offsets(%dma_start3A_218 : memref<128xi32, #tpu.memory_space<vmem>>) semaphore(%arg10 : memref<!tpu.dma_semaphore, #tpu.memory_space<semaphore_mem>>)
      %dma_wait3A = arith.constant 0 : i32
      %dma_wait3A_222 = arith.constant 0 : i32
      %dma_wait3A_223 = tpu.memref_slice %arg6[%dma_wait3A, %dma_wait3A_222] : memref<2x128xi32, #tpu.memory_space<vmem>> -> memref<1x128xi32, #tpu.memory_space<vmem>>
      %dma_wait3A_224 = tpu.memref_squeeze %dma_wait3A_223 : memref<1x128xi32, #tpu.memory_space<vmem>> -> memref<128xi32, #tpu.memory_space<vmem>>
      %dma_wait3A_225 = arith.constant 0 : i32
      %dma_wait3A_226 = arith.constant 0 : i32
      %dma_wait3A_227 = tpu.memref_slice %arg2[%dma_wait3A_225, %dma_wait3A_226] : memref<10240x128xf32, #tpu.memory_space<hbm>> -> memref<10240x128xf32, #tpu.memory_space<hbm>>
      tpu.wait_indirect_dma semaphore(%arg10 : memref<!tpu.dma_semaphore, #tpu.memory_space<semaphore_mem>>) src(%dma_wait3A_227 : memref<10240x128xf32, #tpu.memory_space<hbm>>) dst(%arg8 : memref<128x128xf32, #tpu.memory_space<vmem>>)
      %run_scoped3A = arith.constant 0 : i32
      "tpu.region"() ({
        %run_scoped3A_229 = tpu.sem_alloc : memref<!tpu.dma_semaphore, #tpu.memory_space<semaphore_mem>>
        %dma_start3A_230 = arith.constant 0 : i32
        %dma_start3A_231 = tpu.memref_slice %arg7[%run_scoped3A, %dma_start3A_230] : memref<2x128xi32, #tpu.memory_space<vmem>> -> memref<1x128xi32, #tpu.memory_space<vmem>>
        %dma_start3A_232 = tpu.memref_squeeze %dma_start3A_231 : memref<1x128xi32, #tpu.memory_space<vmem>> -> memref<128xi32, #tpu.memory_space<vmem>>
        %dma_start3A_233 = arith.constant 0 : i32
        %dma_start3A_234 = arith.constant 0 : i32
        %dma_start3A_235 = tpu.memref_slice %arg9[%dma_start3A_233, %dma_start3A_234] : memref<10240x128xf32, #tpu.memory_space<vmem_shared>> -> memref<10240x128xf32, #tpu.memory_space<vmem_shared>>
        tpu.enqueue_indirect_dma source(%arg8 : memref<128x128xf32, #tpu.memory_space<vmem>>) target(%dma_start3A_235 : memref<10240x128xf32, #tpu.memory_space<vmem_shared>>) offsets(%dma_start3A_232 : memref<128xi32, #tpu.memory_space<vmem>>) semaphore(%run_scoped3A_229 : memref<!tpu.dma_semaphore, #tpu.memory_space<semaphore_mem>>) {add = true}
        %dma_wait3A_236 = arith.constant 0 : i32
        %dma_wait3A_237 = tpu.memref_slice %arg7[%run_scoped3A, %dma_wait3A_236] : memref<2x128xi32, #tpu.memory_space<vmem>> -> memref<1x128xi32, #tpu.memory_space<vmem>>
        %dma_wait3A_238 = tpu.memref_squeeze %dma_wait3A_237 : memref<1x128xi32, #tpu.memory_space<vmem>> -> memref<128xi32, #tpu.memory_space<vmem>>
        %dma_wait3A_239 = arith.constant 0 : i32
        %dma_wait3A_240 = arith.constant 0 : i32
        %dma_wait3A_241 = tpu.memref_slice %arg9[%dma_wait3A_239, %dma_wait3A_240] : memref<10240x128xf32, #tpu.memory_space<vmem_shared>> -> memref<10240x128xf32, #tpu.memory_space<vmem_shared>>
        tpu.wait_indirect_dma semaphore(%run_scoped3A_229 : memref<!tpu.dma_semaphore, #tpu.memory_space<semaphore_mem>>) src(%arg8 : memref<128x128xf32, #tpu.memory_space<vmem>>) dst(%dma_wait3A_241 : memref<10240x128xf32, #tpu.memory_space<vmem_shared>>)
        tpu.yield
      }) : () -> ()
      %scan3A_228 = arith.constant 0 : i32
      scf.yield %scan3A_228 : i32
    }
    %scan3A_36 = arith.constant 80 : i32
    %barrier3A_37 = arith.constant 0 : index
    tpu.barrier barrier_id(%barrier3A_37)
    %mul3A_38 = arith.constant 640 : i32
    %mul3A_39 = arith.muli %arg1, %mul3A_38 : i32
    %mul3A_40 = arith.constant 640 : i32
    %mul3A_41 = arith.muli %arg1, %mul3A_40 : i32
    "tpu.region"() ({
      %run_scoped3A = tpu.sem_alloc : memref<!tpu.dma_semaphore, #tpu.memory_space<semaphore_mem>>
      %dma_start3A = arith.constant 0 : i32
      %dma_start3A_42 = arith.constant 0 : i32
      %dma_start3A_43 = tpu.memref_slice %arg4[%arg0, %dma_start3A, %dma_start3A_42] : memref<2x10240x128xf32, #tpu.memory_space<hbm>> -> memref<1x10240x128xf32, #tpu.memory_space<hbm>>
      %dma_start3A_44 = tpu.memref_squeeze %dma_start3A_43 : memref<1x10240x128xf32, #tpu.memory_space<hbm>> -> memref<10240x128xf32, #tpu.memory_space<hbm>>
      %dma_start3A_45 = arith.constant 0 : i32
      %dma_start3A_46 = tpu.memref_slice %dma_start3A_44[%mul3A_41, %dma_start3A_45] : memref<10240x128xf32, #tpu.memory_space<hbm>> -> memref<640x128xf32, #tpu.memory_space<hbm>>
      %dma_start3A_47 = arith.constant 0 : i32
      %dma_start3A_48 = tpu.memref_slice %arg9[%mul3A_39, %dma_start3A_47] : memref<10240x128xf32, #tpu.memory_space<vmem_shared>> -> memref<640x128xf32, #tpu.memory_space<vmem_shared>>
      tpu.enqueue_dma source(%dma_start3A_48 : memref<640x128xf32, #tpu.memory_space<vmem_shared>>) target(%dma_start3A_46 : memref<640x128xf32, #tpu.memory_space<hbm>>) target_semaphore(%run_scoped3A : memref<!tpu.dma_semaphore, #tpu.memory_space<semaphore_mem>>)
      %dma_wait3A = arith.constant 0 : i32
      %dma_wait3A_49 = arith.constant 0 : i32
      %dma_wait3A_50 = tpu.memref_slice %arg4[%arg0, %dma_wait3A, %dma_wait3A_49] : memref<2x10240x128xf32, #tpu.memory_space<hbm>> -> memref<1x10240x128xf32, #tpu.memory_space<hbm>>
      %dma_wait3A_51 = tpu.memref_squeeze %dma_wait3A_50 : memref<1x10240x128xf32, #tpu.memory_space<hbm>> -> memref<10240x128xf32, #tpu.memory_space<hbm>>
      %dma_wait3A_52 = arith.constant 0 : i32
      %dma_wait3A_53 = tpu.memref_slice %dma_wait3A_51[%mul3A_41, %dma_wait3A_52] : memref<10240x128xf32, #tpu.memory_space<hbm>> -> memref<640x128xf32, #tpu.memory_space<hbm>>
      %dma_wait3A_54 = arith.constant 0 : i32
      %dma_wait3A_55 = tpu.memref_slice %arg9[%mul3A_39, %dma_wait3A_54] : memref<10240x128xf32, #tpu.memory_space<vmem_shared>> -> memref<640x128xf32, #tpu.memory_space<vmem_shared>>
      tpu.wait_dma2 semaphore(%run_scoped3A : memref<!tpu.dma_semaphore, #tpu.memory_space<semaphore_mem>>) src(%dma_wait3A_55 : memref<640x128xf32, #tpu.memory_space<vmem_shared>>) dst(%dma_wait3A_53 : memref<640x128xf32, #tpu.memory_space<hbm>>)
      tpu.yield
    }) : () -> ()
    return
  }
}

#map = affine_map<(d0, d1) -> (0, 0)>
#map1 = affine_map<(d0, d1) -> (0, 0, 0)>
module attributes {stable_mosaic.version = 14 : i64} {
  func.func @_agg(%arg0: i32, %arg1: i32, %arg2: memref<10240x128xf32, #tpu.memory_space<hbm>>, %arg3: memref<2560x128xi32, #tpu.memory_space<hbm>>, %arg4: memref<2x10240x128xf32, #tpu.memory_space<hbm>>, %arg5: memref<80x128xi32, #tpu.memory_space<vmem>>, %arg6: memref<2x128xi32, #tpu.memory_space<vmem>>, %arg7: memref<2x128xi32, #tpu.memory_space<vmem>>, %arg8: memref<128x128xf32, #tpu.memory_space<vmem>>, %arg9: memref<10240x128xf32, #tpu.memory_space<vmem_shared>>, %arg10: memref<!tpu.dma_semaphore, #tpu.memory_space<semaphore_mem>>) attributes {dimension_semantics = [#tpu.dimension_semantics<core_parallel>, #tpu.dimension_semantics<subcore_parallel>], iteration_bounds = array<i64: 2, 16>, scalar_prefetch = 0 : i64, scratch_operands = 6 : i64, tpu.core_type = #tpu.core_type<sc_vector_subcore>, window_params = [{transform_indices = #map}, {transform_indices = #map}, {transform_indices = #map1}]} {
    %mul3A = arith.constant 2 : i32
    %mul3A_0 = arith.muli %arg1, %mul3A : i32
    %add3A = arith.addi %mul3A_0, %arg0 : i32
    %mul3A_1 = arith.constant 80 : i32
    %mul3A_2 = arith.muli %add3A, %mul3A_1 : i32
    "tpu.region"() ({
      %run_scoped3A = tpu.sem_alloc : memref<!tpu.dma_semaphore, #tpu.memory_space<semaphore_mem>>
      %dma_start3A = arith.constant 0 : i32
      %dma_start3A_42 = tpu.memref_slice %arg3[%mul3A_2, %dma_start3A] : memref<2560x128xi32, #tpu.memory_space<hbm>> -> memref<80x128xi32, #tpu.memory_space<hbm>>
      %dma_start3A_43 = arith.constant 0 : i32
      %dma_start3A_44 = tpu.memref_slice %arg3[%mul3A_2, %dma_start3A_43] : memref<2560x128xi32, #tpu.memory_space<hbm>> -> memref<80x128xi32, #tpu.memory_space<hbm>>
      tpu.enqueue_dma source(%dma_start3A_44 : memref<80x128xi32, #tpu.memory_space<hbm>>) target(%arg5 : memref<80x128xi32, #tpu.memory_space<vmem>>) target_semaphore(%run_scoped3A : memref<!tpu.dma_semaphore, #tpu.memory_space<semaphore_mem>>)
      %dma_wait3A = arith.constant 0 : i32
      %dma_wait3A_45 = tpu.memref_slice %arg3[%mul3A_2, %dma_wait3A] : memref<2560x128xi32, #tpu.memory_space<hbm>> -> memref<80x128xi32, #tpu.memory_space<hbm>>
      %dma_wait3A_46 = arith.constant 0 : i32
      %dma_wait3A_47 = tpu.memref_slice %arg3[%mul3A_2, %dma_wait3A_46] : memref<2560x128xi32, #tpu.memory_space<hbm>> -> memref<80x128xi32, #tpu.memory_space<hbm>>
      tpu.wait_dma2 semaphore(%run_scoped3A : memref<!tpu.dma_semaphore, #tpu.memory_space<semaphore_mem>>) src(%dma_wait3A_47 : memref<80x128xi32, #tpu.memory_space<hbm>>) dst(%arg5 : memref<80x128xi32, #tpu.memory_space<vmem>>)
      tpu.yield
    }) : () -> ()
    %broadcast_in_dim3A = arith.constant 0.000000e+00 : f32
    %broadcast_in_dim3A_3 = vector.broadcast %broadcast_in_dim3A : f32 to vector<16xf32>
    %scan3A = arith.constant 0 : i32
    %scan3A_4 = arith.constant 0 : i32
    %scan3A_5 = arith.constant 128 : i32
    %scan3A_6 = arith.addi %scan3A_4, %scan3A_5 : i32
    %scan3A_7 = arith.constant 1 : i32
    %scan3A_8 = scf.for %scan3A_42 = %scan3A_4 to %scan3A_6 step %scan3A_7 iter_args(%scan3A_43 = %scan3A) -> (i32)  : i32 {
      %swap3A = arith.index_cast %scan3A_42 : i32 to index
      %swap3A_44 = arith.constant 0 : index
      %swap3A_45 = tpu.vector_load %arg8[%swap3A, %swap3A_44] {strides = array<i32>} : memref<128x128xf32, #tpu.memory_space<vmem>>, vector<1x16xf32>,
      %swap3A_46 = vector.shape_cast %swap3A_45 : vector<1x16xf32> to vector<16xf32>
      %swap3A_47 = vector.shape_cast %broadcast_in_dim3A_3 : vector<16xf32> to vector<1x16xf32>
      tpu.vector_store %arg8[%swap3A, %swap3A_44], %swap3A_47 {strides = array<i32>} : memref<128x128xf32, #tpu.memory_space<vmem>>, vector<1x16xf32>,
      %swap3A_48 = arith.index_cast %scan3A_42 : i32 to index
      %swap3A_49 = arith.constant 16 : index
      %swap3A_50 = tpu.vector_load %arg8[%swap3A_48, %swap3A_49] {strides = array<i32>} : memref<128x128xf32, #tpu.memory_space<vmem>>, vector<1x16xf32>,
      %swap3A_51 = vector.shape_cast %swap3A_50 : vector<1x16xf32> to vector<16xf32>
      %swap3A_52 = vector.shape_cast %broadcast_in_dim3A_3 : vector<16xf32> to vector<1x16xf32>
      tpu.vector_store %arg8[%swap3A_48, %swap3A_49], %swap3A_52 {strides = array<i32>} : memref<128x128xf32, #tpu.memory_space<vmem>>, vector<1x16xf32>,
      %swap3A_53 = arith.index_cast %scan3A_42 : i32 to index
      %swap3A_54 = arith.constant 32 : index
      %swap3A_55 = tpu.vector_load %arg8[%swap3A_53, %swap3A_54] {strides = array<i32>} : memref<128x128xf32, #tpu.memory_space<vmem>>, vector<1x16xf32>,
      %swap3A_56 = vector.shape_cast %swap3A_55 : vector<1x16xf32> to vector<16xf32>
      %swap3A_57 = vector.shape_cast %broadcast_in_dim3A_3 : vector<16xf32> to vector<1x16xf32>
      tpu.vector_store %arg8[%swap3A_53, %swap3A_54], %swap3A_57 {strides = array<i32>} : memref<128x128xf32, #tpu.memory_space<vmem>>, vector<1x16xf32>,
      %swap3A_58 = arith.index_cast %scan3A_42 : i32 to index
      %swap3A_59 = arith.constant 48 : index
      %swap3A_60 = tpu.vector_load %arg8[%swap3A_58, %swap3A_59] {strides = array<i32>} : memref<128x128xf32, #tpu.memory_space<vmem>>, vector<1x16xf32>,
      %swap3A_61 = vector.shape_cast %swap3A_60 : vector<1x16xf32> to vector<16xf32>
      %swap3A_62 = vector.shape_cast %broadcast_in_dim3A_3 : vector<16xf32> to vector<1x16xf32>
      tpu.vector_store %arg8[%swap3A_58, %swap3A_59], %swap3A_62 {strides = array<i32>} : memref<128x128xf32, #tpu.memory_space<vmem>>, vector<1x16xf32>,
      %swap3A_63 = arith.index_cast %scan3A_42 : i32 to index
      %swap3A_64 = arith.constant 64 : index
      %swap3A_65 = tpu.vector_load %arg8[%swap3A_63, %swap3A_64] {strides = array<i32>} : memref<128x128xf32, #tpu.memory_space<vmem>>, vector<1x16xf32>,
      %swap3A_66 = vector.shape_cast %swap3A_65 : vector<1x16xf32> to vector<16xf32>
      %swap3A_67 = vector.shape_cast %broadcast_in_dim3A_3 : vector<16xf32> to vector<1x16xf32>
      tpu.vector_store %arg8[%swap3A_63, %swap3A_64], %swap3A_67 {strides = array<i32>} : memref<128x128xf32, #tpu.memory_space<vmem>>, vector<1x16xf32>,
      %swap3A_68 = arith.index_cast %scan3A_42 : i32 to index
      %swap3A_69 = arith.constant 80 : index
      %swap3A_70 = tpu.vector_load %arg8[%swap3A_68, %swap3A_69] {strides = array<i32>} : memref<128x128xf32, #tpu.memory_space<vmem>>, vector<1x16xf32>,
      %swap3A_71 = vector.shape_cast %swap3A_70 : vector<1x16xf32> to vector<16xf32>
      %swap3A_72 = vector.shape_cast %broadcast_in_dim3A_3 : vector<16xf32> to vector<1x16xf32>
      tpu.vector_store %arg8[%swap3A_68, %swap3A_69], %swap3A_72 {strides = array<i32>} : memref<128x128xf32, #tpu.memory_space<vmem>>, vector<1x16xf32>,
      %swap3A_73 = arith.index_cast %scan3A_42 : i32 to index
      %swap3A_74 = arith.constant 96 : index
      %swap3A_75 = tpu.vector_load %arg8[%swap3A_73, %swap3A_74] {strides = array<i32>} : memref<128x128xf32, #tpu.memory_space<vmem>>, vector<1x16xf32>,
      %swap3A_76 = vector.shape_cast %swap3A_75 : vector<1x16xf32> to vector<16xf32>
      %swap3A_77 = vector.shape_cast %broadcast_in_dim3A_3 : vector<16xf32> to vector<1x16xf32>
      tpu.vector_store %arg8[%swap3A_73, %swap3A_74], %swap3A_77 {strides = array<i32>} : memref<128x128xf32, #tpu.memory_space<vmem>>, vector<1x16xf32>,
      %swap3A_78 = arith.index_cast %scan3A_42 : i32 to index
      %swap3A_79 = arith.constant 112 : index
      %swap3A_80 = tpu.vector_load %arg8[%swap3A_78, %swap3A_79] {strides = array<i32>} : memref<128x128xf32, #tpu.memory_space<vmem>>, vector<1x16xf32>,
      %swap3A_81 = vector.shape_cast %swap3A_80 : vector<1x16xf32> to vector<16xf32>
      %swap3A_82 = vector.shape_cast %broadcast_in_dim3A_3 : vector<16xf32> to vector<1x16xf32>
      tpu.vector_store %arg8[%swap3A_78, %swap3A_79], %swap3A_82 {strides = array<i32>} : memref<128x128xf32, #tpu.memory_space<vmem>>, vector<1x16xf32>,
      %scan3A_83 = arith.constant 0 : i32
      scf.yield %scan3A_83 : i32
    }
    %scan3A_9 = arith.constant 128 : i32
    %mul3A_10 = arith.constant 640 : i32
    %mul3A_11 = arith.muli %arg1, %mul3A_10 : i32
    %add3A_12 = arith.constant 0 : i32
    %add3A_13 = arith.addi %mul3A_11, %add3A_12 : i32
    "tpu.region"() ({
      %run_scoped3A = tpu.sem_alloc : memref<!tpu.dma_semaphore, #tpu.memory_space<semaphore_mem>>
      %dma_start3A = arith.constant 0 : i32
      %dma_start3A_42 = tpu.memref_slice %arg9[%add3A_13, %dma_start3A] : memref<10240x128xf32, #tpu.memory_space<vmem_shared>> -> memref<128x128xf32, #tpu.memory_space<vmem_shared>>
      %dma_start3A_43 = arith.constant 0 : i32
      %dma_start3A_44 = tpu.memref_slice %arg9[%add3A_13, %dma_start3A_43] : memref<10240x128xf32, #tpu.memory_space<vmem_shared>> -> memref<128x128xf32, #tpu.memory_space<vmem_shared>>
      tpu.enqueue_dma source(%arg8 : memref<128x128xf32, #tpu.memory_space<vmem>>) target(%dma_start3A_44 : memref<128x128xf32, #tpu.memory_space<vmem_shared>>) target_semaphore(%run_scoped3A : memref<!tpu.dma_semaphore, #tpu.memory_space<semaphore_mem>>)
      %dma_wait3A = arith.constant 0 : i32
      %dma_wait3A_45 = tpu.memref_slice %arg9[%add3A_13, %dma_wait3A] : memref<10240x128xf32, #tpu.memory_space<vmem_shared>> -> memref<128x128xf32, #tpu.memory_space<vmem_shared>>
      %dma_wait3A_46 = arith.constant 0 : i32
      %dma_wait3A_47 = tpu.memref_slice %arg9[%add3A_13, %dma_wait3A_46] : memref<10240x128xf32, #tpu.memory_space<vmem_shared>> -> memref<128x128xf32, #tpu.memory_space<vmem_shared>>
      tpu.wait_dma2 semaphore(%run_scoped3A : memref<!tpu.dma_semaphore, #tpu.memory_space<semaphore_mem>>) src(%arg8 : memref<128x128xf32, #tpu.memory_space<vmem>>) dst(%dma_wait3A_47 : memref<128x128xf32, #tpu.memory_space<vmem_shared>>)
      tpu.yield
    }) : () -> ()
    %mul3A_14 = arith.constant 640 : i32
    %mul3A_15 = arith.muli %arg1, %mul3A_14 : i32
    %add3A_16 = arith.constant 128 : i32
    %add3A_17 = arith.addi %mul3A_15, %add3A_16 : i32
    "tpu.region"() ({
      %run_scoped3A = tpu.sem_alloc : memref<!tpu.dma_semaphore, #tpu.memory_space<semaphore_mem>>
      %dma_start3A = arith.constant 0 : i32
      %dma_start3A_42 = tpu.memref_slice %arg9[%add3A_17, %dma_start3A] : memref<10240x128xf32, #tpu.memory_space<vmem_shared>> -> memref<128x128xf32, #tpu.memory_space<vmem_shared>>
      %dma_start3A_43 = arith.constant 0 : i32
      %dma_start3A_44 = tpu.memref_slice %arg9[%add3A_17, %dma_start3A_43] : memref<10240x128xf32, #tpu.memory_space<vmem_shared>> -> memref<128x128xf32, #tpu.memory_space<vmem_shared>>
      tpu.enqueue_dma source(%arg8 : memref<128x128xf32, #tpu.memory_space<vmem>>) target(%dma_start3A_44 : memref<128x128xf32, #tpu.memory_space<vmem_shared>>) target_semaphore(%run_scoped3A : memref<!tpu.dma_semaphore, #tpu.memory_space<semaphore_mem>>)
      %dma_wait3A = arith.constant 0 : i32
      %dma_wait3A_45 = tpu.memref_slice %arg9[%add3A_17, %dma_wait3A] : memref<10240x128xf32, #tpu.memory_space<vmem_shared>> -> memref<128x128xf32, #tpu.memory_space<vmem_shared>>
      %dma_wait3A_46 = arith.constant 0 : i32
      %dma_wait3A_47 = tpu.memref_slice %arg9[%add3A_17, %dma_wait3A_46] : memref<10240x128xf32, #tpu.memory_space<vmem_shared>> -> memref<128x128xf32, #tpu.memory_space<vmem_shared>>
      tpu.wait_dma2 semaphore(%run_scoped3A : memref<!tpu.dma_semaphore, #tpu.memory_space<semaphore_mem>>) src(%arg8 : memref<128x128xf32, #tpu.memory_space<vmem>>) dst(%dma_wait3A_47 : memref<128x128xf32, #tpu.memory_space<vmem_shared>>)
      tpu.yield
    }) : () -> ()
    %mul3A_18 = arith.constant 640 : i32
    %mul3A_19 = arith.muli %arg1, %mul3A_18 : i32
    %add3A_20 = arith.constant 256 : i32
    %add3A_21 = arith.addi %mul3A_19, %add3A_20 : i32
    "tpu.region"() ({
      %run_scoped3A = tpu.sem_alloc : memref<!tpu.dma_semaphore, #tpu.memory_space<semaphore_mem>>
      %dma_start3A = arith.constant 0 : i32
      %dma_start3A_42 = tpu.memref_slice %arg9[%add3A_21, %dma_start3A] : memref<10240x128xf32, #tpu.memory_space<vmem_shared>> -> memref<128x128xf32, #tpu.memory_space<vmem_shared>>
      %dma_start3A_43 = arith.constant 0 : i32
      %dma_start3A_44 = tpu.memref_slice %arg9[%add3A_21, %dma_start3A_43] : memref<10240x128xf32, #tpu.memory_space<vmem_shared>> -> memref<128x128xf32, #tpu.memory_space<vmem_shared>>
      tpu.enqueue_dma source(%arg8 : memref<128x128xf32, #tpu.memory_space<vmem>>) target(%dma_start3A_44 : memref<128x128xf32, #tpu.memory_space<vmem_shared>>) target_semaphore(%run_scoped3A : memref<!tpu.dma_semaphore, #tpu.memory_space<semaphore_mem>>)
      %dma_wait3A = arith.constant 0 : i32
      %dma_wait3A_45 = tpu.memref_slice %arg9[%add3A_21, %dma_wait3A] : memref<10240x128xf32, #tpu.memory_space<vmem_shared>> -> memref<128x128xf32, #tpu.memory_space<vmem_shared>>
      %dma_wait3A_46 = arith.constant 0 : i32
      %dma_wait3A_47 = tpu.memref_slice %arg9[%add3A_21, %dma_wait3A_46] : memref<10240x128xf32, #tpu.memory_space<vmem_shared>> -> memref<128x128xf32, #tpu.memory_space<vmem_shared>>
      tpu.wait_dma2 semaphore(%run_scoped3A : memref<!tpu.dma_semaphore, #tpu.memory_space<semaphore_mem>>) src(%arg8 : memref<128x128xf32, #tpu.memory_space<vmem>>) dst(%dma_wait3A_47 : memref<128x128xf32, #tpu.memory_space<vmem_shared>>)
      tpu.yield
    }) : () -> ()
    %mul3A_22 = arith.constant 640 : i32
    %mul3A_23 = arith.muli %arg1, %mul3A_22 : i32
    %add3A_24 = arith.constant 384 : i32
    %add3A_25 = arith.addi %mul3A_23, %add3A_24 : i32
    "tpu.region"() ({
      %run_scoped3A = tpu.sem_alloc : memref<!tpu.dma_semaphore, #tpu.memory_space<semaphore_mem>>
      %dma_start3A = arith.constant 0 : i32
      %dma_start3A_42 = tpu.memref_slice %arg9[%add3A_25, %dma_start3A] : memref<10240x128xf32, #tpu.memory_space<vmem_shared>> -> memref<128x128xf32, #tpu.memory_space<vmem_shared>>
      %dma_start3A_43 = arith.constant 0 : i32
      %dma_start3A_44 = tpu.memref_slice %arg9[%add3A_25, %dma_start3A_43] : memref<10240x128xf32, #tpu.memory_space<vmem_shared>> -> memref<128x128xf32, #tpu.memory_space<vmem_shared>>
      tpu.enqueue_dma source(%arg8 : memref<128x128xf32, #tpu.memory_space<vmem>>) target(%dma_start3A_44 : memref<128x128xf32, #tpu.memory_space<vmem_shared>>) target_semaphore(%run_scoped3A : memref<!tpu.dma_semaphore, #tpu.memory_space<semaphore_mem>>)
      %dma_wait3A = arith.constant 0 : i32
      %dma_wait3A_45 = tpu.memref_slice %arg9[%add3A_25, %dma_wait3A] : memref<10240x128xf32, #tpu.memory_space<vmem_shared>> -> memref<128x128xf32, #tpu.memory_space<vmem_shared>>
      %dma_wait3A_46 = arith.constant 0 : i32
      %dma_wait3A_47 = tpu.memref_slice %arg9[%add3A_25, %dma_wait3A_46] : memref<10240x128xf32, #tpu.memory_space<vmem_shared>> -> memref<128x128xf32, #tpu.memory_space<vmem_shared>>
      tpu.wait_dma2 semaphore(%run_scoped3A : memref<!tpu.dma_semaphore, #tpu.memory_space<semaphore_mem>>) src(%arg8 : memref<128x128xf32, #tpu.memory_space<vmem>>) dst(%dma_wait3A_47 : memref<128x128xf32, #tpu.memory_space<vmem_shared>>)
      tpu.yield
    }) : () -> ()
    %mul3A_26 = arith.constant 640 : i32
    %mul3A_27 = arith.muli %arg1, %mul3A_26 : i32
    %add3A_28 = arith.constant 512 : i32
    %add3A_29 = arith.addi %mul3A_27, %add3A_28 : i32
    "tpu.region"() ({
      %run_scoped3A = tpu.sem_alloc : memref<!tpu.dma_semaphore, #tpu.memory_space<semaphore_mem>>
      %dma_start3A = arith.constant 0 : i32
      %dma_start3A_42 = tpu.memref_slice %arg9[%add3A_29, %dma_start3A] : memref<10240x128xf32, #tpu.memory_space<vmem_shared>> -> memref<128x128xf32, #tpu.memory_space<vmem_shared>>
      %dma_start3A_43 = arith.constant 0 : i32
      %dma_start3A_44 = tpu.memref_slice %arg9[%add3A_29, %dma_start3A_43] : memref<10240x128xf32, #tpu.memory_space<vmem_shared>> -> memref<128x128xf32, #tpu.memory_space<vmem_shared>>
      tpu.enqueue_dma source(%arg8 : memref<128x128xf32, #tpu.memory_space<vmem>>) target(%dma_start3A_44 : memref<128x128xf32, #tpu.memory_space<vmem_shared>>) target_semaphore(%run_scoped3A : memref<!tpu.dma_semaphore, #tpu.memory_space<semaphore_mem>>)
      %dma_wait3A = arith.constant 0 : i32
      %dma_wait3A_45 = tpu.memref_slice %arg9[%add3A_29, %dma_wait3A] : memref<10240x128xf32, #tpu.memory_space<vmem_shared>> -> memref<128x128xf32, #tpu.memory_space<vmem_shared>>
      %dma_wait3A_46 = arith.constant 0 : i32
      %dma_wait3A_47 = tpu.memref_slice %arg9[%add3A_29, %dma_wait3A_46] : memref<10240x128xf32, #tpu.memory_space<vmem_shared>> -> memref<128x128xf32, #tpu.memory_space<vmem_shared>>
      tpu.wait_dma2 semaphore(%run_scoped3A : memref<!tpu.dma_semaphore, #tpu.memory_space<semaphore_mem>>) src(%arg8 : memref<128x128xf32, #tpu.memory_space<vmem>>) dst(%dma_wait3A_47 : memref<128x128xf32, #tpu.memory_space<vmem_shared>>)
      tpu.yield
    }) : () -> ()
    %barrier3A = arith.constant 0 : index
    tpu.barrier barrier_id(%barrier3A)
    %scan3A_30 = arith.constant 0 : i32
    %scan3A_31 = arith.constant 0 : i32
    %scan3A_32 = arith.constant 80 : i32
    %scan3A_33 = arith.addi %scan3A_31, %scan3A_32 : i32
    %scan3A_34 = arith.constant 1 : i32
    %scan3A_35 = scf.for %scan3A_42 = %scan3A_31 to %scan3A_33 step %scan3A_34 iter_args(%scan3A_43 = %scan3A_30) -> (i32)  : i32 {
      %get3A = arith.index_cast %scan3A_42 : i32 to index
      %get3A_44 = arith.constant 0 : index
      %get3A_45 = tpu.vector_load %arg5[%get3A, %get3A_44] {strides = array<i32>} : memref<80x128xi32, #tpu.memory_space<vmem>>, vector<1x16xi32>,
      %get3A_46 = vector.shape_cast %get3A_45 : vector<1x16xi32> to vector<16xi32>
      %shift_right_logical3A = arith.constant 14 : i32
      %shift_right_logical3A_47 = vector.broadcast %shift_right_logical3A : i32 to vector<16xi32>
      %shift_right_logical3A_48 = arith.shrui %get3A_46, %shift_right_logical3A_47 : vector<16xi32>
      %swap3A = arith.constant 0 : i32
      %swap3A_49 = arith.index_cast %swap3A : i32 to index
      %swap3A_50 = arith.constant 0 : index
      %swap3A_51 = tpu.vector_load %arg6[%swap3A_49, %swap3A_50] {strides = array<i32>} : memref<2x128xi32, #tpu.memory_space<vmem>>, vector<1x16xi32>,
      %swap3A_52 = vector.shape_cast %swap3A_51 : vector<1x16xi32> to vector<16xi32>
      %swap3A_53 = vector.shape_cast %shift_right_logical3A_48 : vector<16xi32> to vector<1x16xi32>
      tpu.vector_store %arg6[%swap3A_49, %swap3A_50], %swap3A_53 {strides = array<i32>} : memref<2x128xi32, #tpu.memory_space<vmem>>, vector<1x16xi32>,
      %and3A = arith.constant 16383 : i32
      %and3A_54 = vector.broadcast %and3A : i32 to vector<16xi32>
      %and3A_55 = arith.andi %get3A_46, %and3A_54 : vector<16xi32>
      %swap3A_56 = arith.constant 0 : i32
      %swap3A_57 = arith.index_cast %swap3A_56 : i32 to index
      %swap3A_58 = arith.constant 0 : index
      %swap3A_59 = tpu.vector_load %arg7[%swap3A_57, %swap3A_58] {strides = array<i32>} : memref<2x128xi32, #tpu.memory_space<vmem>>, vector<1x16xi32>,
      %swap3A_60 = vector.shape_cast %swap3A_59 : vector<1x16xi32> to vector<16xi32>
      %swap3A_61 = vector.shape_cast %and3A_55 : vector<16xi32> to vector<1x16xi32>
      tpu.vector_store %arg7[%swap3A_57, %swap3A_58], %swap3A_61 {strides = array<i32>} : memref<2x128xi32, #tpu.memory_space<vmem>>, vector<1x16xi32>,
      %get3A_62 = arith.index_cast %scan3A_42 : i32 to index
      %get3A_63 = arith.constant 16 : index
      %get3A_64 = tpu.vector_load %arg5[%get3A_62, %get3A_63] {strides = array<i32>} : memref<80x128xi32, #tpu.memory_space<vmem>>, vector<1x16xi32>,
      %get3A_65 = vector.shape_cast %get3A_64 : vector<1x16xi32> to vector<16xi32>
      %shift_right_logical3A_66 = arith.constant 14 : i32
      %shift_right_logical3A_67 = vector.broadcast %shift_right_logical3A_66 : i32 to vector<16xi32>
      %shift_right_logical3A_68 = arith.shrui %get3A_65, %shift_right_logical3A_67 : vector<16xi32>
      %swap3A_69 = arith.constant 0 : i32
      %swap3A_70 = arith.index_cast %swap3A_69 : i32 to index
      %swap3A_71 = arith.constant 16 : index
      %swap3A_72 = tpu.vector_load %arg6[%swap3A_70, %swap3A_71] {strides = array<i32>} : memref<2x128xi32, #tpu.memory_space<vmem>>, vector<1x16xi32>,
      %swap3A_73 = vector.shape_cast %swap3A_72 : vector<1x16xi32> to vector<16xi32>
      %swap3A_74 = vector.shape_cast %shift_right_logical3A_68 : vector<16xi32> to vector<1x16xi32>
      tpu.vector_store %arg6[%swap3A_70, %swap3A_71], %swap3A_74 {strides = array<i32>} : memref<2x128xi32, #tpu.memory_space<vmem>>, vector<1x16xi32>,
      %and3A_75 = arith.constant 16383 : i32
      %and3A_76 = vector.broadcast %and3A_75 : i32 to vector<16xi32>
      %and3A_77 = arith.andi %get3A_65, %and3A_76 : vector<16xi32>
      %swap3A_78 = arith.constant 0 : i32
      %swap3A_79 = arith.index_cast %swap3A_78 : i32 to index
      %swap3A_80 = arith.constant 16 : index
      %swap3A_81 = tpu.vector_load %arg7[%swap3A_79, %swap3A_80] {strides = array<i32>} : memref<2x128xi32, #tpu.memory_space<vmem>>, vector<1x16xi32>,
      %swap3A_82 = vector.shape_cast %swap3A_81 : vector<1x16xi32> to vector<16xi32>
      %swap3A_83 = vector.shape_cast %and3A_77 : vector<16xi32> to vector<1x16xi32>
      tpu.vector_store %arg7[%swap3A_79, %swap3A_80], %swap3A_83 {strides = array<i32>} : memref<2x128xi32, #tpu.memory_space<vmem>>, vector<1x16xi32>,
      %get3A_84 = arith.index_cast %scan3A_42 : i32 to index
      %get3A_85 = arith.constant 32 : index
      %get3A_86 = tpu.vector_load %arg5[%get3A_84, %get3A_85] {strides = array<i32>} : memref<80x128xi32, #tpu.memory_space<vmem>>, vector<1x16xi32>,
      %get3A_87 = vector.shape_cast %get3A_86 : vector<1x16xi32> to vector<16xi32>
      %shift_right_logical3A_88 = arith.constant 14 : i32
      %shift_right_logical3A_89 = vector.broadcast %shift_right_logical3A_88 : i32 to vector<16xi32>
      %shift_right_logical3A_90 = arith.shrui %get3A_87, %shift_right_logical3A_89 : vector<16xi32>
      %swap3A_91 = arith.constant 0 : i32
      %swap3A_92 = arith.index_cast %swap3A_91 : i32 to index
      %swap3A_93 = arith.constant 32 : index
      %swap3A_94 = tpu.vector_load %arg6[%swap3A_92, %swap3A_93] {strides = array<i32>} : memref<2x128xi32, #tpu.memory_space<vmem>>, vector<1x16xi32>,
      %swap3A_95 = vector.shape_cast %swap3A_94 : vector<1x16xi32> to vector<16xi32>
      %swap3A_96 = vector.shape_cast %shift_right_logical3A_90 : vector<16xi32> to vector<1x16xi32>
      tpu.vector_store %arg6[%swap3A_92, %swap3A_93], %swap3A_96 {strides = array<i32>} : memref<2x128xi32, #tpu.memory_space<vmem>>, vector<1x16xi32>,
      %and3A_97 = arith.constant 16383 : i32
      %and3A_98 = vector.broadcast %and3A_97 : i32 to vector<16xi32>
      %and3A_99 = arith.andi %get3A_87, %and3A_98 : vector<16xi32>
      %swap3A_100 = arith.constant 0 : i32
      %swap3A_101 = arith.index_cast %swap3A_100 : i32 to index
      %swap3A_102 = arith.constant 32 : index
      %swap3A_103 = tpu.vector_load %arg7[%swap3A_101, %swap3A_102] {strides = array<i32>} : memref<2x128xi32, #tpu.memory_space<vmem>>, vector<1x16xi32>,
      %swap3A_104 = vector.shape_cast %swap3A_103 : vector<1x16xi32> to vector<16xi32>
      %swap3A_105 = vector.shape_cast %and3A_99 : vector<16xi32> to vector<1x16xi32>
      tpu.vector_store %arg7[%swap3A_101, %swap3A_102], %swap3A_105 {strides = array<i32>} : memref<2x128xi32, #tpu.memory_space<vmem>>, vector<1x16xi32>,
      %get3A_106 = arith.index_cast %scan3A_42 : i32 to index
      %get3A_107 = arith.constant 48 : index
      %get3A_108 = tpu.vector_load %arg5[%get3A_106, %get3A_107] {strides = array<i32>} : memref<80x128xi32, #tpu.memory_space<vmem>>, vector<1x16xi32>,
      %get3A_109 = vector.shape_cast %get3A_108 : vector<1x16xi32> to vector<16xi32>
      %shift_right_logical3A_110 = arith.constant 14 : i32
      %shift_right_logical3A_111 = vector.broadcast %shift_right_logical3A_110 : i32 to vector<16xi32>
      %shift_right_logical3A_112 = arith.shrui %get3A_109, %shift_right_logical3A_111 : vector<16xi32>
      %swap3A_113 = arith.constant 0 : i32
      %swap3A_114 = arith.index_cast %swap3A_113 : i32 to index
      %swap3A_115 = arith.constant 48 : index
      %swap3A_116 = tpu.vector_load %arg6[%swap3A_114, %swap3A_115] {strides = array<i32>} : memref<2x128xi32, #tpu.memory_space<vmem>>, vector<1x16xi32>,
      %swap3A_117 = vector.shape_cast %swap3A_116 : vector<1x16xi32> to vector<16xi32>
      %swap3A_118 = vector.shape_cast %shift_right_logical3A_112 : vector<16xi32> to vector<1x16xi32>
      tpu.vector_store %arg6[%swap3A_114, %swap3A_115], %swap3A_118 {strides = array<i32>} : memref<2x128xi32, #tpu.memory_space<vmem>>, vector<1x16xi32>,
      %and3A_119 = arith.constant 16383 : i32
      %and3A_120 = vector.broadcast %and3A_119 : i32 to vector<16xi32>
      %and3A_121 = arith.andi %get3A_109, %and3A_120 : vector<16xi32>
      %swap3A_122 = arith.constant 0 : i32
      %swap3A_123 = arith.index_cast %swap3A_122 : i32 to index
      %swap3A_124 = arith.constant 48 : index
      %swap3A_125 = tpu.vector_load %arg7[%swap3A_123, %swap3A_124] {strides = array<i32>} : memref<2x128xi32, #tpu.memory_space<vmem>>, vector<1x16xi32>,
      %swap3A_126 = vector.shape_cast %swap3A_125 : vector<1x16xi32> to vector<16xi32>
      %swap3A_127 = vector.shape_cast %and3A_121 : vector<16xi32> to vector<1x16xi32>
      tpu.vector_store %arg7[%swap3A_123, %swap3A_124], %swap3A_127 {strides = array<i32>} : memref<2x128xi32, #tpu.memory_space<vmem>>, vector<1x16xi32>,
      %get3A_128 = arith.index_cast %scan3A_42 : i32 to index
      %get3A_129 = arith.constant 64 : index
      %get3A_130 = tpu.vector_load %arg5[%get3A_128, %get3A_129] {strides = array<i32>} : memref<80x128xi32, #tpu.memory_space<vmem>>, vector<1x16xi32>,
      %get3A_131 = vector.shape_cast %get3A_130 : vector<1x16xi32> to vector<16xi32>
      %shift_right_logical3A_132 = arith.constant 14 : i32
      %shift_right_logical3A_133 = vector.broadcast %shift_right_logical3A_132 : i32 to vector<16xi32>
      %shift_right_logical3A_134 = arith.shrui %get3A_131, %shift_right_logical3A_133 : vector<16xi32>
      %swap3A_135 = arith.constant 0 : i32
      %swap3A_136 = arith.index_cast %swap3A_135 : i32 to index
      %swap3A_137 = arith.constant 64 : index
      %swap3A_138 = tpu.vector_load %arg6[%swap3A_136, %swap3A_137] {strides = array<i32>} : memref<2x128xi32, #tpu.memory_space<vmem>>, vector<1x16xi32>,
      %swap3A_139 = vector.shape_cast %swap3A_138 : vector<1x16xi32> to vector<16xi32>
      %swap3A_140 = vector.shape_cast %shift_right_logical3A_134 : vector<16xi32> to vector<1x16xi32>
      tpu.vector_store %arg6[%swap3A_136, %swap3A_137], %swap3A_140 {strides = array<i32>} : memref<2x128xi32, #tpu.memory_space<vmem>>, vector<1x16xi32>,
      %and3A_141 = arith.constant 16383 : i32
      %and3A_142 = vector.broadcast %and3A_141 : i32 to vector<16xi32>
      %and3A_143 = arith.andi %get3A_131, %and3A_142 : vector<16xi32>
      %swap3A_144 = arith.constant 0 : i32
      %swap3A_145 = arith.index_cast %swap3A_144 : i32 to index
      %swap3A_146 = arith.constant 64 : index
      %swap3A_147 = tpu.vector_load %arg7[%swap3A_145, %swap3A_146] {strides = array<i32>} : memref<2x128xi32, #tpu.memory_space<vmem>>, vector<1x16xi32>,
      %swap3A_148 = vector.shape_cast %swap3A_147 : vector<1x16xi32> to vector<16xi32>
      %swap3A_149 = vector.shape_cast %and3A_143 : vector<16xi32> to vector<1x16xi32>
      tpu.vector_store %arg7[%swap3A_145, %swap3A_146], %swap3A_149 {strides = array<i32>} : memref<2x128xi32, #tpu.memory_space<vmem>>, vector<1x16xi32>,
      %get3A_150 = arith.index_cast %scan3A_42 : i32 to index
      %get3A_151 = arith.constant 80 : index
      %get3A_152 = tpu.vector_load %arg5[%get3A_150, %get3A_151] {strides = array<i32>} : memref<80x128xi32, #tpu.memory_space<vmem>>, vector<1x16xi32>,
      %get3A_153 = vector.shape_cast %get3A_152 : vector<1x16xi32> to vector<16xi32>
      %shift_right_logical3A_154 = arith.constant 14 : i32
      %shift_right_logical3A_155 = vector.broadcast %shift_right_logical3A_154 : i32 to vector<16xi32>
      %shift_right_logical3A_156 = arith.shrui %get3A_153, %shift_right_logical3A_155 : vector<16xi32>
      %swap3A_157 = arith.constant 0 : i32
      %swap3A_158 = arith.index_cast %swap3A_157 : i32 to index
      %swap3A_159 = arith.constant 80 : index
      %swap3A_160 = tpu.vector_load %arg6[%swap3A_158, %swap3A_159] {strides = array<i32>} : memref<2x128xi32, #tpu.memory_space<vmem>>, vector<1x16xi32>,
      %swap3A_161 = vector.shape_cast %swap3A_160 : vector<1x16xi32> to vector<16xi32>
      %swap3A_162 = vector.shape_cast %shift_right_logical3A_156 : vector<16xi32> to vector<1x16xi32>
      tpu.vector_store %arg6[%swap3A_158, %swap3A_159], %swap3A_162 {strides = array<i32>} : memref<2x128xi32, #tpu.memory_space<vmem>>, vector<1x16xi32>,
      %and3A_163 = arith.constant 16383 : i32
      %and3A_164 = vector.broadcast %and3A_163 : i32 to vector<16xi32>
      %and3A_165 = arith.andi %get3A_153, %and3A_164 : vector<16xi32>
      %swap3A_166 = arith.constant 0 : i32
      %swap3A_167 = arith.index_cast %swap3A_166 : i32 to index
      %swap3A_168 = arith.constant 80 : index
      %swap3A_169 = tpu.vector_load %arg7[%swap3A_167, %swap3A_168] {strides = array<i32>} : memref<2x128xi32, #tpu.memory_space<vmem>>, vector<1x16xi32>,
      %swap3A_170 = vector.shape_cast %swap3A_169 : vector<1x16xi32> to vector<16xi32>
      %swap3A_171 = vector.shape_cast %and3A_165 : vector<16xi32> to vector<1x16xi32>
      tpu.vector_store %arg7[%swap3A_167, %swap3A_168], %swap3A_171 {strides = array<i32>} : memref<2x128xi32, #tpu.memory_space<vmem>>, vector<1x16xi32>,
      %get3A_172 = arith.index_cast %scan3A_42 : i32 to index
      %get3A_173 = arith.constant 96 : index
      %get3A_174 = tpu.vector_load %arg5[%get3A_172, %get3A_173] {strides = array<i32>} : memref<80x128xi32, #tpu.memory_space<vmem>>, vector<1x16xi32>,
      %get3A_175 = vector.shape_cast %get3A_174 : vector<1x16xi32> to vector<16xi32>
      %shift_right_logical3A_176 = arith.constant 14 : i32
      %shift_right_logical3A_177 = vector.broadcast %shift_right_logical3A_176 : i32 to vector<16xi32>
      %shift_right_logical3A_178 = arith.shrui %get3A_175, %shift_right_logical3A_177 : vector<16xi32>
      %swap3A_179 = arith.constant 0 : i32
      %swap3A_180 = arith.index_cast %swap3A_179 : i32 to index
      %swap3A_181 = arith.constant 96 : index
      %swap3A_182 = tpu.vector_load %arg6[%swap3A_180, %swap3A_181] {strides = array<i32>} : memref<2x128xi32, #tpu.memory_space<vmem>>, vector<1x16xi32>,
      %swap3A_183 = vector.shape_cast %swap3A_182 : vector<1x16xi32> to vector<16xi32>
      %swap3A_184 = vector.shape_cast %shift_right_logical3A_178 : vector<16xi32> to vector<1x16xi32>
      tpu.vector_store %arg6[%swap3A_180, %swap3A_181], %swap3A_184 {strides = array<i32>} : memref<2x128xi32, #tpu.memory_space<vmem>>, vector<1x16xi32>,
      %and3A_185 = arith.constant 16383 : i32
      %and3A_186 = vector.broadcast %and3A_185 : i32 to vector<16xi32>
      %and3A_187 = arith.andi %get3A_175, %and3A_186 : vector<16xi32>
      %swap3A_188 = arith.constant 0 : i32
      %swap3A_189 = arith.index_cast %swap3A_188 : i32 to index
      %swap3A_190 = arith.constant 96 : index
      %swap3A_191 = tpu.vector_load %arg7[%swap3A_189, %swap3A_190] {strides = array<i32>} : memref<2x128xi32, #tpu.memory_space<vmem>>, vector<1x16xi32>,
      %swap3A_192 = vector.shape_cast %swap3A_191 : vector<1x16xi32> to vector<16xi32>
      %swap3A_193 = vector.shape_cast %and3A_187 : vector<16xi32> to vector<1x16xi32>
      tpu.vector_store %arg7[%swap3A_189, %swap3A_190], %swap3A_193 {strides = array<i32>} : memref<2x128xi32, #tpu.memory_space<vmem>>, vector<1x16xi32>,
      %get3A_194 = arith.index_cast %scan3A_42 : i32 to index
      %get3A_195 = arith.constant 112 : index
      %get3A_196 = tpu.vector_load %arg5[%get3A_194, %get3A_195] {strides = array<i32>} : memref<80x128xi32, #tpu.memory_space<vmem>>, vector<1x16xi32>,
      %get3A_197 = vector.shape_cast %get3A_196 : vector<1x16xi32> to vector<16xi32>
      %shift_right_logical3A_198 = arith.constant 14 : i32
      %shift_right_logical3A_199 = vector.broadcast %shift_right_logical3A_198 : i32 to vector<16xi32>
      %shift_right_logical3A_200 = arith.shrui %get3A_197, %shift_right_logical3A_199 : vector<16xi32>
      %swap3A_201 = arith.constant 0 : i32
      %swap3A_202 = arith.index_cast %swap3A_201 : i32 to index
      %swap3A_203 = arith.constant 112 : index
      %swap3A_204 = tpu.vector_load %arg6[%swap3A_202, %swap3A_203] {strides = array<i32>} : memref<2x128xi32, #tpu.memory_space<vmem>>, vector<1x16xi32>,
      %swap3A_205 = vector.shape_cast %swap3A_204 : vector<1x16xi32> to vector<16xi32>
      %swap3A_206 = vector.shape_cast %shift_right_logical3A_200 : vector<16xi32> to vector<1x16xi32>
      tpu.vector_store %arg6[%swap3A_202, %swap3A_203], %swap3A_206 {strides = array<i32>} : memref<2x128xi32, #tpu.memory_space<vmem>>, vector<1x16xi32>,
      %and3A_207 = arith.constant 16383 : i32
      %and3A_208 = vector.broadcast %and3A_207 : i32 to vector<16xi32>
      %and3A_209 = arith.andi %get3A_197, %and3A_208 : vector<16xi32>
      %swap3A_210 = arith.constant 0 : i32
      %swap3A_211 = arith.index_cast %swap3A_210 : i32 to index
      %swap3A_212 = arith.constant 112 : index
      %swap3A_213 = tpu.vector_load %arg7[%swap3A_211, %swap3A_212] {strides = array<i32>} : memref<2x128xi32, #tpu.memory_space<vmem>>, vector<1x16xi32>,
      %swap3A_214 = vector.shape_cast %swap3A_213 : vector<1x16xi32> to vector<16xi32>
      %swap3A_215 = vector.shape_cast %and3A_209 : vector<16xi32> to vector<1x16xi32>
      tpu.vector_store %arg7[%swap3A_211, %swap3A_212], %swap3A_215 {strides = array<i32>} : memref<2x128xi32, #tpu.memory_space<vmem>>, vector<1x16xi32>,
      %dma_start3A = arith.constant 0 : i32
      %dma_start3A_216 = arith.constant 0 : i32
      %dma_start3A_217 = tpu.memref_slice %arg6[%dma_start3A, %dma_start3A_216] : memref<2x128xi32, #tpu.memory_space<vmem>> -> memref<1x128xi32, #tpu.memory_space<vmem>>
      %dma_start3A_218 = tpu.memref_squeeze %dma_start3A_217 : memref<1x128xi32, #tpu.memory_space<vmem>> -> memref<128xi32, #tpu.memory_space<vmem>>
      %dma_start3A_219 = arith.constant 0 : i32
      %dma_start3A_220 = arith.constant 0 : i32
      %dma_start3A_221 = tpu.memref_slice %arg2[%dma_start3A_219, %dma_start3A_220] : memref<10240x128xf32, #tpu.memory_space<hbm>> -> memref<10240x128xf32, #tpu.memory_space<hbm>>
      tpu.enqueue_indirect_dma source(%dma_start3A_221 : memref<10240x128xf32, #tpu.memory_space<hbm>>) target(%arg8 : memref<128x128xf32, #tpu.memory_space<vmem>>) offsets(%dma_start3A_218 : memref<128xi32, #tpu.memory_space<vmem>>) semaphore(%arg10 : memref<!tpu.dma_semaphore, #tpu.memory_space<semaphore_mem>>)
      %dma_wait3A = arith.constant 0 : i32
      %dma_wait3A_222 = arith.constant 0 : i32
      %dma_wait3A_223 = tpu.memref_slice %arg6[%dma_wait3A, %dma_wait3A_222] : memref<2x128xi32, #tpu.memory_space<vmem>> -> memref<1x128xi32, #tpu.memory_space<vmem>>
      %dma_wait3A_224 = tpu.memref_squeeze %dma_wait3A_223 : memref<1x128xi32, #tpu.memory_space<vmem>> -> memref<128xi32, #tpu.memory_space<vmem>>
      %dma_wait3A_225 = arith.constant 0 : i32
      %dma_wait3A_226 = arith.constant 0 : i32
      %dma_wait3A_227 = tpu.memref_slice %arg2[%dma_wait3A_225, %dma_wait3A_226] : memref<10240x128xf32, #tpu.memory_space<hbm>> -> memref<10240x128xf32, #tpu.memory_space<hbm>>
      tpu.wait_indirect_dma semaphore(%arg10 : memref<!tpu.dma_semaphore, #tpu.memory_space<semaphore_mem>>) src(%dma_wait3A_227 : memref<10240x128xf32, #tpu.memory_space<hbm>>) dst(%arg8 : memref<128x128xf32, #tpu.memory_space<vmem>>)
      %run_scoped3A = arith.constant 0 : i32
      "tpu.region"() ({
        %run_scoped3A_229 = tpu.sem_alloc : memref<!tpu.dma_semaphore, #tpu.memory_space<semaphore_mem>>
        %dma_start3A_230 = arith.constant 0 : i32
        %dma_start3A_231 = tpu.memref_slice %arg7[%run_scoped3A, %dma_start3A_230] : memref<2x128xi32, #tpu.memory_space<vmem>> -> memref<1x128xi32, #tpu.memory_space<vmem>>
        %dma_start3A_232 = tpu.memref_squeeze %dma_start3A_231 : memref<1x128xi32, #tpu.memory_space<vmem>> -> memref<128xi32, #tpu.memory_space<vmem>>
        %dma_start3A_233 = arith.constant 0 : i32
        %dma_start3A_234 = arith.constant 0 : i32
        %dma_start3A_235 = tpu.memref_slice %arg9[%dma_start3A_233, %dma_start3A_234] : memref<10240x128xf32, #tpu.memory_space<vmem_shared>> -> memref<10240x128xf32, #tpu.memory_space<vmem_shared>>
        tpu.enqueue_indirect_dma source(%arg8 : memref<128x128xf32, #tpu.memory_space<vmem>>) target(%dma_start3A_235 : memref<10240x128xf32, #tpu.memory_space<vmem_shared>>) offsets(%dma_start3A_232 : memref<128xi32, #tpu.memory_space<vmem>>) semaphore(%run_scoped3A_229 : memref<!tpu.dma_semaphore, #tpu.memory_space<semaphore_mem>>) {add = true}
        %dma_wait3A_236 = arith.constant 0 : i32
        %dma_wait3A_237 = tpu.memref_slice %arg7[%run_scoped3A, %dma_wait3A_236] : memref<2x128xi32, #tpu.memory_space<vmem>> -> memref<1x128xi32, #tpu.memory_space<vmem>>
        %dma_wait3A_238 = tpu.memref_squeeze %dma_wait3A_237 : memref<1x128xi32, #tpu.memory_space<vmem>> -> memref<128xi32, #tpu.memory_space<vmem>>
        %dma_wait3A_239 = arith.constant 0 : i32
        %dma_wait3A_240 = arith.constant 0 : i32
        %dma_wait3A_241 = tpu.memref_slice %arg9[%dma_wait3A_239, %dma_wait3A_240] : memref<10240x128xf32, #tpu.memory_space<vmem_shared>> -> memref<10240x128xf32, #tpu.memory_space<vmem_shared>>
        tpu.wait_indirect_dma semaphore(%run_scoped3A_229 : memref<!tpu.dma_semaphore, #tpu.memory_space<semaphore_mem>>) src(%arg8 : memref<128x128xf32, #tpu.memory_space<vmem>>) dst(%dma_wait3A_241 : memref<10240x128xf32, #tpu.memory_space<vmem_shared>>)
        tpu.yield
      }) : () -> ()
      %scan3A_228 = arith.constant 0 : i32
      scf.yield %scan3A_228 : i32
    }
    %scan3A_36 = arith.constant 80 : i32
    %barrier3A_37 = arith.constant 0 : index
    tpu.barrier barrier_id(%barrier3A_37)
    %mul3A_38 = arith.constant 640 : i32
    %mul3A_39 = arith.muli %arg1, %mul3A_38 : i32
    %mul3A_40 = arith.constant 640 : i32
    %mul3A_41 = arith.muli %arg1, %mul3A_40 : i32
    "tpu.region"() ({
      %run_scoped3A = tpu.sem_alloc : memref<!tpu.dma_semaphore, #tpu.memory_space<semaphore_mem>>
      %dma_start3A = arith.constant 0 : i32
      %dma_start3A_42 = arith.constant 0 : i32
      %dma_start3A_43 = tpu.memref_slice %arg4[%arg0, %dma_start3A, %dma_start3A_42] : memref<2x10240x128xf32, #tpu.memory_space<hbm>> -> memref<1x10240x128xf32, #tpu.memory_space<hbm>>
      %dma_start3A_44 = tpu.memref_squeeze %dma_start3A_43 : memref<1x10240x128xf32, #tpu.memory_space<hbm>> -> memref<10240x128xf32, #tpu.memory_space<hbm>>
      %dma_start3A_45 = arith.constant 0 : i32
      %dma_start3A_46 = tpu.memref_slice %dma_start3A_44[%mul3A_41, %dma_start3A_45] : memref<10240x128xf32, #tpu.memory_space<hbm>> -> memref<640x128xf32, #tpu.memory_space<hbm>>
      %dma_start3A_47 = arith.constant 0 : i32
      %dma_start3A_48 = tpu.memref_slice %arg9[%mul3A_39, %dma_start3A_47] : memref<10240x128xf32, #tpu.memory_space<vmem_shared>> -> memref<640x128xf32, #tpu.memory_space<vmem_shared>>
      tpu.enqueue_dma source(%dma_start3A_48 : memref<640x128xf32, #tpu.memory_space<vmem_shared>>) target(%dma_start3A_46 : memref<640x128xf32, #tpu.memory_space<hbm>>) target_semaphore(%run_scoped3A : memref<!tpu.dma_semaphore, #tpu.memory_space<semaphore_mem>>)
      %dma_wait3A = arith.constant 0 : i32
      %dma_wait3A_49 = arith.constant 0 : i32
      %dma_wait3A_50 = tpu.memref_slice %arg4[%arg0, %dma_wait3A, %dma_wait3A_49] : memref<2x10240x128xf32, #tpu.memory_space<hbm>> -> memref<1x10240x128xf32, #tpu.memory_space<hbm>>
      %dma_wait3A_51 = tpu.memref_squeeze %dma_wait3A_50 : memref<1x10240x128xf32, #tpu.memory_space<hbm>> -> memref<10240x128xf32, #tpu.memory_space<hbm>>
      %dma_wait3A_52 = arith.constant 0 : i32
      %dma_wait3A_53 = tpu.memref_slice %dma_wait3A_51[%mul3A_41, %dma_wait3A_52] : memref<10240x128xf32, #tpu.memory_space<hbm>> -> memref<640x128xf32, #tpu.memory_space<hbm>>
      %dma_wait3A_54 = arith.constant 0 : i32
      %dma_wait3A_55 = tpu.memref_slice %arg9[%mul3A_39, %dma_wait3A_54] : memref<10240x128xf32, #tpu.memory_space<vmem_shared>> -> memref<640x128xf32, #tpu.memory_space<vmem_shared>>
      tpu.wait_dma2 semaphore(%run_scoped3A : memref<!tpu.dma_semaphore, #tpu.memory_space<semaphore_mem>>) src(%dma_wait3A_55 : memref<640x128xf32, #tpu.memory_space<vmem_shared>>) dst(%dma_wait3A_53 : memref<640x128xf32, #tpu.memory_space<hbm>>)
      tpu.yield
    }) : () -> ()
    return
  }
}

#map = affine_map<(d0, d1) -> (0, 0)>
#map1 = affine_map<(d0, d1) -> (0, 0, 0)>
module attributes {stable_mosaic.version = 14 : i64} {
  func.func @_agg(%arg0: i32, %arg1: i32, %arg2: memref<10240x128xf32, #tpu.memory_space<hbm>>, %arg3: memref<2560x128xi32, #tpu.memory_space<hbm>>, %arg4: memref<2x10240x128xf32, #tpu.memory_space<hbm>>, %arg5: memref<80x128xi32, #tpu.memory_space<vmem>>, %arg6: memref<2x128xi32, #tpu.memory_space<vmem>>, %arg7: memref<2x128xi32, #tpu.memory_space<vmem>>, %arg8: memref<128x128xf32, #tpu.memory_space<vmem>>, %arg9: memref<10240x128xf32, #tpu.memory_space<vmem_shared>>, %arg10: memref<!tpu.dma_semaphore, #tpu.memory_space<semaphore_mem>>) attributes {dimension_semantics = [#tpu.dimension_semantics<core_parallel>, #tpu.dimension_semantics<subcore_parallel>], iteration_bounds = array<i64: 2, 16>, scalar_prefetch = 0 : i64, scratch_operands = 6 : i64, tpu.core_type = #tpu.core_type<sc_vector_subcore>, window_params = [{transform_indices = #map}, {transform_indices = #map}, {transform_indices = #map1}]} {
    %mul3A = arith.constant 2 : i32
    %mul3A_0 = arith.muli %arg1, %mul3A : i32
    %add3A = arith.addi %mul3A_0, %arg0 : i32
    %mul3A_1 = arith.constant 80 : i32
    %mul3A_2 = arith.muli %add3A, %mul3A_1 : i32
    "tpu.region"() ({
      %run_scoped3A = tpu.sem_alloc : memref<!tpu.dma_semaphore, #tpu.memory_space<semaphore_mem>>
      %dma_start3A = arith.constant 0 : i32
      %dma_start3A_42 = tpu.memref_slice %arg3[%mul3A_2, %dma_start3A] : memref<2560x128xi32, #tpu.memory_space<hbm>> -> memref<80x128xi32, #tpu.memory_space<hbm>>
      %dma_start3A_43 = arith.constant 0 : i32
      %dma_start3A_44 = tpu.memref_slice %arg3[%mul3A_2, %dma_start3A_43] : memref<2560x128xi32, #tpu.memory_space<hbm>> -> memref<80x128xi32, #tpu.memory_space<hbm>>
      tpu.enqueue_dma source(%dma_start3A_44 : memref<80x128xi32, #tpu.memory_space<hbm>>) target(%arg5 : memref<80x128xi32, #tpu.memory_space<vmem>>) target_semaphore(%run_scoped3A : memref<!tpu.dma_semaphore, #tpu.memory_space<semaphore_mem>>)
      %dma_wait3A = arith.constant 0 : i32
      %dma_wait3A_45 = tpu.memref_slice %arg3[%mul3A_2, %dma_wait3A] : memref<2560x128xi32, #tpu.memory_space<hbm>> -> memref<80x128xi32, #tpu.memory_space<hbm>>
      %dma_wait3A_46 = arith.constant 0 : i32
      %dma_wait3A_47 = tpu.memref_slice %arg3[%mul3A_2, %dma_wait3A_46] : memref<2560x128xi32, #tpu.memory_space<hbm>> -> memref<80x128xi32, #tpu.memory_space<hbm>>
      tpu.wait_dma2 semaphore(%run_scoped3A : memref<!tpu.dma_semaphore, #tpu.memory_space<semaphore_mem>>) src(%dma_wait3A_47 : memref<80x128xi32, #tpu.memory_space<hbm>>) dst(%arg5 : memref<80x128xi32, #tpu.memory_space<vmem>>)
      tpu.yield
    }) : () -> ()
    %broadcast_in_dim3A = arith.constant 0.000000e+00 : f32
    %broadcast_in_dim3A_3 = vector.broadcast %broadcast_in_dim3A : f32 to vector<16xf32>
    %scan3A = arith.constant 0 : i32
    %scan3A_4 = arith.constant 0 : i32
    %scan3A_5 = arith.constant 128 : i32
    %scan3A_6 = arith.addi %scan3A_4, %scan3A_5 : i32
    %scan3A_7 = arith.constant 1 : i32
    %scan3A_8 = scf.for %scan3A_42 = %scan3A_4 to %scan3A_6 step %scan3A_7 iter_args(%scan3A_43 = %scan3A) -> (i32)  : i32 {
      %swap3A = arith.index_cast %scan3A_42 : i32 to index
      %swap3A_44 = arith.constant 0 : index
      %swap3A_45 = tpu.vector_load %arg8[%swap3A, %swap3A_44] {strides = array<i32>} : memref<128x128xf32, #tpu.memory_space<vmem>>, vector<1x16xf32>,
      %swap3A_46 = vector.shape_cast %swap3A_45 : vector<1x16xf32> to vector<16xf32>
      %swap3A_47 = vector.shape_cast %broadcast_in_dim3A_3 : vector<16xf32> to vector<1x16xf32>
      tpu.vector_store %arg8[%swap3A, %swap3A_44], %swap3A_47 {strides = array<i32>} : memref<128x128xf32, #tpu.memory_space<vmem>>, vector<1x16xf32>,
      %swap3A_48 = arith.index_cast %scan3A_42 : i32 to index
      %swap3A_49 = arith.constant 16 : index
      %swap3A_50 = tpu.vector_load %arg8[%swap3A_48, %swap3A_49] {strides = array<i32>} : memref<128x128xf32, #tpu.memory_space<vmem>>, vector<1x16xf32>,
      %swap3A_51 = vector.shape_cast %swap3A_50 : vector<1x16xf32> to vector<16xf32>
      %swap3A_52 = vector.shape_cast %broadcast_in_dim3A_3 : vector<16xf32> to vector<1x16xf32>
      tpu.vector_store %arg8[%swap3A_48, %swap3A_49], %swap3A_52 {strides = array<i32>} : memref<128x128xf32, #tpu.memory_space<vmem>>, vector<1x16xf32>,
      %swap3A_53 = arith.index_cast %scan3A_42 : i32 to index
      %swap3A_54 = arith.constant 32 : index
      %swap3A_55 = tpu.vector_load %arg8[%swap3A_53, %swap3A_54] {strides = array<i32>} : memref<128x128xf32, #tpu.memory_space<vmem>>, vector<1x16xf32>,
      %swap3A_56 = vector.shape_cast %swap3A_55 : vector<1x16xf32> to vector<16xf32>
      %swap3A_57 = vector.shape_cast %broadcast_in_dim3A_3 : vector<16xf32> to vector<1x16xf32>
      tpu.vector_store %arg8[%swap3A_53, %swap3A_54], %swap3A_57 {strides = array<i32>} : memref<128x128xf32, #tpu.memory_space<vmem>>, vector<1x16xf32>,
      %swap3A_58 = arith.index_cast %scan3A_42 : i32 to index
      %swap3A_59 = arith.constant 48 : index
      %swap3A_60 = tpu.vector_load %arg8[%swap3A_58, %swap3A_59] {strides = array<i32>} : memref<128x128xf32, #tpu.memory_space<vmem>>, vector<1x16xf32>,
      %swap3A_61 = vector.shape_cast %swap3A_60 : vector<1x16xf32> to vector<16xf32>
      %swap3A_62 = vector.shape_cast %broadcast_in_dim3A_3 : vector<16xf32> to vector<1x16xf32>
      tpu.vector_store %arg8[%swap3A_58, %swap3A_59], %swap3A_62 {strides = array<i32>} : memref<128x128xf32, #tpu.memory_space<vmem>>, vector<1x16xf32>,
      %swap3A_63 = arith.index_cast %scan3A_42 : i32 to index
      %swap3A_64 = arith.constant 64 : index
      %swap3A_65 = tpu.vector_load %arg8[%swap3A_63, %swap3A_64] {strides = array<i32>} : memref<128x128xf32, #tpu.memory_space<vmem>>, vector<1x16xf32>,
      %swap3A_66 = vector.shape_cast %swap3A_65 : vector<1x16xf32> to vector<16xf32>
      %swap3A_67 = vector.shape_cast %broadcast_in_dim3A_3 : vector<16xf32> to vector<1x16xf32>
      tpu.vector_store %arg8[%swap3A_63, %swap3A_64], %swap3A_67 {strides = array<i32>} : memref<128x128xf32, #tpu.memory_space<vmem>>, vector<1x16xf32>,
      %swap3A_68 = arith.index_cast %scan3A_42 : i32 to index
      %swap3A_69 = arith.constant 80 : index
      %swap3A_70 = tpu.vector_load %arg8[%swap3A_68, %swap3A_69] {strides = array<i32>} : memref<128x128xf32, #tpu.memory_space<vmem>>, vector<1x16xf32>,
      %swap3A_71 = vector.shape_cast %swap3A_70 : vector<1x16xf32> to vector<16xf32>
      %swap3A_72 = vector.shape_cast %broadcast_in_dim3A_3 : vector<16xf32> to vector<1x16xf32>
      tpu.vector_store %arg8[%swap3A_68, %swap3A_69], %swap3A_72 {strides = array<i32>} : memref<128x128xf32, #tpu.memory_space<vmem>>, vector<1x16xf32>,
      %swap3A_73 = arith.index_cast %scan3A_42 : i32 to index
      %swap3A_74 = arith.constant 96 : index
      %swap3A_75 = tpu.vector_load %arg8[%swap3A_73, %swap3A_74] {strides = array<i32>} : memref<128x128xf32, #tpu.memory_space<vmem>>, vector<1x16xf32>,
      %swap3A_76 = vector.shape_cast %swap3A_75 : vector<1x16xf32> to vector<16xf32>
      %swap3A_77 = vector.shape_cast %broadcast_in_dim3A_3 : vector<16xf32> to vector<1x16xf32>
      tpu.vector_store %arg8[%swap3A_73, %swap3A_74], %swap3A_77 {strides = array<i32>} : memref<128x128xf32, #tpu.memory_space<vmem>>, vector<1x16xf32>,
      %swap3A_78 = arith.index_cast %scan3A_42 : i32 to index
      %swap3A_79 = arith.constant 112 : index
      %swap3A_80 = tpu.vector_load %arg8[%swap3A_78, %swap3A_79] {strides = array<i32>} : memref<128x128xf32, #tpu.memory_space<vmem>>, vector<1x16xf32>,
      %swap3A_81 = vector.shape_cast %swap3A_80 : vector<1x16xf32> to vector<16xf32>
      %swap3A_82 = vector.shape_cast %broadcast_in_dim3A_3 : vector<16xf32> to vector<1x16xf32>
      tpu.vector_store %arg8[%swap3A_78, %swap3A_79], %swap3A_82 {strides = array<i32>} : memref<128x128xf32, #tpu.memory_space<vmem>>, vector<1x16xf32>,
      %scan3A_83 = arith.constant 0 : i32
      scf.yield %scan3A_83 : i32
    }
    %scan3A_9 = arith.constant 128 : i32
    %mul3A_10 = arith.constant 640 : i32
    %mul3A_11 = arith.muli %arg1, %mul3A_10 : i32
    %add3A_12 = arith.constant 0 : i32
    %add3A_13 = arith.addi %mul3A_11, %add3A_12 : i32
    "tpu.region"() ({
      %run_scoped3A = tpu.sem_alloc : memref<!tpu.dma_semaphore, #tpu.memory_space<semaphore_mem>>
      %dma_start3A = arith.constant 0 : i32
      %dma_start3A_42 = tpu.memref_slice %arg9[%add3A_13, %dma_start3A] : memref<10240x128xf32, #tpu.memory_space<vmem_shared>> -> memref<128x128xf32, #tpu.memory_space<vmem_shared>>
      %dma_start3A_43 = arith.constant 0 : i32
      %dma_start3A_44 = tpu.memref_slice %arg9[%add3A_13, %dma_start3A_43] : memref<10240x128xf32, #tpu.memory_space<vmem_shared>> -> memref<128x128xf32, #tpu.memory_space<vmem_shared>>
      tpu.enqueue_dma source(%arg8 : memref<128x128xf32, #tpu.memory_space<vmem>>) target(%dma_start3A_44 : memref<128x128xf32, #tpu.memory_space<vmem_shared>>) target_semaphore(%run_scoped3A : memref<!tpu.dma_semaphore, #tpu.memory_space<semaphore_mem>>)
      %dma_wait3A = arith.constant 0 : i32
      %dma_wait3A_45 = tpu.memref_slice %arg9[%add3A_13, %dma_wait3A] : memref<10240x128xf32, #tpu.memory_space<vmem_shared>> -> memref<128x128xf32, #tpu.memory_space<vmem_shared>>
      %dma_wait3A_46 = arith.constant 0 : i32
      %dma_wait3A_47 = tpu.memref_slice %arg9[%add3A_13, %dma_wait3A_46] : memref<10240x128xf32, #tpu.memory_space<vmem_shared>> -> memref<128x128xf32, #tpu.memory_space<vmem_shared>>
      tpu.wait_dma2 semaphore(%run_scoped3A : memref<!tpu.dma_semaphore, #tpu.memory_space<semaphore_mem>>) src(%arg8 : memref<128x128xf32, #tpu.memory_space<vmem>>) dst(%dma_wait3A_47 : memref<128x128xf32, #tpu.memory_space<vmem_shared>>)
      tpu.yield
    }) : () -> ()
    %mul3A_14 = arith.constant 640 : i32
    %mul3A_15 = arith.muli %arg1, %mul3A_14 : i32
    %add3A_16 = arith.constant 128 : i32
    %add3A_17 = arith.addi %mul3A_15, %add3A_16 : i32
    "tpu.region"() ({
      %run_scoped3A = tpu.sem_alloc : memref<!tpu.dma_semaphore, #tpu.memory_space<semaphore_mem>>
      %dma_start3A = arith.constant 0 : i32
      %dma_start3A_42 = tpu.memref_slice %arg9[%add3A_17, %dma_start3A] : memref<10240x128xf32, #tpu.memory_space<vmem_shared>> -> memref<128x128xf32, #tpu.memory_space<vmem_shared>>
      %dma_start3A_43 = arith.constant 0 : i32
      %dma_start3A_44 = tpu.memref_slice %arg9[%add3A_17, %dma_start3A_43] : memref<10240x128xf32, #tpu.memory_space<vmem_shared>> -> memref<128x128xf32, #tpu.memory_space<vmem_shared>>
      tpu.enqueue_dma source(%arg8 : memref<128x128xf32, #tpu.memory_space<vmem>>) target(%dma_start3A_44 : memref<128x128xf32, #tpu.memory_space<vmem_shared>>) target_semaphore(%run_scoped3A : memref<!tpu.dma_semaphore, #tpu.memory_space<semaphore_mem>>)
      %dma_wait3A = arith.constant 0 : i32
      %dma_wait3A_45 = tpu.memref_slice %arg9[%add3A_17, %dma_wait3A] : memref<10240x128xf32, #tpu.memory_space<vmem_shared>> -> memref<128x128xf32, #tpu.memory_space<vmem_shared>>
      %dma_wait3A_46 = arith.constant 0 : i32
      %dma_wait3A_47 = tpu.memref_slice %arg9[%add3A_17, %dma_wait3A_46] : memref<10240x128xf32, #tpu.memory_space<vmem_shared>> -> memref<128x128xf32, #tpu.memory_space<vmem_shared>>
      tpu.wait_dma2 semaphore(%run_scoped3A : memref<!tpu.dma_semaphore, #tpu.memory_space<semaphore_mem>>) src(%arg8 : memref<128x128xf32, #tpu.memory_space<vmem>>) dst(%dma_wait3A_47 : memref<128x128xf32, #tpu.memory_space<vmem_shared>>)
      tpu.yield
    }) : () -> ()
    %mul3A_18 = arith.constant 640 : i32
    %mul3A_19 = arith.muli %arg1, %mul3A_18 : i32
    %add3A_20 = arith.constant 256 : i32
    %add3A_21 = arith.addi %mul3A_19, %add3A_20 : i32
    "tpu.region"() ({
      %run_scoped3A = tpu.sem_alloc : memref<!tpu.dma_semaphore, #tpu.memory_space<semaphore_mem>>
      %dma_start3A = arith.constant 0 : i32
      %dma_start3A_42 = tpu.memref_slice %arg9[%add3A_21, %dma_start3A] : memref<10240x128xf32, #tpu.memory_space<vmem_shared>> -> memref<128x128xf32, #tpu.memory_space<vmem_shared>>
      %dma_start3A_43 = arith.constant 0 : i32
      %dma_start3A_44 = tpu.memref_slice %arg9[%add3A_21, %dma_start3A_43] : memref<10240x128xf32, #tpu.memory_space<vmem_shared>> -> memref<128x128xf32, #tpu.memory_space<vmem_shared>>
      tpu.enqueue_dma source(%arg8 : memref<128x128xf32, #tpu.memory_space<vmem>>) target(%dma_start3A_44 : memref<128x128xf32, #tpu.memory_space<vmem_shared>>) target_semaphore(%run_scoped3A : memref<!tpu.dma_semaphore, #tpu.memory_space<semaphore_mem>>)
      %dma_wait3A = arith.constant 0 : i32
      %dma_wait3A_45 = tpu.memref_slice %arg9[%add3A_21, %dma_wait3A] : memref<10240x128xf32, #tpu.memory_space<vmem_shared>> -> memref<128x128xf32, #tpu.memory_space<vmem_shared>>
      %dma_wait3A_46 = arith.constant 0 : i32
      %dma_wait3A_47 = tpu.memref_slice %arg9[%add3A_21, %dma_wait3A_46] : memref<10240x128xf32, #tpu.memory_space<vmem_shared>> -> memref<128x128xf32, #tpu.memory_space<vmem_shared>>
      tpu.wait_dma2 semaphore(%run_scoped3A : memref<!tpu.dma_semaphore, #tpu.memory_space<semaphore_mem>>) src(%arg8 : memref<128x128xf32, #tpu.memory_space<vmem>>) dst(%dma_wait3A_47 : memref<128x128xf32, #tpu.memory_space<vmem_shared>>)
      tpu.yield
    }) : () -> ()
    %mul3A_22 = arith.constant 640 : i32
    %mul3A_23 = arith.muli %arg1, %mul3A_22 : i32
    %add3A_24 = arith.constant 384 : i32
    %add3A_25 = arith.addi %mul3A_23, %add3A_24 : i32
    "tpu.region"() ({
      %run_scoped3A = tpu.sem_alloc : memref<!tpu.dma_semaphore, #tpu.memory_space<semaphore_mem>>
      %dma_start3A = arith.constant 0 : i32
      %dma_start3A_42 = tpu.memref_slice %arg9[%add3A_25, %dma_start3A] : memref<10240x128xf32, #tpu.memory_space<vmem_shared>> -> memref<128x128xf32, #tpu.memory_space<vmem_shared>>
      %dma_start3A_43 = arith.constant 0 : i32
      %dma_start3A_44 = tpu.memref_slice %arg9[%add3A_25, %dma_start3A_43] : memref<10240x128xf32, #tpu.memory_space<vmem_shared>> -> memref<128x128xf32, #tpu.memory_space<vmem_shared>>
      tpu.enqueue_dma source(%arg8 : memref<128x128xf32, #tpu.memory_space<vmem>>) target(%dma_start3A_44 : memref<128x128xf32, #tpu.memory_space<vmem_shared>>) target_semaphore(%run_scoped3A : memref<!tpu.dma_semaphore, #tpu.memory_space<semaphore_mem>>)
      %dma_wait3A = arith.constant 0 : i32
      %dma_wait3A_45 = tpu.memref_slice %arg9[%add3A_25, %dma_wait3A] : memref<10240x128xf32, #tpu.memory_space<vmem_shared>> -> memref<128x128xf32, #tpu.memory_space<vmem_shared>>
      %dma_wait3A_46 = arith.constant 0 : i32
      %dma_wait3A_47 = tpu.memref_slice %arg9[%add3A_25, %dma_wait3A_46] : memref<10240x128xf32, #tpu.memory_space<vmem_shared>> -> memref<128x128xf32, #tpu.memory_space<vmem_shared>>
      tpu.wait_dma2 semaphore(%run_scoped3A : memref<!tpu.dma_semaphore, #tpu.memory_space<semaphore_mem>>) src(%arg8 : memref<128x128xf32, #tpu.memory_space<vmem>>) dst(%dma_wait3A_47 : memref<128x128xf32, #tpu.memory_space<vmem_shared>>)
      tpu.yield
    }) : () -> ()
    %mul3A_26 = arith.constant 640 : i32
    %mul3A_27 = arith.muli %arg1, %mul3A_26 : i32
    %add3A_28 = arith.constant 512 : i32
    %add3A_29 = arith.addi %mul3A_27, %add3A_28 : i32
    "tpu.region"() ({
      %run_scoped3A = tpu.sem_alloc : memref<!tpu.dma_semaphore, #tpu.memory_space<semaphore_mem>>
      %dma_start3A = arith.constant 0 : i32
      %dma_start3A_42 = tpu.memref_slice %arg9[%add3A_29, %dma_start3A] : memref<10240x128xf32, #tpu.memory_space<vmem_shared>> -> memref<128x128xf32, #tpu.memory_space<vmem_shared>>
      %dma_start3A_43 = arith.constant 0 : i32
      %dma_start3A_44 = tpu.memref_slice %arg9[%add3A_29, %dma_start3A_43] : memref<10240x128xf32, #tpu.memory_space<vmem_shared>> -> memref<128x128xf32, #tpu.memory_space<vmem_shared>>
      tpu.enqueue_dma source(%arg8 : memref<128x128xf32, #tpu.memory_space<vmem>>) target(%dma_start3A_44 : memref<128x128xf32, #tpu.memory_space<vmem_shared>>) target_semaphore(%run_scoped3A : memref<!tpu.dma_semaphore, #tpu.memory_space<semaphore_mem>>)
      %dma_wait3A = arith.constant 0 : i32
      %dma_wait3A_45 = tpu.memref_slice %arg9[%add3A_29, %dma_wait3A] : memref<10240x128xf32, #tpu.memory_space<vmem_shared>> -> memref<128x128xf32, #tpu.memory_space<vmem_shared>>
      %dma_wait3A_46 = arith.constant 0 : i32
      %dma_wait3A_47 = tpu.memref_slice %arg9[%add3A_29, %dma_wait3A_46] : memref<10240x128xf32, #tpu.memory_space<vmem_shared>> -> memref<128x128xf32, #tpu.memory_space<vmem_shared>>
      tpu.wait_dma2 semaphore(%run_scoped3A : memref<!tpu.dma_semaphore, #tpu.memory_space<semaphore_mem>>) src(%arg8 : memref<128x128xf32, #tpu.memory_space<vmem>>) dst(%dma_wait3A_47 : memref<128x128xf32, #tpu.memory_space<vmem_shared>>)
      tpu.yield
    }) : () -> ()
    %barrier3A = arith.constant 0 : index
    tpu.barrier barrier_id(%barrier3A)
    %scan3A_30 = arith.constant 0 : i32
    %scan3A_31 = arith.constant 0 : i32
    %scan3A_32 = arith.constant 80 : i32
    %scan3A_33 = arith.addi %scan3A_31, %scan3A_32 : i32
    %scan3A_34 = arith.constant 1 : i32
    %scan3A_35 = scf.for %scan3A_42 = %scan3A_31 to %scan3A_33 step %scan3A_34 iter_args(%scan3A_43 = %scan3A_30) -> (i32)  : i32 {
      %get3A = arith.index_cast %scan3A_42 : i32 to index
      %get3A_44 = arith.constant 0 : index
      %get3A_45 = tpu.vector_load %arg5[%get3A, %get3A_44] {strides = array<i32>} : memref<80x128xi32, #tpu.memory_space<vmem>>, vector<1x16xi32>,
      %get3A_46 = vector.shape_cast %get3A_45 : vector<1x16xi32> to vector<16xi32>
      %shift_right_logical3A = arith.constant 14 : i32
      %shift_right_logical3A_47 = vector.broadcast %shift_right_logical3A : i32 to vector<16xi32>
      %shift_right_logical3A_48 = arith.shrui %get3A_46, %shift_right_logical3A_47 : vector<16xi32>
      %swap3A = arith.constant 0 : i32
      %swap3A_49 = arith.index_cast %swap3A : i32 to index
      %swap3A_50 = arith.constant 0 : index
      %swap3A_51 = tpu.vector_load %arg6[%swap3A_49, %swap3A_50] {strides = array<i32>} : memref<2x128xi32, #tpu.memory_space<vmem>>, vector<1x16xi32>,
      %swap3A_52 = vector.shape_cast %swap3A_51 : vector<1x16xi32> to vector<16xi32>
      %swap3A_53 = vector.shape_cast %shift_right_logical3A_48 : vector<16xi32> to vector<1x16xi32>
      tpu.vector_store %arg6[%swap3A_49, %swap3A_50], %swap3A_53 {strides = array<i32>} : memref<2x128xi32, #tpu.memory_space<vmem>>, vector<1x16xi32>,
      %and3A = arith.constant 16383 : i32
      %and3A_54 = vector.broadcast %and3A : i32 to vector<16xi32>
      %and3A_55 = arith.andi %get3A_46, %and3A_54 : vector<16xi32>
      %swap3A_56 = arith.constant 0 : i32
      %swap3A_57 = arith.index_cast %swap3A_56 : i32 to index
      %swap3A_58 = arith.constant 0 : index
      %swap3A_59 = tpu.vector_load %arg7[%swap3A_57, %swap3A_58] {strides = array<i32>} : memref<2x128xi32, #tpu.memory_space<vmem>>, vector<1x16xi32>,
      %swap3A_60 = vector.shape_cast %swap3A_59 : vector<1x16xi32> to vector<16xi32>
      %swap3A_61 = vector.shape_cast %and3A_55 : vector<16xi32> to vector<1x16xi32>
      tpu.vector_store %arg7[%swap3A_57, %swap3A_58], %swap3A_61 {strides = array<i32>} : memref<2x128xi32, #tpu.memory_space<vmem>>, vector<1x16xi32>,
      %get3A_62 = arith.index_cast %scan3A_42 : i32 to index
      %get3A_63 = arith.constant 16 : index
      %get3A_64 = tpu.vector_load %arg5[%get3A_62, %get3A_63] {strides = array<i32>} : memref<80x128xi32, #tpu.memory_space<vmem>>, vector<1x16xi32>,
      %get3A_65 = vector.shape_cast %get3A_64 : vector<1x16xi32> to vector<16xi32>
      %shift_right_logical3A_66 = arith.constant 14 : i32
      %shift_right_logical3A_67 = vector.broadcast %shift_right_logical3A_66 : i32 to vector<16xi32>
      %shift_right_logical3A_68 = arith.shrui %get3A_65, %shift_right_logical3A_67 : vector<16xi32>
      %swap3A_69 = arith.constant 0 : i32
      %swap3A_70 = arith.index_cast %swap3A_69 : i32 to index
      %swap3A_71 = arith.constant 16 : index
      %swap3A_72 = tpu.vector_load %arg6[%swap3A_70, %swap3A_71] {strides = array<i32>} : memref<2x128xi32, #tpu.memory_space<vmem>>, vector<1x16xi32>,
      %swap3A_73 = vector.shape_cast %swap3A_72 : vector<1x16xi32> to vector<16xi32>
      %swap3A_74 = vector.shape_cast %shift_right_logical3A_68 : vector<16xi32> to vector<1x16xi32>
      tpu.vector_store %arg6[%swap3A_70, %swap3A_71], %swap3A_74 {strides = array<i32>} : memref<2x128xi32, #tpu.memory_space<vmem>>, vector<1x16xi32>,
      %and3A_75 = arith.constant 16383 : i32
      %and3A_76 = vector.broadcast %and3A_75 : i32 to vector<16xi32>
      %and3A_77 = arith.andi %get3A_65, %and3A_76 : vector<16xi32>
      %swap3A_78 = arith.constant 0 : i32
      %swap3A_79 = arith.index_cast %swap3A_78 : i32 to index
      %swap3A_80 = arith.constant 16 : index
      %swap3A_81 = tpu.vector_load %arg7[%swap3A_79, %swap3A_80] {strides = array<i32>} : memref<2x128xi32, #tpu.memory_space<vmem>>, vector<1x16xi32>,
      %swap3A_82 = vector.shape_cast %swap3A_81 : vector<1x16xi32> to vector<16xi32>
      %swap3A_83 = vector.shape_cast %and3A_77 : vector<16xi32> to vector<1x16xi32>
      tpu.vector_store %arg7[%swap3A_79, %swap3A_80], %swap3A_83 {strides = array<i32>} : memref<2x128xi32, #tpu.memory_space<vmem>>, vector<1x16xi32>,
      %get3A_84 = arith.index_cast %scan3A_42 : i32 to index
      %get3A_85 = arith.constant 32 : index
      %get3A_86 = tpu.vector_load %arg5[%get3A_84, %get3A_85] {strides = array<i32>} : memref<80x128xi32, #tpu.memory_space<vmem>>, vector<1x16xi32>,
      %get3A_87 = vector.shape_cast %get3A_86 : vector<1x16xi32> to vector<16xi32>
      %shift_right_logical3A_88 = arith.constant 14 : i32
      %shift_right_logical3A_89 = vector.broadcast %shift_right_logical3A_88 : i32 to vector<16xi32>
      %shift_right_logical3A_90 = arith.shrui %get3A_87, %shift_right_logical3A_89 : vector<16xi32>
      %swap3A_91 = arith.constant 0 : i32
      %swap3A_92 = arith.index_cast %swap3A_91 : i32 to index
      %swap3A_93 = arith.constant 32 : index
      %swap3A_94 = tpu.vector_load %arg6[%swap3A_92, %swap3A_93] {strides = array<i32>} : memref<2x128xi32, #tpu.memory_space<vmem>>, vector<1x16xi32>,
      %swap3A_95 = vector.shape_cast %swap3A_94 : vector<1x16xi32> to vector<16xi32>
      %swap3A_96 = vector.shape_cast %shift_right_logical3A_90 : vector<16xi32> to vector<1x16xi32>
      tpu.vector_store %arg6[%swap3A_92, %swap3A_93], %swap3A_96 {strides = array<i32>} : memref<2x128xi32, #tpu.memory_space<vmem>>, vector<1x16xi32>,
      %and3A_97 = arith.constant 16383 : i32
      %and3A_98 = vector.broadcast %and3A_97 : i32 to vector<16xi32>
      %and3A_99 = arith.andi %get3A_87, %and3A_98 : vector<16xi32>
      %swap3A_100 = arith.constant 0 : i32
      %swap3A_101 = arith.index_cast %swap3A_100 : i32 to index
      %swap3A_102 = arith.constant 32 : index
      %swap3A_103 = tpu.vector_load %arg7[%swap3A_101, %swap3A_102] {strides = array<i32>} : memref<2x128xi32, #tpu.memory_space<vmem>>, vector<1x16xi32>,
      %swap3A_104 = vector.shape_cast %swap3A_103 : vector<1x16xi32> to vector<16xi32>
      %swap3A_105 = vector.shape_cast %and3A_99 : vector<16xi32> to vector<1x16xi32>
      tpu.vector_store %arg7[%swap3A_101, %swap3A_102], %swap3A_105 {strides = array<i32>} : memref<2x128xi32, #tpu.memory_space<vmem>>, vector<1x16xi32>,
      %get3A_106 = arith.index_cast %scan3A_42 : i32 to index
      %get3A_107 = arith.constant 48 : index
      %get3A_108 = tpu.vector_load %arg5[%get3A_106, %get3A_107] {strides = array<i32>} : memref<80x128xi32, #tpu.memory_space<vmem>>, vector<1x16xi32>,
      %get3A_109 = vector.shape_cast %get3A_108 : vector<1x16xi32> to vector<16xi32>
      %shift_right_logical3A_110 = arith.constant 14 : i32
      %shift_right_logical3A_111 = vector.broadcast %shift_right_logical3A_110 : i32 to vector<16xi32>
      %shift_right_logical3A_112 = arith.shrui %get3A_109, %shift_right_logical3A_111 : vector<16xi32>
      %swap3A_113 = arith.constant 0 : i32
      %swap3A_114 = arith.index_cast %swap3A_113 : i32 to index
      %swap3A_115 = arith.constant 48 : index
      %swap3A_116 = tpu.vector_load %arg6[%swap3A_114, %swap3A_115] {strides = array<i32>} : memref<2x128xi32, #tpu.memory_space<vmem>>, vector<1x16xi32>,
      %swap3A_117 = vector.shape_cast %swap3A_116 : vector<1x16xi32> to vector<16xi32>
      %swap3A_118 = vector.shape_cast %shift_right_logical3A_112 : vector<16xi32> to vector<1x16xi32>
      tpu.vector_store %arg6[%swap3A_114, %swap3A_115], %swap3A_118 {strides = array<i32>} : memref<2x128xi32, #tpu.memory_space<vmem>>, vector<1x16xi32>,
      %and3A_119 = arith.constant 16383 : i32
      %and3A_120 = vector.broadcast %and3A_119 : i32 to vector<16xi32>
      %and3A_121 = arith.andi %get3A_109, %and3A_120 : vector<16xi32>
      %swap3A_122 = arith.constant 0 : i32
      %swap3A_123 = arith.index_cast %swap3A_122 : i32 to index
      %swap3A_124 = arith.constant 48 : index
      %swap3A_125 = tpu.vector_load %arg7[%swap3A_123, %swap3A_124] {strides = array<i32>} : memref<2x128xi32, #tpu.memory_space<vmem>>, vector<1x16xi32>,
      %swap3A_126 = vector.shape_cast %swap3A_125 : vector<1x16xi32> to vector<16xi32>
      %swap3A_127 = vector.shape_cast %and3A_121 : vector<16xi32> to vector<1x16xi32>
      tpu.vector_store %arg7[%swap3A_123, %swap3A_124], %swap3A_127 {strides = array<i32>} : memref<2x128xi32, #tpu.memory_space<vmem>>, vector<1x16xi32>,
      %get3A_128 = arith.index_cast %scan3A_42 : i32 to index
      %get3A_129 = arith.constant 64 : index
      %get3A_130 = tpu.vector_load %arg5[%get3A_128, %get3A_129] {strides = array<i32>} : memref<80x128xi32, #tpu.memory_space<vmem>>, vector<1x16xi32>,
      %get3A_131 = vector.shape_cast %get3A_130 : vector<1x16xi32> to vector<16xi32>
      %shift_right_logical3A_132 = arith.constant 14 : i32
      %shift_right_logical3A_133 = vector.broadcast %shift_right_logical3A_132 : i32 to vector<16xi32>
      %shift_right_logical3A_134 = arith.shrui %get3A_131, %shift_right_logical3A_133 : vector<16xi32>
      %swap3A_135 = arith.constant 0 : i32
      %swap3A_136 = arith.index_cast %swap3A_135 : i32 to index
      %swap3A_137 = arith.constant 64 : index
      %swap3A_138 = tpu.vector_load %arg6[%swap3A_136, %swap3A_137] {strides = array<i32>} : memref<2x128xi32, #tpu.memory_space<vmem>>, vector<1x16xi32>,
      %swap3A_139 = vector.shape_cast %swap3A_138 : vector<1x16xi32> to vector<16xi32>
      %swap3A_140 = vector.shape_cast %shift_right_logical3A_134 : vector<16xi32> to vector<1x16xi32>
      tpu.vector_store %arg6[%swap3A_136, %swap3A_137], %swap3A_140 {strides = array<i32>} : memref<2x128xi32, #tpu.memory_space<vmem>>, vector<1x16xi32>,
      %and3A_141 = arith.constant 16383 : i32
      %and3A_142 = vector.broadcast %and3A_141 : i32 to vector<16xi32>
      %and3A_143 = arith.andi %get3A_131, %and3A_142 : vector<16xi32>
      %swap3A_144 = arith.constant 0 : i32
      %swap3A_145 = arith.index_cast %swap3A_144 : i32 to index
      %swap3A_146 = arith.constant 64 : index
      %swap3A_147 = tpu.vector_load %arg7[%swap3A_145, %swap3A_146] {strides = array<i32>} : memref<2x128xi32, #tpu.memory_space<vmem>>, vector<1x16xi32>,
      %swap3A_148 = vector.shape_cast %swap3A_147 : vector<1x16xi32> to vector<16xi32>
      %swap3A_149 = vector.shape_cast %and3A_143 : vector<16xi32> to vector<1x16xi32>
      tpu.vector_store %arg7[%swap3A_145, %swap3A_146], %swap3A_149 {strides = array<i32>} : memref<2x128xi32, #tpu.memory_space<vmem>>, vector<1x16xi32>,
      %get3A_150 = arith.index_cast %scan3A_42 : i32 to index
      %get3A_151 = arith.constant 80 : index
      %get3A_152 = tpu.vector_load %arg5[%get3A_150, %get3A_151] {strides = array<i32>} : memref<80x128xi32, #tpu.memory_space<vmem>>, vector<1x16xi32>,
      %get3A_153 = vector.shape_cast %get3A_152 : vector<1x16xi32> to vector<16xi32>
      %shift_right_logical3A_154 = arith.constant 14 : i32
      %shift_right_logical3A_155 = vector.broadcast %shift_right_logical3A_154 : i32 to vector<16xi32>
      %shift_right_logical3A_156 = arith.shrui %get3A_153, %shift_right_logical3A_155 : vector<16xi32>
      %swap3A_157 = arith.constant 0 : i32
      %swap3A_158 = arith.index_cast %swap3A_157 : i32 to index
      %swap3A_159 = arith.constant 80 : index
      %swap3A_160 = tpu.vector_load %arg6[%swap3A_158, %swap3A_159] {strides = array<i32>} : memref<2x128xi32, #tpu.memory_space<vmem>>, vector<1x16xi32>,
      %swap3A_161 = vector.shape_cast %swap3A_160 : vector<1x16xi32> to vector<16xi32>
      %swap3A_162 = vector.shape_cast %shift_right_logical3A_156 : vector<16xi32> to vector<1x16xi32>
      tpu.vector_store %arg6[%swap3A_158, %swap3A_159], %swap3A_162 {strides = array<i32>} : memref<2x128xi32, #tpu.memory_space<vmem>>, vector<1x16xi32>,
      %and3A_163 = arith.constant 16383 : i32
      %and3A_164 = vector.broadcast %and3A_163 : i32 to vector<16xi32>
      %and3A_165 = arith.andi %get3A_153, %and3A_164 : vector<16xi32>
      %swap3A_166 = arith.constant 0 : i32
      %swap3A_167 = arith.index_cast %swap3A_166 : i32 to index
      %swap3A_168 = arith.constant 80 : index
      %swap3A_169 = tpu.vector_load %arg7[%swap3A_167, %swap3A_168] {strides = array<i32>} : memref<2x128xi32, #tpu.memory_space<vmem>>, vector<1x16xi32>,
      %swap3A_170 = vector.shape_cast %swap3A_169 : vector<1x16xi32> to vector<16xi32>
      %swap3A_171 = vector.shape_cast %and3A_165 : vector<16xi32> to vector<1x16xi32>
      tpu.vector_store %arg7[%swap3A_167, %swap3A_168], %swap3A_171 {strides = array<i32>} : memref<2x128xi32, #tpu.memory_space<vmem>>, vector<1x16xi32>,
      %get3A_172 = arith.index_cast %scan3A_42 : i32 to index
      %get3A_173 = arith.constant 96 : index
      %get3A_174 = tpu.vector_load %arg5[%get3A_172, %get3A_173] {strides = array<i32>} : memref<80x128xi32, #tpu.memory_space<vmem>>, vector<1x16xi32>,
      %get3A_175 = vector.shape_cast %get3A_174 : vector<1x16xi32> to vector<16xi32>
      %shift_right_logical3A_176 = arith.constant 14 : i32
      %shift_right_logical3A_177 = vector.broadcast %shift_right_logical3A_176 : i32 to vector<16xi32>
      %shift_right_logical3A_178 = arith.shrui %get3A_175, %shift_right_logical3A_177 : vector<16xi32>
      %swap3A_179 = arith.constant 0 : i32
      %swap3A_180 = arith.index_cast %swap3A_179 : i32 to index
      %swap3A_181 = arith.constant 96 : index
      %swap3A_182 = tpu.vector_load %arg6[%swap3A_180, %swap3A_181] {strides = array<i32>} : memref<2x128xi32, #tpu.memory_space<vmem>>, vector<1x16xi32>,
      %swap3A_183 = vector.shape_cast %swap3A_182 : vector<1x16xi32> to vector<16xi32>
      %swap3A_184 = vector.shape_cast %shift_right_logical3A_178 : vector<16xi32> to vector<1x16xi32>
      tpu.vector_store %arg6[%swap3A_180, %swap3A_181], %swap3A_184 {strides = array<i32>} : memref<2x128xi32, #tpu.memory_space<vmem>>, vector<1x16xi32>,
      %and3A_185 = arith.constant 16383 : i32
      %and3A_186 = vector.broadcast %and3A_185 : i32 to vector<16xi32>
      %and3A_187 = arith.andi %get3A_175, %and3A_186 : vector<16xi32>
      %swap3A_188 = arith.constant 0 : i32
      %swap3A_189 = arith.index_cast %swap3A_188 : i32 to index
      %swap3A_190 = arith.constant 96 : index
      %swap3A_191 = tpu.vector_load %arg7[%swap3A_189, %swap3A_190] {strides = array<i32>} : memref<2x128xi32, #tpu.memory_space<vmem>>, vector<1x16xi32>,
      %swap3A_192 = vector.shape_cast %swap3A_191 : vector<1x16xi32> to vector<16xi32>
      %swap3A_193 = vector.shape_cast %and3A_187 : vector<16xi32> to vector<1x16xi32>
      tpu.vector_store %arg7[%swap3A_189, %swap3A_190], %swap3A_193 {strides = array<i32>} : memref<2x128xi32, #tpu.memory_space<vmem>>, vector<1x16xi32>,
      %get3A_194 = arith.index_cast %scan3A_42 : i32 to index
      %get3A_195 = arith.constant 112 : index
      %get3A_196 = tpu.vector_load %arg5[%get3A_194, %get3A_195] {strides = array<i32>} : memref<80x128xi32, #tpu.memory_space<vmem>>, vector<1x16xi32>,
      %get3A_197 = vector.shape_cast %get3A_196 : vector<1x16xi32> to vector<16xi32>
      %shift_right_logical3A_198 = arith.constant 14 : i32
      %shift_right_logical3A_199 = vector.broadcast %shift_right_logical3A_198 : i32 to vector<16xi32>
      %shift_right_logical3A_200 = arith.shrui %get3A_197, %shift_right_logical3A_199 : vector<16xi32>
      %swap3A_201 = arith.constant 0 : i32
      %swap3A_202 = arith.index_cast %swap3A_201 : i32 to index
      %swap3A_203 = arith.constant 112 : index
      %swap3A_204 = tpu.vector_load %arg6[%swap3A_202, %swap3A_203] {strides = array<i32>} : memref<2x128xi32, #tpu.memory_space<vmem>>, vector<1x16xi32>,
      %swap3A_205 = vector.shape_cast %swap3A_204 : vector<1x16xi32> to vector<16xi32>
      %swap3A_206 = vector.shape_cast %shift_right_logical3A_200 : vector<16xi32> to vector<1x16xi32>
      tpu.vector_store %arg6[%swap3A_202, %swap3A_203], %swap3A_206 {strides = array<i32>} : memref<2x128xi32, #tpu.memory_space<vmem>>, vector<1x16xi32>,
      %and3A_207 = arith.constant 16383 : i32
      %and3A_208 = vector.broadcast %and3A_207 : i32 to vector<16xi32>
      %and3A_209 = arith.andi %get3A_197, %and3A_208 : vector<16xi32>
      %swap3A_210 = arith.constant 0 : i32
      %swap3A_211 = arith.index_cast %swap3A_210 : i32 to index
      %swap3A_212 = arith.constant 112 : index
      %swap3A_213 = tpu.vector_load %arg7[%swap3A_211, %swap3A_212] {strides = array<i32>} : memref<2x128xi32, #tpu.memory_space<vmem>>, vector<1x16xi32>,
      %swap3A_214 = vector.shape_cast %swap3A_213 : vector<1x16xi32> to vector<16xi32>
      %swap3A_215 = vector.shape_cast %and3A_209 : vector<16xi32> to vector<1x16xi32>
      tpu.vector_store %arg7[%swap3A_211, %swap3A_212], %swap3A_215 {strides = array<i32>} : memref<2x128xi32, #tpu.memory_space<vmem>>, vector<1x16xi32>,
      %dma_start3A = arith.constant 0 : i32
      %dma_start3A_216 = arith.constant 0 : i32
      %dma_start3A_217 = tpu.memref_slice %arg6[%dma_start3A, %dma_start3A_216] : memref<2x128xi32, #tpu.memory_space<vmem>> -> memref<1x128xi32, #tpu.memory_space<vmem>>
      %dma_start3A_218 = tpu.memref_squeeze %dma_start3A_217 : memref<1x128xi32, #tpu.memory_space<vmem>> -> memref<128xi32, #tpu.memory_space<vmem>>
      %dma_start3A_219 = arith.constant 0 : i32
      %dma_start3A_220 = arith.constant 0 : i32
      %dma_start3A_221 = tpu.memref_slice %arg2[%dma_start3A_219, %dma_start3A_220] : memref<10240x128xf32, #tpu.memory_space<hbm>> -> memref<10240x128xf32, #tpu.memory_space<hbm>>
      tpu.enqueue_indirect_dma source(%dma_start3A_221 : memref<10240x128xf32, #tpu.memory_space<hbm>>) target(%arg8 : memref<128x128xf32, #tpu.memory_space<vmem>>) offsets(%dma_start3A_218 : memref<128xi32, #tpu.memory_space<vmem>>) semaphore(%arg10 : memref<!tpu.dma_semaphore, #tpu.memory_space<semaphore_mem>>)
      %dma_wait3A = arith.constant 0 : i32
      %dma_wait3A_222 = arith.constant 0 : i32
      %dma_wait3A_223 = tpu.memref_slice %arg6[%dma_wait3A, %dma_wait3A_222] : memref<2x128xi32, #tpu.memory_space<vmem>> -> memref<1x128xi32, #tpu.memory_space<vmem>>
      %dma_wait3A_224 = tpu.memref_squeeze %dma_wait3A_223 : memref<1x128xi32, #tpu.memory_space<vmem>> -> memref<128xi32, #tpu.memory_space<vmem>>
      %dma_wait3A_225 = arith.constant 0 : i32
      %dma_wait3A_226 = arith.constant 0 : i32
      %dma_wait3A_227 = tpu.memref_slice %arg2[%dma_wait3A_225, %dma_wait3A_226] : memref<10240x128xf32, #tpu.memory_space<hbm>> -> memref<10240x128xf32, #tpu.memory_space<hbm>>
      tpu.wait_indirect_dma semaphore(%arg10 : memref<!tpu.dma_semaphore, #tpu.memory_space<semaphore_mem>>) src(%dma_wait3A_227 : memref<10240x128xf32, #tpu.memory_space<hbm>>) dst(%arg8 : memref<128x128xf32, #tpu.memory_space<vmem>>)
      %run_scoped3A = arith.constant 0 : i32
      "tpu.region"() ({
        %run_scoped3A_229 = tpu.sem_alloc : memref<!tpu.dma_semaphore, #tpu.memory_space<semaphore_mem>>
        %dma_start3A_230 = arith.constant 0 : i32
        %dma_start3A_231 = tpu.memref_slice %arg7[%run_scoped3A, %dma_start3A_230] : memref<2x128xi32, #tpu.memory_space<vmem>> -> memref<1x128xi32, #tpu.memory_space<vmem>>
        %dma_start3A_232 = tpu.memref_squeeze %dma_start3A_231 : memref<1x128xi32, #tpu.memory_space<vmem>> -> memref<128xi32, #tpu.memory_space<vmem>>
        %dma_start3A_233 = arith.constant 0 : i32
        %dma_start3A_234 = arith.constant 0 : i32
        %dma_start3A_235 = tpu.memref_slice %arg9[%dma_start3A_233, %dma_start3A_234] : memref<10240x128xf32, #tpu.memory_space<vmem_shared>> -> memref<10240x128xf32, #tpu.memory_space<vmem_shared>>
        tpu.enqueue_indirect_dma source(%arg8 : memref<128x128xf32, #tpu.memory_space<vmem>>) target(%dma_start3A_235 : memref<10240x128xf32, #tpu.memory_space<vmem_shared>>) offsets(%dma_start3A_232 : memref<128xi32, #tpu.memory_space<vmem>>) semaphore(%run_scoped3A_229 : memref<!tpu.dma_semaphore, #tpu.memory_space<semaphore_mem>>) {add = true}
        %dma_wait3A_236 = arith.constant 0 : i32
        %dma_wait3A_237 = tpu.memref_slice %arg7[%run_scoped3A, %dma_wait3A_236] : memref<2x128xi32, #tpu.memory_space<vmem>> -> memref<1x128xi32, #tpu.memory_space<vmem>>
        %dma_wait3A_238 = tpu.memref_squeeze %dma_wait3A_237 : memref<1x128xi32, #tpu.memory_space<vmem>> -> memref<128xi32, #tpu.memory_space<vmem>>
        %dma_wait3A_239 = arith.constant 0 : i32
        %dma_wait3A_240 = arith.constant 0 : i32
        %dma_wait3A_241 = tpu.memref_slice %arg9[%dma_wait3A_239, %dma_wait3A_240] : memref<10240x128xf32, #tpu.memory_space<vmem_shared>> -> memref<10240x128xf32, #tpu.memory_space<vmem_shared>>
        tpu.wait_indirect_dma semaphore(%run_scoped3A_229 : memref<!tpu.dma_semaphore, #tpu.memory_space<semaphore_mem>>) src(%arg8 : memref<128x128xf32, #tpu.memory_space<vmem>>) dst(%dma_wait3A_241 : memref<10240x128xf32, #tpu.memory_space<vmem_shared>>)
        tpu.yield
      }) : () -> ()
      %scan3A_228 = arith.constant 0 : i32
      scf.yield %scan3A_228 : i32
    }
    %scan3A_36 = arith.constant 80 : i32
    %barrier3A_37 = arith.constant 0 : index
    tpu.barrier barrier_id(%barrier3A_37)
    %mul3A_38 = arith.constant 640 : i32
    %mul3A_39 = arith.muli %arg1, %mul3A_38 : i32
    %mul3A_40 = arith.constant 640 : i32
    %mul3A_41 = arith.muli %arg1, %mul3A_40 : i32
    "tpu.region"() ({
      %run_scoped3A = tpu.sem_alloc : memref<!tpu.dma_semaphore, #tpu.memory_space<semaphore_mem>>
      %dma_start3A = arith.constant 0 : i32
      %dma_start3A_42 = arith.constant 0 : i32
      %dma_start3A_43 = tpu.memref_slice %arg4[%arg0, %dma_start3A, %dma_start3A_42] : memref<2x10240x128xf32, #tpu.memory_space<hbm>> -> memref<1x10240x128xf32, #tpu.memory_space<hbm>>
      %dma_start3A_44 = tpu.memref_squeeze %dma_start3A_43 : memref<1x10240x128xf32, #tpu.memory_space<hbm>> -> memref<10240x128xf32, #tpu.memory_space<hbm>>
      %dma_start3A_45 = arith.constant 0 : i32
      %dma_start3A_46 = tpu.memref_slice %dma_start3A_44[%mul3A_41, %dma_start3A_45] : memref<10240x128xf32, #tpu.memory_space<hbm>> -> memref<640x128xf32, #tpu.memory_space<hbm>>
      %dma_start3A_47 = arith.constant 0 : i32
      %dma_start3A_48 = tpu.memref_slice %arg9[%mul3A_39, %dma_start3A_47] : memref<10240x128xf32, #tpu.memory_space<vmem_shared>> -> memref<640x128xf32, #tpu.memory_space<vmem_shared>>
      tpu.enqueue_dma source(%dma_start3A_48 : memref<640x128xf32, #tpu.memory_space<vmem_shared>>) target(%dma_start3A_46 : memref<640x128xf32, #tpu.memory_space<hbm>>) target_semaphore(%run_scoped3A : memref<!tpu.dma_semaphore, #tpu.memory_space<semaphore_mem>>)
      %dma_wait3A = arith.constant 0 : i32
      %dma_wait3A_49 = arith.constant 0 : i32
      %dma_wait3A_50 = tpu.memref_slice %arg4[%arg0, %dma_wait3A, %dma_wait3A_49] : memref<2x10240x128xf32, #tpu.memory_space<hbm>> -> memref<1x10240x128xf32, #tpu.memory_space<hbm>>
      %dma_wait3A_51 = tpu.memref_squeeze %dma_wait3A_50 : memref<1x10240x128xf32, #tpu.memory_space<hbm>> -> memref<10240x128xf32, #tpu.memory_space<hbm>>
      %dma_wait3A_52 = arith.constant 0 : i32
      %dma_wait3A_53 = tpu.memref_slice %dma_wait3A_51[%mul3A_41, %dma_wait3A_52] : memref<10240x128xf32, #tpu.memory_space<hbm>> -> memref<640x128xf32, #tpu.memory_space<hbm>>
      %dma_wait3A_54 = arith.constant 0 : i32
      %dma_wait3A_55 = tpu.memref_slice %arg9[%mul3A_39, %dma_wait3A_54] : memref<10240x128xf32, #tpu.memory_space<vmem_shared>> -> memref<640x128xf32, #tpu.memory_space<vmem_shared>>
      tpu.wait_dma2 semaphore(%run_scoped3A : memref<!tpu.dma_semaphore, #tpu.memory_space<semaphore_mem>>) src(%dma_wait3A_55 : memref<640x128xf32, #tpu.memory_space<vmem_shared>>) dst(%dma_wait3A_53 : memref<640x128xf32, #tpu.memory_space<hbm>>)
      tpu.yield
    }) : () -> ()
    return
  }
}

module attributes {stable_mosaic.version = 14 : i64} {
  func.func @_dinv_body(%arg0: i32, %arg1: memref<160x128xf32, #tpu.memory_space<vmem>>, %arg2: memref<80x128xf32, #tpu.memory_space<vmem>>) attributes {dimension_semantics = [#tpu.dimension_semantics<arbitrary>], iteration_bounds = array<i64: 1>, scalar_prefetch = 0 : i64, scratch_operands = 0 : i64, tpu.core_type = #tpu.core_type<tc>, window_params = [{pipeline_mode = #tpu.pipeline_mode<synchronous>, transform_indices = @transform_0, window_bounds = array<i64: 160, 128>}, {pipeline_mode = #tpu.pipeline_mode<synchronous>, transform_indices = @transform_1, window_bounds = array<i64: 80, 128>}]} {
    %get3A = arith.constant 0 : index
    %get3A_0 = arith.constant 0 : index
    %get3A_1 = vector.load %arg1[%get3A, %get3A_0] : memref<160x128xf32, #tpu.memory_space<vmem>>, vector<80x128xf32>
    %get3A_2 = arith.constant 80 : index
    %get3A_3 = arith.constant 0 : index
    %get3A_4 = vector.load %arg1[%get3A_2, %get3A_3] : memref<160x128xf32, #tpu.memory_space<vmem>>, vector<80x128xf32>
    %add3A = arith.addf %get3A_1, %get3A_4 : vector<80x128xf32>
    %add3A_5 = arith.constant 1.000000e+00 : f32
    %add3A_6 = vector.broadcast %add3A_5 : f32 to vector<80x128xf32>
    %add3A_7 = arith.addf %add3A, %add3A_6 : vector<80x128xf32>
    %iota3A = tpu.iota {dimensions = array<i32: 0>} : vector<80x128xi32>
    %iota3A_8 = tpu.iota {dimensions = array<i32: 1>} : vector<80x128xi32>
    %mul3A = arith.constant 128 : i32
    %mul3A_9 = vector.broadcast %mul3A : i32 to vector<80x128xi32>
    %mul3A_10 = arith.muli %iota3A, %mul3A_9 : vector<80x128xi32>
    %add3A_11 = arith.addi %mul3A_10, %iota3A_8 : vector<80x128xi32>
    %lt3A = arith.constant 10000 : i32
    %lt3A_12 = vector.broadcast %lt3A : i32 to vector<80x128xi32>
    %lt3A_13 = arith.cmpi slt, %add3A_11, %lt3A_12 : vector<80x128xi32>
    %rsqrt3A = math.rsqrt %add3A_7 : vector<80x128xf32>
    %jit3A = arith.constant 0.000000e+00 : f32
    %broadcast_in_dim3A = vector.broadcast %jit3A : f32 to vector<80x128xf32>
    %select_n3A = arith.select %lt3A_13, %rsqrt3A, %broadcast_in_dim3A : vector<80x128xi1>, vector<80x128xf32>
    %swap3A = arith.constant 0 : index
    %swap3A_14 = arith.constant 0 : index
    %swap3A_15 = vector.load %arg2[%swap3A, %swap3A_14] : memref<80x128xf32, #tpu.memory_space<vmem>>, vector<80x128xf32>
    tpu.vector_store %arg2[%swap3A, %swap3A_14], %select_n3A {strides = array<i32>} : memref<80x128xf32, #tpu.memory_space<vmem>>, vector<80x128xf32>,
    return
  }
  func.func @transform_0(%arg0: i32) -> (i32, i32) {
    %c0_i32 = arith.constant 0 : i32
    %c0_i32_0 = arith.constant 0 : i32
    %c0_i32_1 = arith.constant 0 : i32
    return %c0_i32, %c0_i32_0 : i32, i32
  }
  func.func @transform_1(%arg0: i32) -> (i32, i32) {
    %c0_i32 = arith.constant 0 : i32
    %c0_i32_0 = arith.constant 0 : i32
    %c0_i32_1 = arith.constant 0 : i32
    return %c0_i32, %c0_i32_0 : i32, i32
  }
}

module attributes {stable_mosaic.version = 14 : i64} {
  func.func @_lin_body(%arg0: i32, %arg1: memref<1280x128xf32, #tpu.memory_space<vmem>>, %arg2: memref<128x128xf32, #tpu.memory_space<vmem>>, %arg3: memref<1280x128xf32, #tpu.memory_space<vmem>>, %arg4: memref<1280x128xf32, #tpu.memory_space<vmem>>) attributes {dimension_semantics = [#tpu.dimension_semantics<arbitrary>], iteration_bounds = array<i64: 8>, scalar_prefetch = 0 : i64, scratch_operands = 0 : i64, tpu.core_type = #tpu.core_type<tc>, window_params = [{transform_indices = @transform_0, window_bounds = array<i64: 1280, 128>}, {pipeline_mode = #tpu.pipeline_mode<synchronous>, transform_indices = @transform_1, window_bounds = array<i64: 128, 128>}, {transform_indices = @transform_2, window_bounds = array<i64: 1280, 128>}, {transform_indices = @transform_3, window_bounds = array<i64: 1280, 128>}]} {
    %get3A = arith.constant 0 : index
    %get3A_0 = arith.constant 0 : index
    %get3A_1 = vector.load %arg1[%get3A, %get3A_0] : memref<1280x128xf32, #tpu.memory_space<vmem>>, vector<1280x128xf32>
    %get3A_2 = arith.constant 0 : index
    %get3A_3 = arith.constant 0 : index
    %get3A_4 = vector.load %arg2[%get3A_2, %get3A_3] : memref<128x128xf32, #tpu.memory_space<vmem>>, vector<128x128xf32>
    %dot_general3A = arith.constant dense<0.000000e+00> : vector<1280x128xf32>
    %dot_general3A_5 = tpu.matmul %get3A_1, %get3A_4, %dot_general3A {dimension_numbers = #tpu.dot_dimension_numbers<[1], [0], [0], [1], [0, 0, 1, 1], [], []>, transpose_lhs_hint = false} : vector<1280x128xf32>, vector<128x128xf32>, vector<1280x128xf32> -> vector<1280x128xf32>
    %get3A_6 = arith.constant 0 : index
    %get3A_7 = arith.constant 0 : index
    %get3A_8 = vector.load %arg3[%get3A_6, %get3A_7] : memref<1280x128xf32, #tpu.memory_space<vmem>>, vector<1280x128xf32>
    %mul3A = arith.mulf %dot_general3A_5, %get3A_8 : vector<1280x128xf32>
    %swap3A = arith.constant 0 : index
    %swap3A_9 = arith.constant 0 : index
    %swap3A_10 = vector.load %arg4[%swap3A, %swap3A_9] : memref<1280x128xf32, #tpu.memory_space<vmem>>, vector<1280x128xf32>
    tpu.vector_store %arg4[%swap3A, %swap3A_9], %mul3A {strides = array<i32>} : memref<1280x128xf32, #tpu.memory_space<vmem>>, vector<1280x128xf32>,
    return
  }
  func.func @transform_0(%arg0: i32) -> (i32, i32) {
    %c0_i32 = arith.constant 0 : i32
    %c0_i32_0 = arith.constant 0 : i32
    return %arg0, %c0_i32 : i32, i32
  }
  func.func @transform_1(%arg0: i32) -> (i32, i32) {
    %c0_i32 = arith.constant 0 : i32
    %c0_i32_0 = arith.constant 0 : i32
    %c0_i32_1 = arith.constant 0 : i32
    return %c0_i32, %c0_i32_0 : i32, i32
  }
  func.func @transform_2(%arg0: i32) -> (i32, i32) {
    %c0_i32 = arith.constant 0 : i32
    %c0_i32_0 = arith.constant 0 : i32
    return %arg0, %c0_i32 : i32, i32
  }
  func.func @transform_3(%arg0: i32) -> (i32, i32) {
    %c0_i32 = arith.constant 0 : i32
    %c0_i32_0 = arith.constant 0 : i32
    return %arg0, %c0_i32 : i32, i32
  }
}

module attributes {stable_mosaic.version = 14 : i64} {
  func.func @_mid_body(%arg0: i32, %arg1: memref<2x1280x128xf32, #tpu.memory_space<vmem>>, %arg2: memref<1280x128xf32, #tpu.memory_space<vmem>>, %arg3: memref<1280x128xf32, #tpu.memory_space<vmem>>, %arg4: memref<128x128xf32, #tpu.memory_space<vmem>>, %arg5: memref<1x128xf32, #tpu.memory_space<vmem>>, %arg6: memref<1280x128xf32, #tpu.memory_space<vmem>>) attributes {dimension_semantics = [#tpu.dimension_semantics<arbitrary>], iteration_bounds = array<i64: 8>, scalar_prefetch = 0 : i64, scratch_operands = 0 : i64, tpu.core_type = #tpu.core_type<tc>, window_params = [{transform_indices = @transform_0, window_bounds = array<i64: 2, 1280, 128>}, {transform_indices = @transform_1, window_bounds = array<i64: 1280, 128>}, {transform_indices = @transform_2, window_bounds = array<i64: 1280, 128>}, {pipeline_mode = #tpu.pipeline_mode<synchronous>, transform_indices = @transform_3, window_bounds = array<i64: 128, 128>}, {pipeline_mode = #tpu.pipeline_mode<synchronous>, transform_indices = @transform_4, window_bounds = array<i64: 1, 128>}, {transform_indices = @transform_5, window_bounds = array<i64: 1280, 128>}]} {
    %get3A = arith.constant 0 : index
    %get3A_0 = arith.constant 0 : index
    %get3A_1 = vector.load %arg3[%get3A, %get3A_0] : memref<1280x128xf32, #tpu.memory_space<vmem>>, vector<1280x128xf32>
    %get3A_2 = arith.constant 0 : index
    %get3A_3 = arith.constant 0 : index
    %get3A_4 = arith.constant 0 : index
    %get3A_5 = vector.load %arg1[%get3A_2, %get3A_3, %get3A_4] : memref<2x1280x128xf32, #tpu.memory_space<vmem>>, vector<1x1280x128xf32>
    %get3A_6 = vector.shape_cast %get3A_5 : vector<1x1280x128xf32> to vector<1280x128xf32>
    %get3A_7 = arith.constant 1 : index
    %get3A_8 = arith.constant 0 : index
    %get3A_9 = arith.constant 0 : index
    %get3A_10 = vector.load %arg1[%get3A_7, %get3A_8, %get3A_9] : memref<2x1280x128xf32, #tpu.memory_space<vmem>>, vector<1x1280x128xf32>
    %get3A_11 = vector.shape_cast %get3A_10 : vector<1x1280x128xf32> to vector<1280x128xf32>
    %add3A = arith.addf %get3A_6, %get3A_11 : vector<1280x128xf32>
    %get3A_12 = arith.constant 0 : index
    %get3A_13 = arith.constant 0 : index
    %get3A_14 = vector.load %arg2[%get3A_12, %get3A_13] : memref<1280x128xf32, #tpu.memory_space<vmem>>, vector<1280x128xf32>
    %add3A_15 = arith.addf %add3A, %get3A_14 : vector<1280x128xf32>
    %mul3A = arith.mulf %get3A_1, %add3A_15 : vector<1280x128xf32>
    %get3A_16 = arith.constant 0 : index
    %get3A_17 = arith.constant 0 : index
    %get3A_18 = vector.load %arg5[%get3A_16, %get3A_17] : memref<1x128xf32, #tpu.memory_space<vmem>>, vector<1x128xf32>
    %add3A_19 = vector.broadcast %get3A_18 : vector<1x128xf32> to vector<1280x128xf32>
    %add3A_20 = arith.addf %mul3A, %add3A_19 : vector<1280x128xf32>
    %max3A = arith.constant 0.000000e+00 : f32
    %max3A_21 = vector.broadcast %max3A : f32 to vector<1280x128xf32>
    %max3A_22 = arith.maximumf %add3A_20, %max3A_21 : vector<1280x128xf32>
    %get3A_23 = arith.constant 0 : index
    %get3A_24 = arith.constant 0 : index
    %get3A_25 = vector.load %arg4[%get3A_23, %get3A_24] : memref<128x128xf32, #tpu.memory_space<vmem>>, vector<128x128xf32>
    %dot_general3A = arith.constant dense<0.000000e+00> : vector<1280x128xf32>
    %dot_general3A_26 = tpu.matmul %max3A_22, %get3A_25, %dot_general3A {dimension_numbers = #tpu.dot_dimension_numbers<[1], [0], [0], [1], [0, 0, 1, 1], [], []>, transpose_lhs_hint = false} : vector<1280x128xf32>, vector<128x128xf32>, vector<1280x128xf32> -> vector<1280x128xf32>
    %get3A_27 = arith.constant 0 : index
    %get3A_28 = arith.constant 0 : index
    %get3A_29 = vector.load %arg3[%get3A_27, %get3A_28] : memref<1280x128xf32, #tpu.memory_space<vmem>>, vector<1280x128xf32>
    %mul3A_30 = arith.mulf %dot_general3A_26, %get3A_29 : vector<1280x128xf32>
    %swap3A = arith.constant 0 : index
    %swap3A_31 = arith.constant 0 : index
    %swap3A_32 = vector.load %arg6[%swap3A, %swap3A_31] : memref<1280x128xf32, #tpu.memory_space<vmem>>, vector<1280x128xf32>
    tpu.vector_store %arg6[%swap3A, %swap3A_31], %mul3A_30 {strides = array<i32>} : memref<1280x128xf32, #tpu.memory_space<vmem>>, vector<1280x128xf32>,
    return
  }
  func.func @transform_0(%arg0: i32) -> (i32, i32, i32) {
    %c0_i32 = arith.constant 0 : i32
    %c0_i32_0 = arith.constant 0 : i32
    %c0_i32_1 = arith.constant 0 : i32
    return %c0_i32, %arg0, %c0_i32_0 : i32, i32, i32
  }
  func.func @transform_1(%arg0: i32) -> (i32, i32) {
    %c0_i32 = arith.constant 0 : i32
    %c0_i32_0 = arith.constant 0 : i32
    return %arg0, %c0_i32 : i32, i32
  }
  func.func @transform_2(%arg0: i32) -> (i32, i32) {
    %c0_i32 = arith.constant 0 : i32
    %c0_i32_0 = arith.constant 0 : i32
    return %arg0, %c0_i32 : i32, i32
  }
  func.func @transform_3(%arg0: i32) -> (i32, i32) {
    %c0_i32 = arith.constant 0 : i32
    %c0_i32_0 = arith.constant 0 : i32
    %c0_i32_1 = arith.constant 0 : i32
    return %c0_i32, %c0_i32_0 : i32, i32
  }
  func.func @transform_4(%arg0: i32) -> (i32, i32) {
    %c0_i32 = arith.constant 0 : i32
    %c0_i32_0 = arith.constant 0 : i32
    %c0_i32_1 = arith.constant 0 : i32
    return %c0_i32, %c0_i32_0 : i32, i32
  }
  func.func @transform_5(%arg0: i32) -> (i32, i32) {
    %c0_i32 = arith.constant 0 : i32
    %c0_i32_0 = arith.constant 0 : i32
    return %arg0, %c0_i32 : i32, i32
  }
}

module attributes {stable_mosaic.version = 14 : i64} {
  func.func @_fin_body(%arg0: i32, %arg1: memref<2x1280x128xf32, #tpu.memory_space<vmem>>, %arg2: memref<1280x128xf32, #tpu.memory_space<vmem>>, %arg3: memref<1280x128xf32, #tpu.memory_space<vmem>>, %arg4: memref<1x128xf32, #tpu.memory_space<vmem>>, %arg5: memref<1280x128xf32, #tpu.memory_space<vmem>>) attributes {dimension_semantics = [#tpu.dimension_semantics<arbitrary>], iteration_bounds = array<i64: 8>, scalar_prefetch = 0 : i64, scratch_operands = 0 : i64, tpu.core_type = #tpu.core_type<tc>, window_params = [{transform_indices = @transform_0, window_bounds = array<i64: 2, 1280, 128>}, {transform_indices = @transform_1, window_bounds = array<i64: 1280, 128>}, {transform_indices = @transform_2, window_bounds = array<i64: 1280, 128>}, {pipeline_mode = #tpu.pipeline_mode<synchronous>, transform_indices = @transform_3, window_bounds = array<i64: 1, 128>}, {transform_indices = @transform_4, window_bounds = array<i64: 1280, 128>}]} {
    %get3A = arith.constant 0 : index
    %get3A_0 = arith.constant 0 : index
    %get3A_1 = vector.load %arg3[%get3A, %get3A_0] : memref<1280x128xf32, #tpu.memory_space<vmem>>, vector<1280x128xf32>
    %get3A_2 = arith.constant 0 : index
    %get3A_3 = arith.constant 0 : index
    %get3A_4 = arith.constant 0 : index
    %get3A_5 = vector.load %arg1[%get3A_2, %get3A_3, %get3A_4] : memref<2x1280x128xf32, #tpu.memory_space<vmem>>, vector<1x1280x128xf32>
    %get3A_6 = vector.shape_cast %get3A_5 : vector<1x1280x128xf32> to vector<1280x128xf32>
    %get3A_7 = arith.constant 1 : index
    %get3A_8 = arith.constant 0 : index
    %get3A_9 = arith.constant 0 : index
    %get3A_10 = vector.load %arg1[%get3A_7, %get3A_8, %get3A_9] : memref<2x1280x128xf32, #tpu.memory_space<vmem>>, vector<1x1280x128xf32>
    %get3A_11 = vector.shape_cast %get3A_10 : vector<1x1280x128xf32> to vector<1280x128xf32>
    %add3A = arith.addf %get3A_6, %get3A_11 : vector<1280x128xf32>
    %get3A_12 = arith.constant 0 : index
    %get3A_13 = arith.constant 0 : index
    %get3A_14 = vector.load %arg2[%get3A_12, %get3A_13] : memref<1280x128xf32, #tpu.memory_space<vmem>>, vector<1280x128xf32>
    %add3A_15 = arith.addf %add3A, %get3A_14 : vector<1280x128xf32>
    %mul3A = arith.mulf %get3A_1, %add3A_15 : vector<1280x128xf32>
    %get3A_16 = arith.constant 0 : index
    %get3A_17 = arith.constant 0 : index
    %get3A_18 = vector.load %arg4[%get3A_16, %get3A_17] : memref<1x128xf32, #tpu.memory_space<vmem>>, vector<1x128xf32>
    %add3A_19 = vector.broadcast %get3A_18 : vector<1x128xf32> to vector<1280x128xf32>
    %add3A_20 = arith.addf %mul3A, %add3A_19 : vector<1280x128xf32>
    %reduce_max3A = arith.constant dense<0xFF800000> : vector<1280xf32>
    %reduce_max3A_21 = vector.multi_reduction <maximumf>, %add3A_20, %reduce_max3A [1] : vector<1280x128xf32> to vector<1280xf32>
    %broadcast_in_dim3A = vector.shape_cast %reduce_max3A_21 : vector<1280xf32> to vector<1280x1xf32>
    %sub3A = vector.broadcast %broadcast_in_dim3A : vector<1280x1xf32> to vector<1280x128xf32>
    %sub3A_22 = arith.subf %add3A_20, %sub3A : vector<1280x128xf32>
    %exp3A = math.exp %sub3A_22 : vector<1280x128xf32>
    %reduce_sum3A = arith.constant dense<0.000000e+00> : vector<1280xf32>
    %reduce_sum3A_23 = vector.multi_reduction <add>, %exp3A, %reduce_sum3A [1] : vector<1280x128xf32> to vector<1280xf32>
    %broadcast_in_dim3A_24 = vector.shape_cast %reduce_sum3A_23 : vector<1280xf32> to vector<1280x1xf32>
    %sub3A_25 = vector.broadcast %broadcast_in_dim3A : vector<1280x1xf32> to vector<1280x128xf32>
    %sub3A_26 = arith.subf %add3A_20, %sub3A_25 : vector<1280x128xf32>
    %log3A = math.log %broadcast_in_dim3A_24 : vector<1280x1xf32>
    %sub3A_27 = vector.broadcast %log3A : vector<1280x1xf32> to vector<1280x128xf32>
    %sub3A_28 = arith.subf %sub3A_26, %sub3A_27 : vector<1280x128xf32>
    %swap3A = arith.constant 0 : index
    %swap3A_29 = arith.constant 0 : index
    %swap3A_30 = vector.load %arg5[%swap3A, %swap3A_29] : memref<1280x128xf32, #tpu.memory_space<vmem>>, vector<1280x128xf32>
    tpu.vector_store %arg5[%swap3A, %swap3A_29], %sub3A_28 {strides = array<i32>} : memref<1280x128xf32, #tpu.memory_space<vmem>>, vector<1280x128xf32>,
    return
  }
  func.func @transform_0(%arg0: i32) -> (i32, i32, i32) {
    %c0_i32 = arith.constant 0 : i32
    %c0_i32_0 = arith.constant 0 : i32
    %c0_i32_1 = arith.constant 0 : i32
    return %c0_i32, %arg0, %c0_i32_0 : i32, i32, i32
  }
  func.func @transform_1(%arg0: i32) -> (i32, i32) {
    %c0_i32 = arith.constant 0 : i32
    %c0_i32_0 = arith.constant 0 : i32
    return %arg0, %c0_i32 : i32, i32
  }
  func.func @transform_2(%arg0: i32) -> (i32, i32) {
    %c0_i32 = arith.constant 0 : i32
    %c0_i32_0 = arith.constant 0 : i32
    return %arg0, %c0_i32 : i32, i32
  }
  func.func @transform_3(%arg0: i32) -> (i32, i32) {
    %c0_i32 = arith.constant 0 : i32
    %c0_i32_0 = arith.constant 0 : i32
    %c0_i32_1 = arith.constant 0 : i32
    return %c0_i32, %c0_i32_0 : i32, i32
  }
  func.func @transform_4(%arg0: i32) -> (i32, i32) {
    %c0_i32 = arith.constant 0 : i32
    %c0_i32_0 = arith.constant 0 : i32
    return %arg0, %c0_i32 : i32, i32
  }
}

</mosaic_0001>

<sc_bundles>
// kernel: kernel.11.cloned.1.call-start
scs
__scs_entry_jumppad:
0x0: {  	(pc) =	sbr.rel $0x88, $3  }
0x1: {  	(tag) =	ssettag $0x0;
	lr =	simm.s32 $0x1  }
0x2: {  	[smem:$0x3F99] =	sst lr;
	_ =	strace $0xD0000000  }
0x3: {  	_ = 	snop  }
0x4: {  	_ = 	snop  }
0x5: {  	_ = 	snop  }
0x6: {  	_ = 	snop  }
0x7: {  	_ = 	snop  }
__scs_overlays_trampoline_lowered:
0x8: {  	[smem:$0x3FA8] =	sst s0  }
0x9: {  	[smem:$0x3FA9] =	sst s1  }
0xa: {  	[smem:$0x3FAA] =	sst s2  }
0xb: {  	[smem:$0x3FAB] =	sst s3  }
0xc: {  	[smem:$0x3FAC] =	sst s4  }
0xd: {  	[smem:$0x3FAD] =	sst s5  }
0xe: {  	[smem:$0x3FAE] =	sst s6  }
0xf: {  	[smem:$0x3FAF] =	sst s7  }
0x10: {  	[smem:$0x3FB0] =	sst s8  }
0x11: {  	[smem:$0x3FB1] =	sst s9;
	s0 =	simm.s32 @!p0 $0x0  }
0x12: {  	s1 =	sld [smem:$0x3F97];
	s0 =	simm.s32 @p0 $0x1  }
0x13: {  	[smem:$0x3FB2] =	sst s0;
	s0 =	simm.s32 @!p1 $0x0  }
0x14: {  	s2 =	sld [smem:$0x3F96];
	s0 =	simm.s32 @p1 $0x1  }
0x15: {  	[smem:$0x3FB3] =	sst s0;
	s0 =	simm.s32 @!p2 $0x0  }
0x16: {  	s3 =	sld [smem:$0x3FDB];
	s0 =	simm.s32 @p2 $0x1  }
0x17: {  	s4 =	simm.s32 $0x1BF5;
	[smem:$0x3FB5] =	sst s0  }
0x18: {  	s0 =	sld [smem:$0x3F98];
	_ =	swait.ge [sflag:s4], $0x0  }
0x19: {  	s7 =	sld [smem:$0x3F99]  }
0x1a: {  	s8 =	sadd.s32 $0xFFFFE003, lr  }
0x1b: {  	s9 =	sadd.s32 $0xFFFFFEF7, lr;
	s5 =	simm.s32 $0xFFFFFFFF;
	p2 =	slt.u32 s8, $0xFFFFF086  }
0x1c: {  	p1 =	slt.u32 s9, $0xF7A;
	s5 =	simm.s32 @!p2 $0x0  }
0x1d: {  	s5 =	simm.s32 @p1 $0x1;
	p0 =	seq.s32 s7, s2  }
0x1e: {  	s7 =	smul.u32 @!p0 $0xF7A, s2;
	p2 =	seq.s32 @!p0 s5, $0x0  }
0x1f: {  	s9 =	smul.u32 $0xF7A, s1;
	s8 =	simm.s32 @!p0 $0x1BF5;
	p2 =	por !p2, p0  }
0x20: {  	[sflag:s8] =	ssyncset.s32 @!p0 $0xFFFFF086;
	s6 =	sadd.s32 @!p0 s3, s7;
	s7 =	simm.s32 @!p0 $0x108  }
0x21: {  	s3 =	sadd.s32 s3, s9;
	s6 =	sadd.s32 @!p0 $0x88, s6;
	s7 =	simm.s32 @p2 $0x1082  }
0x22: {  	[simem:s7], [sflag:s8] =	dma.local @!p0 [hbm:s6], $0xF7A  }
0x23: {  	s9 =	sor.u32 $0xD0000000, s2;
	s6 =	simm.s32 $0x108;
	_ =	swait.ge @!p0 [sflag:s8], $0x0  }
0x24: {  	s3 =	sadd.s32 $0x88, s3;
	s6 =	simm.s32 @!p1 $0x1082;
	[sflag:s4] =	ssyncset.s32 $0xFFFFF086  }
0x25: {  	[simem:s6], [sflag:s4] =	dma.local [hbm:s3], $0xF7A  }
0x26: {  	[smem:$0x3F99] =	sst s1;
	(tag) =	ssettag s2;
	_ =	strace s9  }
0x27: {  	s1 =	sld [smem:$0x3FA9]  }
0x28: {  	s2 =	sld [smem:$0x3FAA]  }
0x29: {  	s4 =	sld [smem:$0x3FAC]  }
0x2a: {  	p0 =	seq.s32 s5, $0x0;
	s5 =	sld [smem:$0x3FAD]  }
0x2b: {  	s6 =	sld [smem:$0x3FAE]  }
0x2c: {  	s7 =	sld [smem:$0x3FAF]  }
0x2d: {  	s3 =	simm.s32 $0x108;
	s8 =	sld [smem:$0x3FB0]  }
0x2e: {  	s3 =	simm.s32 @!p0 $0x1082;
	s9 =	sld [smem:$0x3FB1]  }
0x2f: {  	lr =	sadd.s32 s0, s3;
	s0 =	sld [smem:$0x3FA8]  }
0x30: {  	s3 =	sld [smem:$0x3FAB]  }
0x31: {  	[smem:$0x3FB4] =	sst s10  }
0x32: {  	s10 =	sld [smem:$0x3FB2];
	_ =	sdelay $0x3  }
0x33: {  	p0 =	seq.s32 s10, $0x1;
	s10 =	sld [smem:$0x3FB4];
	_ =	sdelay $0x3  }
0x34: {  	[smem:$0x3FB4] =	sst s10  }
0x35: {  	s10 =	sld [smem:$0x3FB3];
	_ =	sdelay $0x3  }
0x36: {  	p1 =	seq.s32 s10, $0x1;
	s10 =	sld [smem:$0x3FB4];
	_ =	sdelay $0x3  }
0x37: {  	[smem:$0x3FB4] =	sst s10  }
0x38: {  	s10 =	sld [smem:$0x3FB5]  }
0x39: {  	_ = 	snop;
	(pc) =	sbr.ind lr, $3  }
0x3a: {  	_ = 	snop  }
0x3b: {  	_ = 	snop  }
0x3c: {  	p2 =	seq.s32 s10, $0x1;
	s10 =	sld [smem:$0x3FB4]  }
0x3d: {  	_ =	shalt  }
0x3e: {  	_ =	shalt  }
0x3f: {  	_ =	shalt  }
0x40: {  	_ =	shalt  }
0x41: {  	_ =	shalt  }
0x42: {  	_ =	shalt  }
0x43: {  	_ =	shalt  }
0x44: {  	_ =	shalt  }
0x45: {  	_ =	shalt  }
0x46: {  	_ =	shalt  }
0x47: {  	_ =	shalt  }
0x48: {  	_ =	shalt  }
0x49: {  	_ =	shalt  }
0x4a: {  	_ =	shalt  }
0x4b: {  	_ =	shalt  }
0x4c: {  	_ =	shalt  }
0x4d: {  	_ =	shalt  }
0x4e: {  	_ =	shalt  }
0x4f: {  	_ =	shalt  }
0x50: {  	_ =	shalt  }
0x51: {  	_ =	shalt  }
0x52: {  	_ =	shalt  }
0x53: {  	_ =	shalt  }
0x54: {  	_ =	shalt  }
0x55: {  	_ =	shalt  }
0x56: {  	_ =	shalt  }
0x57: {  	_ =	shalt  }
0x58: {  	_ =	shalt  }
0x59: {  	_ =	shalt  }
0x5a: {  	_ =	shalt  }
0x5b: {  	_ =	shalt  }
0x5c: {  	_ =	shalt  }
0x5d: {  	_ =	shalt  }
0x5e: {  	_ =	shalt  }
0x5f: {  	_ =	shalt  }
0x60: {  	_ =	shalt  }
0x61: {  	_ =	shalt  }
0x62: {  	_ =	shalt  }
0x63: {  	_ =	shalt  }
0x64: {  	_ =	shalt  }
0x65: {  	_ =	shalt  }
0x66: {  	_ =	shalt  }
0x67: {  	_ =	shalt  }
0x68: {  	_ =	shalt  }
0x69: {  	_ =	shalt  }
0x6a: {  	_ =	shalt  }
0x6b: {  	_ =	shalt  }
0x6c: {  	_ =	shalt  }
0x6d: {  	_ =	shalt  }
0x6e: {  	_ =	shalt  }
0x6f: {  	_ =	shalt  }
0x70: {  	_ =	shalt  }
0x71: {  	_ =	shalt  }
0x72: {  	_ =	shalt  }
0x73: {  	_ =	shalt  }
0x74: {  	_ =	shalt  }
0x75: {  	_ =	shalt  }
0x76: {  	_ =	shalt  }
0x77: {  	_ =	shalt  }
0x78: {  	_ =	shalt  }
0x79: {  	_ =	shalt  }
0x7a: {  	_ =	shalt  }
0x7b: {  	_ =	shalt  }
0x7c: {  	_ =	shalt  }
0x7d: {  	_ =	shalt  }
0x7e: {  	_ =	shalt  }
0x7f: {  	_ =	shalt  }
0x80: {  	_ =	shalt  }
0x81: {  	_ =	shalt  }
0x82: {  	_ =	shalt  }
0x83: {  	_ =	shalt  }
0x84: {  	_ =	shalt  }
0x85: {  	_ =	shalt  }
0x86: {  	_ =	shalt  }
0x87: {  	_ =	shalt  }
.Lfunc_end0:
.L_simem_size_0:
called_computation_lowered:
.L_overlay_start_0:
0x88: {  	s2 =	sld [smem:$0x3FD9]  }
0x89: {  	s3 =	sld [smem:$0x3FFE];
	_ =	sdelay $0x1  }
0x8a: {  	s1 =	srdreg.scid  }
0x8b: {  	s0 =	sand.u32 $0x1, s1  }
0x8c: {  	s17 =	sshll.u32 s0, $0xA;
	s2 =	sadd.s32 s3, s2  }
0x8d: {  	s2 =	sadd.s32 s2, s17  }
0x8e: {  	[smem:$0x3FC0] =	sst s2  }
0x8f: {  	_ = 	snop  }
0x90: {  	s2 =	sld [smem:$0x3FD0];
	(tm) =	ssettm $0x1  }
0x91: {  	s18 =	sld [smem:$0x3FFB];
	_ =	sdelay $0x3  }
0x92: {  	_ =	strace s18  }
0x93: {  	s3 =	sld [smem:$0x3FFC];
	_ =	sdelay $0x3  }
0x94: {  	_ =	strace s3  }
0x95: {  	s3 =	sld [smem:$0x3FFD];
	_ =	sdelay $0x3  }
0x96: {  	_ =	strace s3  }
0x97: {  	_ =	strace $0x8FFFFFFF  }
0x98: {  	s19 =	sld [smem:$0x3FDB];
	_ =	sdelay $0x1  }
0x99: {  	s4 =	simm.s32 $_scs_section_size  }
0x9a: {  	s5 =	simm.s32 $_size__tile_overlayer_lowered;
	s6 =	simm.s32 $_tile_overlayer_lowered  }
0x9b: {  	s22 =	simm.s32 $0x1BFF;
	s21 =	sshll.u32 s6, $0x1;
	s3 =	sadd.s32 s4, s19  }
0x9c: {  	s7 =	simm.s32 $0x0;
	s20 =	sshll.u32 s5, $0x1;
	s5 =	sadd.s32 s21, s3  }
0x9d: {  	[timem:s7], [sflag:s22] =	dma.local [hbm:s5], s20  }
0x9e: {  	_ =	swait.ge [sflag:s22], s20  }
0x9f: {  	s4 =	ssub.s32 $0x0, s20;
	[sflag:s22] =	ssyncset.done $0x0  }
0xa0: {  	[sflag:s22] =	ssyncadd.s32 s4;
	_ =	sdelay $0x1  }
0xa1: {  	s23 =	simm.s32 $0x1B8B  }
0xa2: {  	_ =	swait.ge [sflag:s23], $0x1  }
0xa3: {  	[sflag:s23] =	ssyncset.done $0x0  }
0xa4: {  	s25 =	simm.s32 $0x1B8E;
	s24 =	sld [smem:$0x3FFE];
	[sflag:s23] =	ssyncadd.s32 $0xFFFFFFFF  }
0xa5: {  	s26 =	simm.s32 $execute0_lowered;
	[smem:$0x3FD2] =	sst s25  }
0xa6: {  	s5 =	sshll.u32 s26, $0x1;
	_ =	strace $0x80000046;
	[dreg:$0x1] =	wrdreg $0xFFFFFFFF  }
0xa7: {  	s28 =	simm.s32 $_size_execute0_lowered;
	s3 =	sadd.s32 s3, s5;
	[dreg:$0x0] =	wrdreg $0x0  }
0xa8: {  	s5 =	sshll.u32 s28, $0x1;
	[dreg:$0x2] =	wrdreg s3  }
0xa9: {  	[dreg:$0x3] =	wrdreg s5  }
0xaa: {  	[dreg:$0x4] =	wrdreg $0xC0  }
0xab: {  	_ =	task [dreg:s7], $0x5FFFF  }
0xac: {  	[dreg:$0x1] =	wrdreg $0xFFFFFFFF  }
0xad: {  	[dreg:$0x0] =	wrdreg $0x60  }
0xae: {  	[dreg:$0x2] =	wrdreg s24  }
0xaf: {  	[dreg:$0x3] =	wrdreg s2  }
0xb0: {  	[dreg:$0x4] =	wrdreg $0x6A000  }
0xb1: {  	[dreg:$0x5] =	wrdreg $0x9  }
0xb2: {  	_ =	task.clear_ibuf [dreg:s7], $0x6FFFF;
	_ =	strace $0x90000046  }
0xb3: {  	s29 =	simm.s32 $0x9;
	_ =	strace $0x80000048  }
0xb4: {  	_ =	swait.ge [sflag:s29], $0x1  }
0xb5: {  	[sflag:s29] =	ssyncadd.s32 $0xFFFFFFFF  }
0xb6: {  	_ =	strace $0x90000048  }
0xb7: {  	_ =	sfence  }
0xb8: {  	s30 =	sld [smem:$0x0];
	_ =	sdelay $0x2  }
0xb9: {  	s31 =	sshll.u32 s1, $0xD;
	s1 =	sshrl.u32 s1, $0x2  }
0xba: {  	s3 =	sand.u32 $0x4000, s31;
	s1 =	sadd.s32 s1, s30  }
0xbb: {  	s0 =	sor.u32 s3, s0;
	s1 =	sshll.u32 s1, $0x11  }
0xbc: {  	s0 =	sor.u32 s1, s0  }
0xbd: {  	s0 =	sadd.s32 $0x8F2B, s0  }
0xbe: {  	[sflag:s0] =	ssyncadd.remote.s32 $0x1  }
0xbf: {  	_ =	sfence.sel $0xFFFF  }
0xc0: {  	[dreg:$0x0] =	wrdreg $0xFFFFFFFF;
	(pc) =	sbr.abs _section_cstart, $3  }
0xc1: {  	[dreg:$0x1] =	wrdreg $0xFFFFFFFF  }
0xc2: {  	_ =	task.clear_ibuf [dreg:s7], $0x2FFFF;
	_ =	strace $0x9FFFFFFF  }
0xc3: {  	(tm) =	ssettm $0x7FFFFFFF  }
tec
execute0_lowered:
.L_overlay_start_1:
0x0: {  	(tag) =	ssettag $0x1  }
0x1: {  	s5 =	rddreg [dreg:$0x0]  }
0x2: {  	s6 =	rddreg [dreg:$0x1]  }
0x3: {  	s1 =	rddreg [dreg:$0x2]  }
0x4: {  	s0 =	rddreg [dreg:$0x3];
	s2 =	srdreg.scid  }
0x5: {  	s3 =	simm.s32 $0x0;
	s13 =	simm.s32 $0x2A00;
	s14 =	simm.s32 $0x80  }
0x6: {  	s15 =	simm.s32 $0x2800;
	s16 =	simm.s32 $0x1;
	s7 =	sand.u32 $0x1, s2  }
0x7: {  	s17 =	simm.s32 $0x2900;
	s2 =	stileid.u32;
	s8 =	smul.u32 $0x28000, s7  }
0x8: {  	s21 =	simm.s32 $0x0;
	[smem:$0x7FF] =	sst s3;
	s10 =	smul.u32 $0x50000, s2  }
0x9: {  	s4 =	sshll.u32 s2, $0x1;
	_ =	strace $0x80000047;
	s19 =	smul.u32 $0x2800, s2  }
0xa: {  	s31 =	sshll.u32 s2, $0x6;
	s9 =	sor.u32 s7, s4;
	s7 =	ssub.s32 $0x2, s7  }
0xb: {  	s4 =	sadd.s32 $0x2200, s5;
	s9 =	smul.u32 $0x500, s9;
	s29 =	sshrl.u32 s7, $0x1  }
0xc: {  	s11 =	sadd.s32 s8, s5;
	s30 =	sshrl.u32 s10, $0x2;
	s12 =	ssub.s32 s7, s29  }
0xd: {  	s18 =	sadd.s32 $0x2A200, s11;
	s5 =	sadd.s32 s6, s9;
	s6 =	sadd.s32 s30, s1  }
0xe: {  	s11 =	smax.u32 s12, $0x1;
	s12 =	simm.s32 $0x2;
	s18 =	sadd.s32 s19, s18  }
0xf: {  	s19 =	sor.u32 $0x1C02, s31;
	s7 =	sadd.s32 $0x4000, s6;
	s8 =	sadd.s32 $0x8000, s6  }
0x10: {  	v0 =	vimm.f32 $0.0e+00;
	s9 =	sadd.s32 $0xC000, s6;
	s10 =	sadd.s32 $0x10000, s6;
	s20 =	sshrl.u32 s6, $0x3  }
.LBB2_1:
0x11: {  	[tilespmem:s3], [sflag:$0x2] =	stream.linear.gather [hbm4b:s5+s3], $0x2800, $0x38;
	[tilespmem:$0x1AA00] =	vst v63  }
0x12: {  	_ =	swait.ge [sflag:s12], $0x2800  }
0x13: {  	[sflag:s12] =	ssyncset.done $0x0  }
0x14: {  	s22 =	simm.s32 $0x0;
	s23 =	simm.s32 $0x200;
	[sflag:s12] =	ssyncadd.s32 $0xFFFFD800  }
.LBB2_2:
0x15: {  	p0 =	sne.s32 s23, $0xFE00;
	[tilespmem:s22+$0x2A70] =	vst v0  }
0x16: {  	[tilespmem:s22+$0x2A00] =	vst v0  }
0x17: {  	[tilespmem:s22+$0x2A10] =	vst v0  }
.Ltmp0:
0x18: {  	[tilespmem:s22+$0x2A20] =	vst v0;
	(pc) =	sbr.rel @p0 .LBB2_2-.Ltmp0, $4  }
0x19: {  	[tilespmem:s22+$0x2A30] =	vst v0  }
0x1a: {  	[tilespmem:s22+$0x2A40] =	vst v0  }
0x1b: {  	[tilespmem:s22+$0x2A50] =	vst v0  }
0x1c: {  	[tilespmem:s22+$0x2A60] =	vst v0;
	s22 =	sshra.s32 s23, $0x2;
	s23 =	sadd.s32 $0x200, s23  }
0x1d: {  	[tilespmem:s22+$0x2A70] =	vst v0  }
0x1e: {  	[tilespmem:s22+$0x2A00] =	vst v0  }
0x1f: {  	[tilespmem:s22+$0x2A10] =	vst v0  }
0x20: {  	[tilespmem:s22+$0x2A20] =	vst v0  }
0x21: {  	[tilespmem:s22+$0x2A30] =	vst v0  }
0x22: {  	[tilespmem:s22+$0x2A40] =	vst v0  }
0x23: {  	[tilespmem:s22+$0x2A50] =	vst v0  }
0x24: {  	[tilespmem:s22+$0x2A60] =	vst v0  }
0x25: {  	[spmem:s6] =	stream.linear.scatter [tilespmem:s13], [sflag:$0x2], $0x4000, $0x38;
	[tilespmem:$0x1AA00] =	vst v63  }
0x26: {  	_ =	swait.ge [sflag:s12], $0x4000  }
0x27: {  	[sflag:s12] =	ssyncset.done $0x0  }
0x28: {  	[sflag:s12] =	ssyncadd.s32 $0xFFFFC000  }
0x29: {  	[spmem:s7] =	stream.linear.scatter [tilespmem:s13], [sflag:$0x2], $0x4000, $0x38;
	[tilespmem:$0x1AA00] =	vst v63  }
0x2a: {  	_ =	swait.ge [sflag:s12], $0x4000  }
0x2b: {  	[sflag:s12] =	ssyncset.done $0x0  }
0x2c: {  	[sflag:s12] =	ssyncadd.s32 $0xFFFFC000  }
0x2d: {  	[spmem:s8] =	stream.linear.scatter [tilespmem:s13], [sflag:$0x2], $0x4000, $0x38;
	[tilespmem:$0x1AA00] =	vst v63  }
0x2e: {  	_ =	swait.ge [sflag:s12], $0x4000  }
0x2f: {  	[sflag:s12] =	ssyncset.done $0x0  }
0x30: {  	[sflag:s12] =	ssyncadd.s32 $0xFFFFC000  }
0x31: {  	[spmem:s9] =	stream.linear.scatter [tilespmem:s13], [sflag:$0x2], $0x4000, $0x38;
	[tilespmem:$0x1AA00] =	vst v63  }
0x32: {  	_ =	swait.ge [sflag:s12], $0x4000  }
0x33: {  	[sflag:s12] =	ssyncset.done $0x0  }
0x34: {  	[sflag:s12] =	ssyncadd.s32 $0xFFFFC000  }
0x35: {  	[spmem:s10] =	stream.linear.scatter [tilespmem:s13], [sflag:$0x2], $0x4000, $0x38;
	[tilespmem:$0x1AA00] =	vst v63  }
0x36: {  	_ =	swait.ge [sflag:s12], $0x4000  }
0x37: {  	[sflag:s12] =	ssyncset.done $0x0  }
0x38: {  	[sflag:s12] =	ssyncadd.s32 $0xFFFFC000  }
0x39: {  	s31 =	simm.s32 $0x0;
	[bflag:$0x0] =	sbarrier.arrive $0xFFFF  }
0x3a: {  	v1 =	vld [tilespmem:s31+$0x0];
	_ =	sdelay $0x4  }
0x3b: {  	v2 =	vshrl.u32 v1, $0xE  }
0x3c: {  	v1 =	vand.u32 $0x3FFF, v1;
	[tilespmem:$0x2800] =	vst v2  }
0x3d: {  	[tilespmem:$0x2900] =	vst v1  }
0x3e: {  	v1 =	vld [tilespmem:s31+$0x10];
	_ =	sdelay $0x4  }
0x3f: {  	v2 =	vshrl.u32 v1, $0xE  }
0x40: {  	v1 =	vand.u32 $0x3FFF, v1;
	[tilespmem:$0x2810] =	vst v2  }
0x41: {  	[tilespmem:$0x2910] =	vst v1  }
0x42: {  	v1 =	vld [tilespmem:s31+$0x20];
	_ =	sdelay $0x4  }
0x43: {  	v2 =	vshrl.u32 v1, $0xE  }
0x44: {  	v1 =	vand.u32 $0x3FFF, v1;
	[tilespmem:$0x2820] =	vst v2  }
0x45: {  	[tilespmem:$0x2920] =	vst v1  }
0x46: {  	v1 =	vld [tilespmem:s31+$0x30];
	_ =	sdelay $0x4  }
0x47: {  	v2 =	vshrl.u32 v1, $0xE  }
0x48: {  	v1 =	vand.u32 $0x3FFF, v1;
	[tilespmem:$0x2830] =	vst v2  }
0x49: {  	[tilespmem:$0x2930] =	vst v1  }
0x4a: {  	v1 =	vld [tilespmem:s31+$0x40];
	_ =	sdelay $0x4  }
0x4b: {  	v2 =	vshrl.u32 v1, $0xE  }
0x4c: {  	v1 =	vand.u32 $0x3FFF, v1;
	[tilespmem:$0x2840] =	vst v2  }
0x4d: {  	[tilespmem:$0x2940] =	vst v1  }
0x4e: {  	v1 =	vld [tilespmem:s31+$0x50];
	_ =	sdelay $0x4  }
0x4f: {  	v2 =	vshrl.u32 v1, $0xE  }
0x50: {  	v1 =	vand.u32 $0x3FFF, v1;
	[tilespmem:$0x2850] =	vst v2  }
0x51: {  	[tilespmem:$0x2950] =	vst v1  }
0x52: {  	v1 =	vld [tilespmem:s31+$0x60];
	_ =	sdelay $0x4  }
0x53: {  	v2 =	vshrl.u32 v1, $0xE  }
0x54: {  	v1 =	vand.u32 $0x3FFF, v1;
	[tilespmem:$0x2860] =	vst v2  }
0x55: {  	[tilespmem:$0x2960] =	vst v1  }
0x56: {  	v1 =	vld [tilespmem:s31+$0x70];
	_ =	sdelay $0x4  }
0x57: {  	v2 =	vshrl.u32 v1, $0xE  }
0x58: {  	s22 =	simm.s32 $0x200;
	v1 =	vand.u32 $0x3FFF, v1;
	[tilespmem:$0x2870] =	vst v2  }
.LBB2_4:
0x59: {  	p0 =	sne.s32 s22, $0x9E00;
	[tilespmem:$0x2970] =	vst v1;
	s23 =	smov.u32 s22;
	s22 =	sadd.s32 $0x200, s22  }
0x5a: {  	[tilespmem:s13], [sflag:$0x1] =	stream.indirect.gather [hbm4b:s4+s14], $0x80, s15, s14, $0xb8;
	[tilespmem:$0x1AA00] =	vst v63  }
0x5b: {  	_ =	swait.ge [sflag:s16], $0x4000  }
0x5c: {  	[sflag:s16] =	ssyncset.done $0x0  }
0x5d: {  	[sflag:s16] =	ssyncadd.s32 $0xFFFFC000  }
0x5e: {  	[spmem:s1] =	stream.indirect.scatter.add.f32 [tilespmem:s13], [sflag:$0x2], $0x80, s17, s14, $0xb8;
	[tilespmem:$0x1AA00] =	vst v63  }
0x5f: {  	_ =	swait.ge [sflag:s12], $0x4000  }
0x60: {  	[sflag:s12] =	ssyncset.done $0x0  }
0x61: {  	s23 =	sshra.s32 s23, $0x2;
	[sflag:s12] =	ssyncadd.s32 $0xFFFFC000  }
0x62: {  	v1 =	vld [tilespmem:s23+$0x0];
	_ =	sdelay $0x4  }
0x63: {  	v2 =	vshrl.u32 v1, $0xE;
	v1 =	vand.u32 $0x3FFF, v1  }
0x64: {  	[tilespmem:$0x2800] =	vst v2  }
0x65: {  	[tilespmem:$0x2900] =	vst v1  }
0x66: {  	v1 =	vld [tilespmem:s23+$0x10];
	_ =	sdelay $0x4  }
0x67: {  	v2 =	vshrl.u32 v1, $0xE;
	v1 =	vand.u32 $0x3FFF, v1  }
0x68: {  	[tilespmem:$0x2810] =	vst v2  }
0x69: {  	[tilespmem:$0x2910] =	vst v1  }
0x6a: {  	v1 =	vld [tilespmem:s23+$0x20];
	_ =	sdelay $0x4  }
0x6b: {  	v2 =	vshrl.u32 v1, $0xE;
	v1 =	vand.u32 $0x3FFF, v1  }
0x6c: {  	[tilespmem:$0x2820] =	vst v2  }
0x6d: {  	[tilespmem:$0x2920] =	vst v1  }
0x6e: {  	v1 =	vld [tilespmem:s23+$0x30];
	_ =	sdelay $0x4  }
0x6f: {  	v2 =	vshrl.u32 v1, $0xE;
	v1 =	vand.u32 $0x3FFF, v1  }
0x70: {  	[tilespmem:$0x2830] =	vst v2  }
0x71: {  	[tilespmem:$0x2930] =	vst v1  }
0x72: {  	v1 =	vld [tilespmem:s23+$0x40];
	_ =	sdelay $0x4  }
0x73: {  	v2 =	vshrl.u32 v1, $0xE;
	v1 =	vand.u32 $0x3FFF, v1  }
0x74: {  	[tilespmem:$0x2840] =	vst v2  }
0x75: {  	[tilespmem:$0x2940] =	vst v1  }
0x76: {  	v1 =	vld [tilespmem:s23+$0x50];
	_ =	sdelay $0x4  }
0x77: {  	v2 =	vshrl.u32 v1, $0xE;
	v1 =	vand.u32 $0x3FFF, v1  }
0x78: {  	[tilespmem:$0x2850] =	vst v2  }
0x79: {  	[tilespmem:$0x2950] =	vst v1  }
0x7a: {  	v1 =	vld [tilespmem:s23+$0x60];
	_ =	sdelay $0x4  }
0x7b: {  	v2 =	vshrl.u32 v1, $0xE;
	v1 =	vand.u32 $0x3FFF, v1  }
0x7c: {  	[tilespmem:$0x2860] =	vst v2  }
0x7d: {  	[tilespmem:$0x2960] =	vst v1  }
0x7e: {  	v1 =	vld [tilespmem:s23+$0x70];
	_ =	sdelay $0x1  }
.Ltmp1:
0x7f: {  	(pc) =	sbr.rel @p0 .LBB2_4-.Ltmp1, $3  }
0x80: {  	_ =	sdelay $0x1  }
0x81: {  	v2 =	vshrl.u32 v1, $0xE;
	v1 =	vand.u32 $0x3FFF, v1  }
0x82: {  	[tilespmem:$0x2870] =	vst v2  }
0x83: {  	[tilespmem:$0x2970] =	vst v1  }
0x84: {  	[tilespmem:s13], [sflag:$0x1] =	stream.indirect.gather [hbm4b:s4+s14], $0x80, s15, s14, $0xb8;
	[tilespmem:$0x1AA00] =	vst v63  }
0x85: {  	_ =	swait.ge [sflag:s16], $0x4000  }
0x86: {  	[sflag:s16] =	ssyncset.done $0x0  }
0x87: {  	[sflag:s16] =	ssyncadd.s32 $0xFFFFC000  }
0x88: {  	[spmem:s1] =	stream.indirect.scatter.add.f32 [tilespmem:s13], [sflag:$0x2], $0x80, s17, s14, $0xb8;
	[tilespmem:$0x1AA00] =	vst v63  }
0x89: {  	_ =	swait.ge [sflag:s12], $0x4000  }
0x8a: {  	s21 =	sadd.s32 $0x1, s21;
	[sflag:s12] =	ssyncset.done $0x0  }
0x8b: {  	p0 =	sne.s32 s21, s11;
	[sflag:s12] =	ssyncadd.s32 $0xFFFFC000  }
.Ltmp2:
0x8c: {  	[bflag:$0x0] =	sbarrier.arrive $0xFFFF;
	(pc) =	sbr.rel @p0 .LBB2_1-.Ltmp2, $4  }
0x8d: {  	[hbm:s18], [sflag:s19] =	dma.local [spmem:s20], $0x2800  }
0x8e: {  	_ =	swait.ge [sflag:s12], $0x2800  }
0x8f: {  	[sflag:s12] =	ssyncset.done $0x0  }
0x90: {  	[sflag:s12] =	ssyncadd.s32 $0xFFFFD800  }
0x91: {  	_ =	sfence.sel $0x180000  }
0x92: {  	[bflag:$0x0] =	sbarrier.arrive $0xFFFF  }
0x93: {  	p0 =	sne.s32 s2, $0x0;
	_ =	strace $0x90000047  }
0x94: {  	s0 =	sadd.s32 @!p0 $0x100000, s0;
	[bflag:$0x2] =	sbarrier.arrive $0xFFFF  }
0x95: {  	[sflag:s0] =	ssyncadd.tile.s32 @!p0 $0x1;
	_ =	shalt  }
.Lfunc_end2:
_tile_overlayer_lowered:
.L_overlay_start_2:
0x96: {  	(tag) =	ssettag $0x2  }
0x97: {  	s0 =	rddreg [dreg:$0x0];
	s2 =	stileid.u32  }
0x98: {  	s1 =	rddreg [dreg:$0x1];
	p0 =	sne.s32 s2, $0x0  }
0x99: {  	s3 =	rddreg [dreg:$0x2];
	[bflag:$0x3] =	sbarrier.arrive $0xFFFF;
	s2 =	simm.s32 @!p0 $0x1C02  }
0x9a: {  	[timem:s3], [sflag:s2] =	dma.local @!p0 [hbm:s0], s1  }
0x9b: {  	s0 =	simm.s32 @!p0 $0x2  }
0x9c: {  	_ =	swait.ge @!p0 [sflag:s0], s1  }
0x9d: {  	s1 =	ssub.s32 @!p0 $0x0, s1;
	[sflag:s0] =	ssyncset.done @!p0 $0x0  }
0x9e: {  	[sflag:s0] =	ssyncadd.s32 @!p0 s1  }
0x9f: {  	[bflag:$0x3] =	sbarrier.arrive $0xFFFF  }
0xa0: {  	_ =	shalt  }

// kernel: kernel.14.cloned.1.call-start
scs
__scs_entry_jumppad:
0x0: {  	(pc) =	sbr.rel $0x88, $3  }
0x1: {  	(tag) =	ssettag $0x0;
	lr =	simm.s32 $0x1  }
0x2: {  	[smem:$0x3F99] =	sst lr;
	_ =	strace $0xD0000000  }
0x3: {  	_ = 	snop  }
0x4: {  	_ = 	snop  }
0x5: {  	_ = 	snop  }
0x6: {  	_ = 	snop  }
0x7: {  	_ = 	snop  }
__scs_overlays_trampoline_lowered:
0x8: {  	[smem:$0x3FA8] =	sst s0  }
0x9: {  	[smem:$0x3FA9] =	sst s1  }
0xa: {  	[smem:$0x3FAA] =	sst s2  }
0xb: {  	[smem:$0x3FAB] =	sst s3  }
0xc: {  	[smem:$0x3FAC] =	sst s4  }
0xd: {  	[smem:$0x3FAD] =	sst s5  }
0xe: {  	[smem:$0x3FAE] =	sst s6  }
0xf: {  	[smem:$0x3FAF] =	sst s7  }
0x10: {  	[smem:$0x3FB0] =	sst s8  }
0x11: {  	[smem:$0x3FB1] =	sst s9;
	s0 =	simm.s32 @!p0 $0x0  }
0x12: {  	s1 =	sld [smem:$0x3F97];
	s0 =	simm.s32 @p0 $0x1  }
0x13: {  	[smem:$0x3FB2] =	sst s0;
	s0 =	simm.s32 @!p1 $0x0  }
0x14: {  	s2 =	sld [smem:$0x3F96];
	s0 =	simm.s32 @p1 $0x1  }
0x15: {  	[smem:$0x3FB3] =	sst s0;
	s0 =	simm.s32 @!p2 $0x0  }
0x16: {  	s3 =	sld [smem:$0x3FDB];
	s0 =	simm.s32 @p2 $0x1  }
0x17: {  	s4 =	simm.s32 $0x1BF5;
	[smem:$0x3FB5] =	sst s0  }
0x18: {  	s0 =	sld [smem:$0x3F98];
	_ =	swait.ge [sflag:s4], $0x0  }
0x19: {  	s7 =	sld [smem:$0x3F99]  }
0x1a: {  	s8 =	sadd.s32 $0xFFFFE003, lr  }
0x1b: {  	s9 =	sadd.s32 $0xFFFFFEF7, lr;
	s5 =	simm.s32 $0xFFFFFFFF;
	p2 =	slt.u32 s8, $0xFFFFF086  }
0x1c: {  	p1 =	slt.u32 s9, $0xF7A;
	s5 =	simm.s32 @!p2 $0x0  }
0x1d: {  	s5 =	simm.s32 @p1 $0x1;
	p0 =	seq.s32 s7, s2  }
0x1e: {  	s7 =	smul.u32 @!p0 $0xF7A, s2;
	p2 =	seq.s32 @!p0 s5, $0x0  }
0x1f: {  	s9 =	smul.u32 $0xF7A, s1;
	s8 =	simm.s32 @!p0 $0x1BF5;
	p2 =	por !p2, p0  }
0x20: {  	[sflag:s8] =	ssyncset.s32 @!p0 $0xFFFFF086;
	s6 =	sadd.s32 @!p0 s3, s7;
	s7 =	simm.s32 @!p0 $0x108  }
0x21: {  	s3 =	sadd.s32 s3, s9;
	s6 =	sadd.s32 @!p0 $0x88, s6;
	s7 =	simm.s32 @p2 $0x1082  }
0x22: {  	[simem:s7], [sflag:s8] =	dma.local @!p0 [hbm:s6], $0xF7A  }
0x23: {  	s9 =	sor.u32 $0xD0000000, s2;
	s6 =	simm.s32 $0x108;
	_ =	swait.ge @!p0 [sflag:s8], $0x0  }
0x24: {  	s3 =	sadd.s32 $0x88, s3;
	s6 =	simm.s32 @!p1 $0x1082;
	[sflag:s4] =	ssyncset.s32 $0xFFFFF086  }
0x25: {  	[simem:s6], [sflag:s4] =	dma.local [hbm:s3], $0xF7A  }
0x26: {  	[smem:$0x3F99] =	sst s1;
	(tag) =	ssettag s2;
	_ =	strace s9  }
0x27: {  	s1 =	sld [smem:$0x3FA9]  }
0x28: {  	s2 =	sld [smem:$0x3FAA]  }
0x29: {  	s4 =	sld [smem:$0x3FAC]  }
0x2a: {  	p0 =	seq.s32 s5, $0x0;
	s5 =	sld [smem:$0x3FAD]  }
0x2b: {  	s6 =	sld [smem:$0x3FAE]  }
0x2c: {  	s7 =	sld [smem:$0x3FAF]  }
0x2d: {  	s3 =	simm.s32 $0x108;
	s8 =	sld [smem:$0x3FB0]  }
0x2e: {  	s3 =	simm.s32 @!p0 $0x1082;
	s9 =	sld [smem:$0x3FB1]  }
0x2f: {  	lr =	sadd.s32 s0, s3;
	s0 =	sld [smem:$0x3FA8]  }
0x30: {  	s3 =	sld [smem:$0x3FAB]  }
0x31: {  	[smem:$0x3FB4] =	sst s10  }
0x32: {  	s10 =	sld [smem:$0x3FB2];
	_ =	sdelay $0x3  }
0x33: {  	p0 =	seq.s32 s10, $0x1;
	s10 =	sld [smem:$0x3FB4];
	_ =	sdelay $0x3  }
0x34: {  	[smem:$0x3FB4] =	sst s10  }
0x35: {  	s10 =	sld [smem:$0x3FB3];
	_ =	sdelay $0x3  }
0x36: {  	p1 =	seq.s32 s10, $0x1;
	s10 =	sld [smem:$0x3FB4];
	_ =	sdelay $0x3  }
0x37: {  	[smem:$0x3FB4] =	sst s10  }
0x38: {  	s10 =	sld [smem:$0x3FB5]  }
0x39: {  	_ = 	snop;
	(pc) =	sbr.ind lr, $3  }
0x3a: {  	_ = 	snop  }
0x3b: {  	_ = 	snop  }
0x3c: {  	p2 =	seq.s32 s10, $0x1;
	s10 =	sld [smem:$0x3FB4]  }
0x3d: {  	_ =	shalt  }
0x3e: {  	_ =	shalt  }
0x3f: {  	_ =	shalt  }
0x40: {  	_ =	shalt  }
0x41: {  	_ =	shalt  }
0x42: {  	_ =	shalt  }
0x43: {  	_ =	shalt  }
0x44: {  	_ =	shalt  }
0x45: {  	_ =	shalt  }
0x46: {  	_ =	shalt  }
0x47: {  	_ =	shalt  }
0x48: {  	_ =	shalt  }
0x49: {  	_ =	shalt  }
0x4a: {  	_ =	shalt  }
0x4b: {  	_ =	shalt  }
0x4c: {  	_ =	shalt  }
0x4d: {  	_ =	shalt  }
0x4e: {  	_ =	shalt  }
0x4f: {  	_ =	shalt  }
0x50: {  	_ =	shalt  }
0x51: {  	_ =	shalt  }
0x52: {  	_ =	shalt  }
0x53: {  	_ =	shalt  }
0x54: {  	_ =	shalt  }
0x55: {  	_ =	shalt  }
0x56: {  	_ =	shalt  }
0x57: {  	_ =	shalt  }
0x58: {  	_ =	shalt  }
0x59: {  	_ =	shalt  }
0x5a: {  	_ =	shalt  }
0x5b: {  	_ =	shalt  }
0x5c: {  	_ =	shalt  }
0x5d: {  	_ =	shalt  }
0x5e: {  	_ =	shalt  }
0x5f: {  	_ =	shalt  }
0x60: {  	_ =	shalt  }
0x61: {  	_ =	shalt  }
0x62: {  	_ =	shalt  }
0x63: {  	_ =	shalt  }
0x64: {  	_ =	shalt  }
0x65: {  	_ =	shalt  }
0x66: {  	_ =	shalt  }
0x67: {  	_ =	shalt  }
0x68: {  	_ =	shalt  }
0x69: {  	_ =	shalt  }
0x6a: {  	_ =	shalt  }
0x6b: {  	_ =	shalt  }
0x6c: {  	_ =	shalt  }
0x6d: {  	_ =	shalt  }
0x6e: {  	_ =	shalt  }
0x6f: {  	_ =	shalt  }
0x70: {  	_ =	shalt  }
0x71: {  	_ =	shalt  }
0x72: {  	_ =	shalt  }
0x73: {  	_ =	shalt  }
0x74: {  	_ =	shalt  }
0x75: {  	_ =	shalt  }
0x76: {  	_ =	shalt  }
0x77: {  	_ =	shalt  }
0x78: {  	_ =	shalt  }
0x79: {  	_ =	shalt  }
0x7a: {  	_ =	shalt  }
0x7b: {  	_ =	shalt  }
0x7c: {  	_ =	shalt  }
0x7d: {  	_ =	shalt  }
0x7e: {  	_ =	shalt  }
0x7f: {  	_ =	shalt  }
0x80: {  	_ =	shalt  }
0x81: {  	_ =	shalt  }
0x82: {  	_ =	shalt  }
0x83: {  	_ =	shalt  }
0x84: {  	_ =	shalt  }
0x85: {  	_ =	shalt  }
0x86: {  	_ =	shalt  }
0x87: {  	_ =	shalt  }
.Lfunc_end0:
.L_simem_size_0:
called_computation.1_lowered:
.L_overlay_start_0:
0x88: {  	s2 =	sld [smem:$0x3FD9]  }
0x89: {  	s3 =	sld [smem:$0x3FFE];
	_ =	sdelay $0x1  }
0x8a: {  	s1 =	srdreg.scid  }
0x8b: {  	s0 =	sand.u32 $0x1, s1  }
0x8c: {  	s17 =	sshll.u32 s0, $0xA;
	s2 =	sadd.s32 s3, s2  }
0x8d: {  	s2 =	sadd.s32 s2, s17  }
0x8e: {  	[smem:$0x3FC0] =	sst s2  }
0x8f: {  	_ = 	snop  }
0x90: {  	s2 =	sld [smem:$0x3FD0];
	(tm) =	ssettm $0x1  }
0x91: {  	s18 =	sld [smem:$0x3FFB];
	_ =	sdelay $0x3  }
0x92: {  	_ =	strace s18  }
0x93: {  	s3 =	sld [smem:$0x3FFC];
	_ =	sdelay $0x3  }
0x94: {  	_ =	strace s3  }
0x95: {  	s3 =	sld [smem:$0x3FFD];
	_ =	sdelay $0x3  }
0x96: {  	_ =	strace s3  }
0x97: {  	_ =	strace $0x8FFFFFFF  }
0x98: {  	s19 =	sld [smem:$0x3FDB];
	_ =	sdelay $0x1  }
0x99: {  	s4 =	simm.s32 $_scs_section_size  }
0x9a: {  	s5 =	simm.s32 $_size__tile_overlayer_lowered;
	s6 =	simm.s32 $_tile_overlayer_lowered  }
0x9b: {  	s22 =	simm.s32 $0x1BFF;
	s21 =	sshll.u32 s6, $0x1;
	s3 =	sadd.s32 s4, s19  }
0x9c: {  	s7 =	simm.s32 $0x0;
	s20 =	sshll.u32 s5, $0x1;
	s5 =	sadd.s32 s21, s3  }
0x9d: {  	[timem:s7], [sflag:s22] =	dma.local [hbm:s5], s20  }
0x9e: {  	_ =	swait.ge [sflag:s22], s20  }
0x9f: {  	s4 =	ssub.s32 $0x0, s20;
	[sflag:s22] =	ssyncset.done $0x0  }
0xa0: {  	[sflag:s22] =	ssyncadd.s32 s4;
	_ =	sdelay $0x1  }
0xa1: {  	s23 =	simm.s32 $0x1B8B  }
0xa2: {  	_ =	swait.ge [sflag:s23], $0x1  }
0xa3: {  	[sflag:s23] =	ssyncset.done $0x0  }
0xa4: {  	s25 =	simm.s32 $0x1B8E;
	s24 =	sld [smem:$0x3FFE];
	[sflag:s23] =	ssyncadd.s32 $0xFFFFFFFF  }
0xa5: {  	s26 =	simm.s32 $execute0_lowered;
	[smem:$0x3FD2] =	sst s25  }
0xa6: {  	s5 =	sshll.u32 s26, $0x1;
	_ =	strace $0x80000049;
	[dreg:$0x1] =	wrdreg $0xFFFFFFFF  }
0xa7: {  	s28 =	simm.s32 $_size_execute0_lowered;
	s3 =	sadd.s32 s3, s5;
	[dreg:$0x0] =	wrdreg $0x0  }
0xa8: {  	s5 =	sshll.u32 s28, $0x1;
	[dreg:$0x2] =	wrdreg s3  }
0xa9: {  	[dreg:$0x3] =	wrdreg s5  }
0xaa: {  	[dreg:$0x4] =	wrdreg $0xC0  }
0xab: {  	_ =	task [dreg:s7], $0x5FFFF  }
0xac: {  	[dreg:$0x1] =	wrdreg $0xFFFFFFFF  }
0xad: {  	[dreg:$0x0] =	wrdreg $0x60  }
0xae: {  	[dreg:$0x2] =	wrdreg s24  }
0xaf: {  	[dreg:$0x3] =	wrdreg s2  }
0xb0: {  	[dreg:$0x4] =	wrdreg $0x6A000  }
0xb1: {  	[dreg:$0x5] =	wrdreg $0x9  }
0xb2: {  	_ =	task.clear_ibuf [dreg:s7], $0x6FFFF;
	_ =	strace $0x90000049  }
0xb3: {  	s29 =	simm.s32 $0x9;
	_ =	strace $0x8000004B  }
0xb4: {  	_ =	swait.ge [sflag:s29], $0x1  }
0xb5: {  	[sflag:s29] =	ssyncadd.s32 $0xFFFFFFFF  }
0xb6: {  	_ =	strace $0x9000004B  }
0xb7: {  	_ =	sfence  }
0xb8: {  	s30 =	sld [smem:$0x0];
	_ =	sdelay $0x2  }
0xb9: {  	s31 =	sshll.u32 s1, $0xD;
	s1 =	sshrl.u32 s1, $0x2  }
0xba: {  	s3 =	sand.u32 $0x4000, s31;
	s1 =	sadd.s32 s1, s30  }
0xbb: {  	s0 =	sor.u32 s3, s0;
	s1 =	sshll.u32 s1, $0x11  }
0xbc: {  	s0 =	sor.u32 s1, s0  }
0xbd: {  	s0 =	sadd.s32 $0x8F2B, s0  }
0xbe: {  	[sflag:s0] =	ssyncadd.remote.s32 $0x1  }
0xbf: {  	_ =	sfence.sel $0xFFFF  }
0xc0: {  	[dreg:$0x0] =	wrdreg $0xFFFFFFFF;
	(pc) =	sbr.abs _section_cstart, $3  }
0xc1: {  	[dreg:$0x1] =	wrdreg $0xFFFFFFFF  }
0xc2: {  	_ =	task.clear_ibuf [dreg:s7], $0x2FFFF;
	_ =	strace $0x9FFFFFFF  }
0xc3: {  	(tm) =	ssettm $0x7FFFFFFF  }
tec
execute0_lowered:
.L_overlay_start_1:
0x0: {  	(tag) =	ssettag $0x1  }
0x1: {  	s5 =	rddreg [dreg:$0x0]  }
0x2: {  	s6 =	rddreg [dreg:$0x1]  }
0x3: {  	s1 =	rddreg [dreg:$0x2]  }
0x4: {  	s0 =	rddreg [dreg:$0x3];
	s2 =	srdreg.scid  }
0x5: {  	s3 =	simm.s32 $0x0;
	s13 =	simm.s32 $0x2A00;
	s14 =	simm.s32 $0x80  }
0x6: {  	s15 =	simm.s32 $0x2800;
	s16 =	simm.s32 $0x1;
	s7 =	sand.u32 $0x1, s2  }
0x7: {  	s17 =	simm.s32 $0x2900;
	s2 =	stileid.u32;
	s8 =	smul.u32 $0x28000, s7  }
0x8: {  	s21 =	simm.s32 $0x0;
	[smem:$0x7FF] =	sst s3;
	s10 =	smul.u32 $0x50000, s2  }
0x9: {  	s4 =	sshll.u32 s2, $0x1;
	_ =	strace $0x8000004A;
	s19 =	smul.u32 $0x2800, s2  }
0xa: {  	s31 =	sshll.u32 s2, $0x6;
	s9 =	sor.u32 s7, s4;
	s7 =	ssub.s32 $0x2, s7  }
0xb: {  	s4 =	sadd.s32 $0x2200, s5;
	s9 =	smul.u32 $0x500, s9;
	s29 =	sshrl.u32 s7, $0x1  }
0xc: {  	s11 =	sadd.s32 s8, s5;
	s30 =	sshrl.u32 s10, $0x2;
	s12 =	ssub.s32 s7, s29  }
0xd: {  	s18 =	sadd.s32 $0x2A200, s11;
	s5 =	sadd.s32 s6, s9;
	s6 =	sadd.s32 s30, s1  }
0xe: {  	s11 =	smax.u32 s12, $0x1;
	s12 =	simm.s32 $0x2;
	s18 =	sadd.s32 s19, s18  }
0xf: {  	s19 =	sor.u32 $0x1C02, s31;
	s7 =	sadd.s32 $0x4000, s6;
	s8 =	sadd.s32 $0x8000, s6  }
0x10: {  	v0 =	vimm.f32 $0.0e+00;
	s9 =	sadd.s32 $0xC000, s6;
	s10 =	sadd.s32 $0x10000, s6;
	s20 =	sshrl.u32 s6, $0x3  }
.LBB2_1:
0x11: {  	[tilespmem:s3], [sflag:$0x2] =	stream.linear.gather [hbm4b:s5+s3], $0x2800, $0x38;
	[tilespmem:$0x1AA00] =	vst v63  }
0x12: {  	_ =	swait.ge [sflag:s12], $0x2800  }
0x13: {  	[sflag:s12] =	ssyncset.done $0x0  }
0x14: {  	s22 =	simm.s32 $0x0;
	s23 =	simm.s32 $0x200;
	[sflag:s12] =	ssyncadd.s32 $0xFFFFD800  }
.LBB2_2:
0x15: {  	p0 =	sne.s32 s23, $0xFE00;
	[tilespmem:s22+$0x2A70] =	vst v0  }
0x16: {  	[tilespmem:s22+$0x2A00] =	vst v0  }
0x17: {  	[tilespmem:s22+$0x2A10] =	vst v0  }
.Ltmp0:
0x18: {  	[tilespmem:s22+$0x2A20] =	vst v0;
	(pc) =	sbr.rel @p0 .LBB2_2-.Ltmp0, $4  }
0x19: {  	[tilespmem:s22+$0x2A30] =	vst v0  }
0x1a: {  	[tilespmem:s22+$0x2A40] =	vst v0  }
0x1b: {  	[tilespmem:s22+$0x2A50] =	vst v0  }
0x1c: {  	[tilespmem:s22+$0x2A60] =	vst v0;
	s22 =	sshra.s32 s23, $0x2;
	s23 =	sadd.s32 $0x200, s23  }
0x1d: {  	[tilespmem:s22+$0x2A70] =	vst v0  }
0x1e: {  	[tilespmem:s22+$0x2A00] =	vst v0  }
0x1f: {  	[tilespmem:s22+$0x2A10] =	vst v0  }
0x20: {  	[tilespmem:s22+$0x2A20] =	vst v0  }
0x21: {  	[tilespmem:s22+$0x2A30] =	vst v0  }
0x22: {  	[tilespmem:s22+$0x2A40] =	vst v0  }
0x23: {  	[tilespmem:s22+$0x2A50] =	vst v0  }
0x24: {  	[tilespmem:s22+$0x2A60] =	vst v0  }
0x25: {  	[spmem:s6] =	stream.linear.scatter [tilespmem:s13], [sflag:$0x2], $0x4000, $0x38;
	[tilespmem:$0x1AA00] =	vst v63  }
0x26: {  	_ =	swait.ge [sflag:s12], $0x4000  }
0x27: {  	[sflag:s12] =	ssyncset.done $0x0  }
0x28: {  	[sflag:s12] =	ssyncadd.s32 $0xFFFFC000  }
0x29: {  	[spmem:s7] =	stream.linear.scatter [tilespmem:s13], [sflag:$0x2], $0x4000, $0x38;
	[tilespmem:$0x1AA00] =	vst v63  }
0x2a: {  	_ =	swait.ge [sflag:s12], $0x4000  }
0x2b: {  	[sflag:s12] =	ssyncset.done $0x0  }
0x2c: {  	[sflag:s12] =	ssyncadd.s32 $0xFFFFC000  }
0x2d: {  	[spmem:s8] =	stream.linear.scatter [tilespmem:s13], [sflag:$0x2], $0x4000, $0x38;
	[tilespmem:$0x1AA00] =	vst v63  }
0x2e: {  	_ =	swait.ge [sflag:s12], $0x4000  }
0x2f: {  	[sflag:s12] =	ssyncset.done $0x0  }
0x30: {  	[sflag:s12] =	ssyncadd.s32 $0xFFFFC000  }
0x31: {  	[spmem:s9] =	stream.linear.scatter [tilespmem:s13], [sflag:$0x2], $0x4000, $0x38;
	[tilespmem:$0x1AA00] =	vst v63  }
0x32: {  	_ =	swait.ge [sflag:s12], $0x4000  }
0x33: {  	[sflag:s12] =	ssyncset.done $0x0  }
0x34: {  	[sflag:s12] =	ssyncadd.s32 $0xFFFFC000  }
0x35: {  	[spmem:s10] =	stream.linear.scatter [tilespmem:s13], [sflag:$0x2], $0x4000, $0x38;
	[tilespmem:$0x1AA00] =	vst v63  }
0x36: {  	_ =	swait.ge [sflag:s12], $0x4000  }
0x37: {  	[sflag:s12] =	ssyncset.done $0x0  }
0x38: {  	[sflag:s12] =	ssyncadd.s32 $0xFFFFC000  }
0x39: {  	s31 =	simm.s32 $0x0;
	[bflag:$0x0] =	sbarrier.arrive $0xFFFF  }
0x3a: {  	v1 =	vld [tilespmem:s31+$0x0];
	_ =	sdelay $0x4  }
0x3b: {  	v2 =	vshrl.u32 v1, $0xE  }
0x3c: {  	v1 =	vand.u32 $0x3FFF, v1;
	[tilespmem:$0x2800] =	vst v2  }
0x3d: {  	[tilespmem:$0x2900] =	vst v1  }
0x3e: {  	v1 =	vld [tilespmem:s31+$0x10];
	_ =	sdelay $0x4  }
0x3f: {  	v2 =	vshrl.u32 v1, $0xE  }
0x40: {  	v1 =	vand.u32 $0x3FFF, v1;
	[tilespmem:$0x2810] =	vst v2  }
0x41: {  	[tilespmem:$0x2910] =	vst v1  }
0x42: {  	v1 =	vld [tilespmem:s31+$0x20];
	_ =	sdelay $0x4  }
0x43: {  	v2 =	vshrl.u32 v1, $0xE  }
0x44: {  	v1 =	vand.u32 $0x3FFF, v1;
	[tilespmem:$0x2820] =	vst v2  }
0x45: {  	[tilespmem:$0x2920] =	vst v1  }
0x46: {  	v1 =	vld [tilespmem:s31+$0x30];
	_ =	sdelay $0x4  }
0x47: {  	v2 =	vshrl.u32 v1, $0xE  }
0x48: {  	v1 =	vand.u32 $0x3FFF, v1;
	[tilespmem:$0x2830] =	vst v2  }
0x49: {  	[tilespmem:$0x2930] =	vst v1  }
0x4a: {  	v1 =	vld [tilespmem:s31+$0x40];
	_ =	sdelay $0x4  }
0x4b: {  	v2 =	vshrl.u32 v1, $0xE  }
0x4c: {  	v1 =	vand.u32 $0x3FFF, v1;
	[tilespmem:$0x2840] =	vst v2  }
0x4d: {  	[tilespmem:$0x2940] =	vst v1  }
0x4e: {  	v1 =	vld [tilespmem:s31+$0x50];
	_ =	sdelay $0x4  }
0x4f: {  	v2 =	vshrl.u32 v1, $0xE  }
0x50: {  	v1 =	vand.u32 $0x3FFF, v1;
	[tilespmem:$0x2850] =	vst v2  }
0x51: {  	[tilespmem:$0x2950] =	vst v1  }
0x52: {  	v1 =	vld [tilespmem:s31+$0x60];
	_ =	sdelay $0x4  }
0x53: {  	v2 =	vshrl.u32 v1, $0xE  }
0x54: {  	v1 =	vand.u32 $0x3FFF, v1;
	[tilespmem:$0x2860] =	vst v2  }
0x55: {  	[tilespmem:$0x2960] =	vst v1  }
0x56: {  	v1 =	vld [tilespmem:s31+$0x70];
	_ =	sdelay $0x4  }
0x57: {  	v2 =	vshrl.u32 v1, $0xE  }
0x58: {  	s22 =	simm.s32 $0x200;
	v1 =	vand.u32 $0x3FFF, v1;
	[tilespmem:$0x2870] =	vst v2  }
.LBB2_4:
0x59: {  	p0 =	sne.s32 s22, $0x9E00;
	[tilespmem:$0x2970] =	vst v1;
	s23 =	smov.u32 s22;
	s22 =	sadd.s32 $0x200, s22  }
0x5a: {  	[tilespmem:s13], [sflag:$0x1] =	stream.indirect.gather [hbm4b:s4+s14], $0x80, s15, s14, $0xb8;
	[tilespmem:$0x1AA00] =	vst v63  }
0x5b: {  	_ =	swait.ge [sflag:s16], $0x4000  }
0x5c: {  	[sflag:s16] =	ssyncset.done $0x0  }
0x5d: {  	[sflag:s16] =	ssyncadd.s32 $0xFFFFC000  }
0x5e: {  	[spmem:s1] =	stream.indirect.scatter.add.f32 [tilespmem:s13], [sflag:$0x2], $0x80, s17, s14, $0xb8;
	[tilespmem:$0x1AA00] =	vst v63  }
0x5f: {  	_ =	swait.ge [sflag:s12], $0x4000  }
0x60: {  	[sflag:s12] =	ssyncset.done $0x0  }
0x61: {  	s23 =	sshra.s32 s23, $0x2;
	[sflag:s12] =	ssyncadd.s32 $0xFFFFC000  }
0x62: {  	v1 =	vld [tilespmem:s23+$0x0];
	_ =	sdelay $0x4  }
0x63: {  	v2 =	vshrl.u32 v1, $0xE;
	v1 =	vand.u32 $0x3FFF, v1  }
0x64: {  	[tilespmem:$0x2800] =	vst v2  }
0x65: {  	[tilespmem:$0x2900] =	vst v1  }
0x66: {  	v1 =	vld [tilespmem:s23+$0x10];
	_ =	sdelay $0x4  }
0x67: {  	v2 =	vshrl.u32 v1, $0xE;
	v1 =	vand.u32 $0x3FFF, v1  }
0x68: {  	[tilespmem:$0x2810] =	vst v2  }
0x69: {  	[tilespmem:$0x2910] =	vst v1  }
0x6a: {  	v1 =	vld [tilespmem:s23+$0x20];
	_ =	sdelay $0x4  }
0x6b: {  	v2 =	vshrl.u32 v1, $0xE;
	v1 =	vand.u32 $0x3FFF, v1  }
0x6c: {  	[tilespmem:$0x2820] =	vst v2  }
0x6d: {  	[tilespmem:$0x2920] =	vst v1  }
0x6e: {  	v1 =	vld [tilespmem:s23+$0x30];
	_ =	sdelay $0x4  }
0x6f: {  	v2 =	vshrl.u32 v1, $0xE;
	v1 =	vand.u32 $0x3FFF, v1  }
0x70: {  	[tilespmem:$0x2830] =	vst v2  }
0x71: {  	[tilespmem:$0x2930] =	vst v1  }
0x72: {  	v1 =	vld [tilespmem:s23+$0x40];
	_ =	sdelay $0x4  }
0x73: {  	v2 =	vshrl.u32 v1, $0xE;
	v1 =	vand.u32 $0x3FFF, v1  }
0x74: {  	[tilespmem:$0x2840] =	vst v2  }
0x75: {  	[tilespmem:$0x2940] =	vst v1  }
0x76: {  	v1 =	vld [tilespmem:s23+$0x50];
	_ =	sdelay $0x4  }
0x77: {  	v2 =	vshrl.u32 v1, $0xE;
	v1 =	vand.u32 $0x3FFF, v1  }
0x78: {  	[tilespmem:$0x2850] =	vst v2  }
0x79: {  	[tilespmem:$0x2950] =	vst v1  }
0x7a: {  	v1 =	vld [tilespmem:s23+$0x60];
	_ =	sdelay $0x4  }
0x7b: {  	v2 =	vshrl.u32 v1, $0xE;
	v1 =	vand.u32 $0x3FFF, v1  }
0x7c: {  	[tilespmem:$0x2860] =	vst v2  }
0x7d: {  	[tilespmem:$0x2960] =	vst v1  }
0x7e: {  	v1 =	vld [tilespmem:s23+$0x70];
	_ =	sdelay $0x1  }
.Ltmp1:
0x7f: {  	(pc) =	sbr.rel @p0 .LBB2_4-.Ltmp1, $3  }
0x80: {  	_ =	sdelay $0x1  }
0x81: {  	v2 =	vshrl.u32 v1, $0xE;
	v1 =	vand.u32 $0x3FFF, v1  }
0x82: {  	[tilespmem:$0x2870] =	vst v2  }
0x83: {  	[tilespmem:$0x2970] =	vst v1  }
0x84: {  	[tilespmem:s13], [sflag:$0x1] =	stream.indirect.gather [hbm4b:s4+s14], $0x80, s15, s14, $0xb8;
	[tilespmem:$0x1AA00] =	vst v63  }
0x85: {  	_ =	swait.ge [sflag:s16], $0x4000  }
0x86: {  	[sflag:s16] =	ssyncset.done $0x0  }
0x87: {  	[sflag:s16] =	ssyncadd.s32 $0xFFFFC000  }
0x88: {  	[spmem:s1] =	stream.indirect.scatter.add.f32 [tilespmem:s13], [sflag:$0x2], $0x80, s17, s14, $0xb8;
	[tilespmem:$0x1AA00] =	vst v63  }
0x89: {  	_ =	swait.ge [sflag:s12], $0x4000  }
0x8a: {  	s21 =	sadd.s32 $0x1, s21;
	[sflag:s12] =	ssyncset.done $0x0  }
0x8b: {  	p0 =	sne.s32 s21, s11;
	[sflag:s12] =	ssyncadd.s32 $0xFFFFC000  }
.Ltmp2:
0x8c: {  	[bflag:$0x0] =	sbarrier.arrive $0xFFFF;
	(pc) =	sbr.rel @p0 .LBB2_1-.Ltmp2, $4  }
0x8d: {  	[hbm:s18], [sflag:s19] =	dma.local [spmem:s20], $0x2800  }
0x8e: {  	_ =	swait.ge [sflag:s12], $0x2800  }
0x8f: {  	[sflag:s12] =	ssyncset.done $0x0  }
0x90: {  	[sflag:s12] =	ssyncadd.s32 $0xFFFFD800  }
0x91: {  	_ =	sfence.sel $0x180000  }
0x92: {  	[bflag:$0x0] =	sbarrier.arrive $0xFFFF  }
0x93: {  	p0 =	sne.s32 s2, $0x0;
	_ =	strace $0x9000004A  }
0x94: {  	s0 =	sadd.s32 @!p0 $0x100000, s0;
	[bflag:$0x2] =	sbarrier.arrive $0xFFFF  }
0x95: {  	[sflag:s0] =	ssyncadd.tile.s32 @!p0 $0x1;
	_ =	shalt  }
.Lfunc_end2:
_tile_overlayer_lowered:
.L_overlay_start_2:
0x96: {  	(tag) =	ssettag $0x2  }
0x97: {  	s0 =	rddreg [dreg:$0x0];
	s2 =	stileid.u32  }
0x98: {  	s1 =	rddreg [dreg:$0x1];
	p0 =	sne.s32 s2, $0x0  }
0x99: {  	s3 =	rddreg [dreg:$0x2];
	[bflag:$0x3] =	sbarrier.arrive $0xFFFF;
	s2 =	simm.s32 @!p0 $0x1C02  }
0x9a: {  	[timem:s3], [sflag:s2] =	dma.local @!p0 [hbm:s0], s1  }
0x9b: {  	s0 =	simm.s32 @!p0 $0x2  }
0x9c: {  	_ =	swait.ge @!p0 [sflag:s0], s1  }
0x9d: {  	s1 =	ssub.s32 @!p0 $0x0, s1;
	[sflag:s0] =	ssyncset.done @!p0 $0x0  }
0x9e: {  	[sflag:s0] =	ssyncadd.s32 @!p0 s1  }
0x9f: {  	[bflag:$0x3] =	sbarrier.arrive $0xFFFF  }
0xa0: {  	_ =	shalt  }

// kernel: kernel.17.cloned.1.call-start
scs
__scs_entry_jumppad:
0x0: {  	(pc) =	sbr.rel $0x88, $3  }
0x1: {  	(tag) =	ssettag $0x0;
	lr =	simm.s32 $0x1  }
0x2: {  	[smem:$0x3F99] =	sst lr;
	_ =	strace $0xD0000000  }
0x3: {  	_ = 	snop  }
0x4: {  	_ = 	snop  }
0x5: {  	_ = 	snop  }
0x6: {  	_ = 	snop  }
0x7: {  	_ = 	snop  }
__scs_overlays_trampoline_lowered:
0x8: {  	[smem:$0x3FA8] =	sst s0  }
0x9: {  	[smem:$0x3FA9] =	sst s1  }
0xa: {  	[smem:$0x3FAA] =	sst s2  }
0xb: {  	[smem:$0x3FAB] =	sst s3  }
0xc: {  	[smem:$0x3FAC] =	sst s4  }
0xd: {  	[smem:$0x3FAD] =	sst s5  }
0xe: {  	[smem:$0x3FAE] =	sst s6  }
0xf: {  	[smem:$0x3FAF] =	sst s7  }
0x10: {  	[smem:$0x3FB0] =	sst s8  }
0x11: {  	[smem:$0x3FB1] =	sst s9;
	s0 =	simm.s32 @!p0 $0x0  }
0x12: {  	s1 =	sld [smem:$0x3F97];
	s0 =	simm.s32 @p0 $0x1  }
0x13: {  	[smem:$0x3FB2] =	sst s0;
	s0 =	simm.s32 @!p1 $0x0  }
0x14: {  	s2 =	sld [smem:$0x3F96];
	s0 =	simm.s32 @p1 $0x1  }
0x15: {  	[smem:$0x3FB3] =	sst s0;
	s0 =	simm.s32 @!p2 $0x0  }
0x16: {  	s3 =	sld [smem:$0x3FDB];
	s0 =	simm.s32 @p2 $0x1  }
0x17: {  	s4 =	simm.s32 $0x1BF5;
	[smem:$0x3FB5] =	sst s0  }
0x18: {  	s0 =	sld [smem:$0x3F98];
	_ =	swait.ge [sflag:s4], $0x0  }
0x19: {  	s7 =	sld [smem:$0x3F99]  }
0x1a: {  	s8 =	sadd.s32 $0xFFFFE003, lr  }
0x1b: {  	s9 =	sadd.s32 $0xFFFFFEF7, lr;
	s5 =	simm.s32 $0xFFFFFFFF;
	p2 =	slt.u32 s8, $0xFFFFF086  }
0x1c: {  	p1 =	slt.u32 s9, $0xF7A;
	s5 =	simm.s32 @!p2 $0x0  }
0x1d: {  	s5 =	simm.s32 @p1 $0x1;
	p0 =	seq.s32 s7, s2  }
0x1e: {  	s7 =	smul.u32 @!p0 $0xF7A, s2;
	p2 =	seq.s32 @!p0 s5, $0x0  }
0x1f: {  	s9 =	smul.u32 $0xF7A, s1;
	s8 =	simm.s32 @!p0 $0x1BF5;
	p2 =	por !p2, p0  }
0x20: {  	[sflag:s8] =	ssyncset.s32 @!p0 $0xFFFFF086;
	s6 =	sadd.s32 @!p0 s3, s7;
	s7 =	simm.s32 @!p0 $0x108  }
0x21: {  	s3 =	sadd.s32 s3, s9;
	s6 =	sadd.s32 @!p0 $0x88, s6;
	s7 =	simm.s32 @p2 $0x1082  }
0x22: {  	[simem:s7], [sflag:s8] =	dma.local @!p0 [hbm:s6], $0xF7A  }
0x23: {  	s9 =	sor.u32 $0xD0000000, s2;
	s6 =	simm.s32 $0x108;
	_ =	swait.ge @!p0 [sflag:s8], $0x0  }
0x24: {  	s3 =	sadd.s32 $0x88, s3;
	s6 =	simm.s32 @!p1 $0x1082;
	[sflag:s4] =	ssyncset.s32 $0xFFFFF086  }
0x25: {  	[simem:s6], [sflag:s4] =	dma.local [hbm:s3], $0xF7A  }
0x26: {  	[smem:$0x3F99] =	sst s1;
	(tag) =	ssettag s2;
	_ =	strace s9  }
0x27: {  	s1 =	sld [smem:$0x3FA9]  }
0x28: {  	s2 =	sld [smem:$0x3FAA]  }
0x29: {  	s4 =	sld [smem:$0x3FAC]  }
0x2a: {  	p0 =	seq.s32 s5, $0x0;
	s5 =	sld [smem:$0x3FAD]  }
0x2b: {  	s6 =	sld [smem:$0x3FAE]  }
0x2c: {  	s7 =	sld [smem:$0x3FAF]  }
0x2d: {  	s3 =	simm.s32 $0x108;
	s8 =	sld [smem:$0x3FB0]  }
0x2e: {  	s3 =	simm.s32 @!p0 $0x1082;
	s9 =	sld [smem:$0x3FB1]  }
0x2f: {  	lr =	sadd.s32 s0, s3;
	s0 =	sld [smem:$0x3FA8]  }
0x30: {  	s3 =	sld [smem:$0x3FAB]  }
0x31: {  	[smem:$0x3FB4] =	sst s10  }
0x32: {  	s10 =	sld [smem:$0x3FB2];
	_ =	sdelay $0x3  }
0x33: {  	p0 =	seq.s32 s10, $0x1;
	s10 =	sld [smem:$0x3FB4];
	_ =	sdelay $0x3  }
0x34: {  	[smem:$0x3FB4] =	sst s10  }
0x35: {  	s10 =	sld [smem:$0x3FB3];
	_ =	sdelay $0x3  }
0x36: {  	p1 =	seq.s32 s10, $0x1;
	s10 =	sld [smem:$0x3FB4];
	_ =	sdelay $0x3  }
0x37: {  	[smem:$0x3FB4] =	sst s10  }
0x38: {  	s10 =	sld [smem:$0x3FB5]  }
0x39: {  	_ = 	snop;
	(pc) =	sbr.ind lr, $3  }
0x3a: {  	_ = 	snop  }
0x3b: {  	_ = 	snop  }
0x3c: {  	p2 =	seq.s32 s10, $0x1;
	s10 =	sld [smem:$0x3FB4]  }
0x3d: {  	_ =	shalt  }
0x3e: {  	_ =	shalt  }
0x3f: {  	_ =	shalt  }
0x40: {  	_ =	shalt  }
0x41: {  	_ =	shalt  }
0x42: {  	_ =	shalt  }
0x43: {  	_ =	shalt  }
0x44: {  	_ =	shalt  }
0x45: {  	_ =	shalt  }
0x46: {  	_ =	shalt  }
0x47: {  	_ =	shalt  }
0x48: {  	_ =	shalt  }
0x49: {  	_ =	shalt  }
0x4a: {  	_ =	shalt  }
0x4b: {  	_ =	shalt  }
0x4c: {  	_ =	shalt  }
0x4d: {  	_ =	shalt  }
0x4e: {  	_ =	shalt  }
0x4f: {  	_ =	shalt  }
0x50: {  	_ =	shalt  }
0x51: {  	_ =	shalt  }
0x52: {  	_ =	shalt  }
0x53: {  	_ =	shalt  }
0x54: {  	_ =	shalt  }
0x55: {  	_ =	shalt  }
0x56: {  	_ =	shalt  }
0x57: {  	_ =	shalt  }
0x58: {  	_ =	shalt  }
0x59: {  	_ =	shalt  }
0x5a: {  	_ =	shalt  }
0x5b: {  	_ =	shalt  }
0x5c: {  	_ =	shalt  }
0x5d: {  	_ =	shalt  }
0x5e: {  	_ =	shalt  }
0x5f: {  	_ =	shalt  }
0x60: {  	_ =	shalt  }
0x61: {  	_ =	shalt  }
0x62: {  	_ =	shalt  }
0x63: {  	_ =	shalt  }
0x64: {  	_ =	shalt  }
0x65: {  	_ =	shalt  }
0x66: {  	_ =	shalt  }
0x67: {  	_ =	shalt  }
0x68: {  	_ =	shalt  }
0x69: {  	_ =	shalt  }
0x6a: {  	_ =	shalt  }
0x6b: {  	_ =	shalt  }
0x6c: {  	_ =	shalt  }
0x6d: {  	_ =	shalt  }
0x6e: {  	_ =	shalt  }
0x6f: {  	_ =	shalt  }
0x70: {  	_ =	shalt  }
0x71: {  	_ =	shalt  }
0x72: {  	_ =	shalt  }
0x73: {  	_ =	shalt  }
0x74: {  	_ =	shalt  }
0x75: {  	_ =	shalt  }
0x76: {  	_ =	shalt  }
0x77: {  	_ =	shalt  }
0x78: {  	_ =	shalt  }
0x79: {  	_ =	shalt  }
0x7a: {  	_ =	shalt  }
0x7b: {  	_ =	shalt  }
0x7c: {  	_ =	shalt  }
0x7d: {  	_ =	shalt  }
0x7e: {  	_ =	shalt  }
0x7f: {  	_ =	shalt  }
0x80: {  	_ =	shalt  }
0x81: {  	_ =	shalt  }
0x82: {  	_ =	shalt  }
0x83: {  	_ =	shalt  }
0x84: {  	_ =	shalt  }
0x85: {  	_ =	shalt  }
0x86: {  	_ =	shalt  }
0x87: {  	_ =	shalt  }
.Lfunc_end0:
.L_simem_size_0:
called_computation.2_lowered:
.L_overlay_start_0:
0x88: {  	s2 =	sld [smem:$0x3FD9]  }
0x89: {  	s3 =	sld [smem:$0x3FFE];
	_ =	sdelay $0x1  }
0x8a: {  	s1 =	srdreg.scid  }
0x8b: {  	s0 =	sand.u32 $0x1, s1  }
0x8c: {  	s17 =	sshll.u32 s0, $0xA;
	s2 =	sadd.s32 s3, s2  }
0x8d: {  	s2 =	sadd.s32 s2, s17  }
0x8e: {  	[smem:$0x3FC0] =	sst s2  }
0x8f: {  	_ = 	snop  }
0x90: {  	s2 =	sld [smem:$0x3FD0];
	(tm) =	ssettm $0x1  }
0x91: {  	s18 =	sld [smem:$0x3FFB];
	_ =	sdelay $0x3  }
0x92: {  	_ =	strace s18  }
0x93: {  	s3 =	sld [smem:$0x3FFC];
	_ =	sdelay $0x3  }
0x94: {  	_ =	strace s3  }
0x95: {  	s3 =	sld [smem:$0x3FFD];
	_ =	sdelay $0x3  }
0x96: {  	_ =	strace s3  }
0x97: {  	_ =	strace $0x8FFFFFFF  }
0x98: {  	s19 =	sld [smem:$0x3FDB];
	_ =	sdelay $0x1  }
0x99: {  	s4 =	simm.s32 $_scs_section_size  }
0x9a: {  	s5 =	simm.s32 $_size__tile_overlayer_lowered;
	s6 =	simm.s32 $_tile_overlayer_lowered  }
0x9b: {  	s22 =	simm.s32 $0x1BFF;
	s21 =	sshll.u32 s6, $0x1;
	s3 =	sadd.s32 s4, s19  }
0x9c: {  	s7 =	simm.s32 $0x0;
	s20 =	sshll.u32 s5, $0x1;
	s5 =	sadd.s32 s21, s3  }
0x9d: {  	[timem:s7], [sflag:s22] =	dma.local [hbm:s5], s20  }
0x9e: {  	_ =	swait.ge [sflag:s22], s20  }
0x9f: {  	s4 =	ssub.s32 $0x0, s20;
	[sflag:s22] =	ssyncset.done $0x0  }
0xa0: {  	[sflag:s22] =	ssyncadd.s32 s4;
	_ =	sdelay $0x1  }
0xa1: {  	s23 =	simm.s32 $0x1B8B  }
0xa2: {  	_ =	swait.ge [sflag:s23], $0x1  }
0xa3: {  	[sflag:s23] =	ssyncset.done $0x0  }
0xa4: {  	s25 =	simm.s32 $0x1B8E;
	s24 =	sld [smem:$0x3FFE];
	[sflag:s23] =	ssyncadd.s32 $0xFFFFFFFF  }
0xa5: {  	s26 =	simm.s32 $execute0_lowered;
	[smem:$0x3FD2] =	sst s25  }
0xa6: {  	s5 =	sshll.u32 s26, $0x1;
	_ =	strace $0x8000004C;
	[dreg:$0x1] =	wrdreg $0xFFFFFFFF  }
0xa7: {  	s28 =	simm.s32 $_size_execute0_lowered;
	s3 =	sadd.s32 s3, s5;
	[dreg:$0x0] =	wrdreg $0x0  }
0xa8: {  	s5 =	sshll.u32 s28, $0x1;
	[dreg:$0x2] =	wrdreg s3  }
0xa9: {  	[dreg:$0x3] =	wrdreg s5  }
0xaa: {  	[dreg:$0x4] =	wrdreg $0xC0  }
0xab: {  	_ =	task [dreg:s7], $0x5FFFF  }
0xac: {  	[dreg:$0x1] =	wrdreg $0xFFFFFFFF  }
0xad: {  	[dreg:$0x0] =	wrdreg $0x60  }
0xae: {  	[dreg:$0x2] =	wrdreg s24  }
0xaf: {  	[dreg:$0x3] =	wrdreg s2  }
0xb0: {  	[dreg:$0x4] =	wrdreg $0x6A000  }
0xb1: {  	[dreg:$0x5] =	wrdreg $0x9  }
0xb2: {  	_ =	task.clear_ibuf [dreg:s7], $0x6FFFF;
	_ =	strace $0x9000004C  }
0xb3: {  	s29 =	simm.s32 $0x9;
	_ =	strace $0x8000004E  }
0xb4: {  	_ =	swait.ge [sflag:s29], $0x1  }
0xb5: {  	[sflag:s29] =	ssyncadd.s32 $0xFFFFFFFF  }
0xb6: {  	_ =	strace $0x9000004E  }
0xb7: {  	_ =	sfence  }
0xb8: {  	s30 =	sld [smem:$0x0];
	_ =	sdelay $0x2  }
0xb9: {  	s31 =	sshll.u32 s1, $0xD;
	s1 =	sshrl.u32 s1, $0x2  }
0xba: {  	s3 =	sand.u32 $0x4000, s31;
	s1 =	sadd.s32 s1, s30  }
0xbb: {  	s0 =	sor.u32 s3, s0;
	s1 =	sshll.u32 s1, $0x11  }
0xbc: {  	s0 =	sor.u32 s1, s0  }
0xbd: {  	s0 =	sadd.s32 $0x8F2B, s0  }
0xbe: {  	[sflag:s0] =	ssyncadd.remote.s32 $0x1  }
0xbf: {  	_ =	sfence.sel $0xFFFF  }
0xc0: {  	[dreg:$0x0] =	wrdreg $0xFFFFFFFF;
	(pc) =	sbr.abs _section_cstart, $3  }
0xc1: {  	[dreg:$0x1] =	wrdreg $0xFFFFFFFF  }
0xc2: {  	_ =	task.clear_ibuf [dreg:s7], $0x2FFFF;
	_ =	strace $0x9FFFFFFF  }
0xc3: {  	(tm) =	ssettm $0x7FFFFFFF  }
tec
execute0_lowered:
.L_overlay_start_1:
0x0: {  	(tag) =	ssettag $0x1  }
0x1: {  	s5 =	rddreg [dreg:$0x0]  }
0x2: {  	s6 =	rddreg [dreg:$0x1]  }
0x3: {  	s1 =	rddreg [dreg:$0x2]  }
0x4: {  	s0 =	rddreg [dreg:$0x3];
	s2 =	srdreg.scid  }
0x5: {  	s3 =	simm.s32 $0x0;
	s13 =	simm.s32 $0x2A00;
	s14 =	simm.s32 $0x80  }
0x6: {  	s15 =	simm.s32 $0x2800;
	s16 =	simm.s32 $0x1;
	s7 =	sand.u32 $0x1, s2  }
0x7: {  	s17 =	simm.s32 $0x2900;
	s2 =	stileid.u32;
	s8 =	smul.u32 $0x28000, s7  }
0x8: {  	s21 =	simm.s32 $0x0;
	[smem:$0x7FF] =	sst s3;
	s10 =	smul.u32 $0x50000, s2  }
0x9: {  	s4 =	sshll.u32 s2, $0x1;
	_ =	strace $0x8000004D;
	s19 =	smul.u32 $0x2800, s2  }
0xa: {  	s31 =	sshll.u32 s2, $0x6;
	s9 =	sor.u32 s7, s4;
	s7 =	ssub.s32 $0x2, s7  }
0xb: {  	s4 =	sadd.s32 $0x2200, s5;
	s9 =	smul.u32 $0x500, s9;
	s29 =	sshrl.u32 s7, $0x1  }
0xc: {  	s11 =	sadd.s32 s8, s5;
	s30 =	sshrl.u32 s10, $0x2;
	s12 =	ssub.s32 s7, s29  }
0xd: {  	s18 =	sadd.s32 $0x2A200, s11;
	s5 =	sadd.s32 s6, s9;
	s6 =	sadd.s32 s30, s1  }
0xe: {  	s11 =	smax.u32 s12, $0x1;
	s12 =	simm.s32 $0x2;
	s18 =	sadd.s32 s19, s18  }
0xf: {  	s19 =	sor.u32 $0x1C02, s31;
	s7 =	sadd.s32 $0x4000, s6;
	s8 =	sadd.s32 $0x8000, s6  }
0x10: {  	v0 =	vimm.f32 $0.0e+00;
	s9 =	sadd.s32 $0xC000, s6;
	s10 =	sadd.s32 $0x10000, s6;
	s20 =	sshrl.u32 s6, $0x3  }
.LBB2_1:
0x11: {  	[tilespmem:s3], [sflag:$0x2] =	stream.linear.gather [hbm4b:s5+s3], $0x2800, $0x38;
	[tilespmem:$0x1AA00] =	vst v63  }
0x12: {  	_ =	swait.ge [sflag:s12], $0x2800  }
0x13: {  	[sflag:s12] =	ssyncset.done $0x0  }
0x14: {  	s22 =	simm.s32 $0x0;
	s23 =	simm.s32 $0x200;
	[sflag:s12] =	ssyncadd.s32 $0xFFFFD800  }
.LBB2_2:
0x15: {  	p0 =	sne.s32 s23, $0xFE00;
	[tilespmem:s22+$0x2A70] =	vst v0  }
0x16: {  	[tilespmem:s22+$0x2A00] =	vst v0  }
0x17: {  	[tilespmem:s22+$0x2A10] =	vst v0  }
.Ltmp0:
0x18: {  	[tilespmem:s22+$0x2A20] =	vst v0;
	(pc) =	sbr.rel @p0 .LBB2_2-.Ltmp0, $4  }
0x19: {  	[tilespmem:s22+$0x2A30] =	vst v0  }
0x1a: {  	[tilespmem:s22+$0x2A40] =	vst v0  }
0x1b: {  	[tilespmem:s22+$0x2A50] =	vst v0  }
0x1c: {  	[tilespmem:s22+$0x2A60] =	vst v0;
	s22 =	sshra.s32 s23, $0x2;
	s23 =	sadd.s32 $0x200, s23  }
0x1d: {  	[tilespmem:s22+$0x2A70] =	vst v0  }
0x1e: {  	[tilespmem:s22+$0x2A00] =	vst v0  }
0x1f: {  	[tilespmem:s22+$0x2A10] =	vst v0  }
0x20: {  	[tilespmem:s22+$0x2A20] =	vst v0  }
0x21: {  	[tilespmem:s22+$0x2A30] =	vst v0  }
0x22: {  	[tilespmem:s22+$0x2A40] =	vst v0  }
0x23: {  	[tilespmem:s22+$0x2A50] =	vst v0  }
0x24: {  	[tilespmem:s22+$0x2A60] =	vst v0  }
0x25: {  	[spmem:s6] =	stream.linear.scatter [tilespmem:s13], [sflag:$0x2], $0x4000, $0x38;
	[tilespmem:$0x1AA00] =	vst v63  }
0x26: {  	_ =	swait.ge [sflag:s12], $0x4000  }
0x27: {  	[sflag:s12] =	ssyncset.done $0x0  }
0x28: {  	[sflag:s12] =	ssyncadd.s32 $0xFFFFC000  }
0x29: {  	[spmem:s7] =	stream.linear.scatter [tilespmem:s13], [sflag:$0x2], $0x4000, $0x38;
	[tilespmem:$0x1AA00] =	vst v63  }
0x2a: {  	_ =	swait.ge [sflag:s12], $0x4000  }
0x2b: {  	[sflag:s12] =	ssyncset.done $0x0  }
0x2c: {  	[sflag:s12] =	ssyncadd.s32 $0xFFFFC000  }
0x2d: {  	[spmem:s8] =	stream.linear.scatter [tilespmem:s13], [sflag:$0x2], $0x4000, $0x38;
	[tilespmem:$0x1AA00] =	vst v63  }
0x2e: {  	_ =	swait.ge [sflag:s12], $0x4000  }
0x2f: {  	[sflag:s12] =	ssyncset.done $0x0  }
0x30: {  	[sflag:s12] =	ssyncadd.s32 $0xFFFFC000  }
0x31: {  	[spmem:s9] =	stream.linear.scatter [tilespmem:s13], [sflag:$0x2], $0x4000, $0x38;
	[tilespmem:$0x1AA00] =	vst v63  }
0x32: {  	_ =	swait.ge [sflag:s12], $0x4000  }
0x33: {  	[sflag:s12] =	ssyncset.done $0x0  }
0x34: {  	[sflag:s12] =	ssyncadd.s32 $0xFFFFC000  }
0x35: {  	[spmem:s10] =	stream.linear.scatter [tilespmem:s13], [sflag:$0x2], $0x4000, $0x38;
	[tilespmem:$0x1AA00] =	vst v63  }
0x36: {  	_ =	swait.ge [sflag:s12], $0x4000  }
0x37: {  	[sflag:s12] =	ssyncset.done $0x0  }
0x38: {  	[sflag:s12] =	ssyncadd.s32 $0xFFFFC000  }
0x39: {  	s31 =	simm.s32 $0x0;
	[bflag:$0x0] =	sbarrier.arrive $0xFFFF  }
0x3a: {  	v1 =	vld [tilespmem:s31+$0x0];
	_ =	sdelay $0x4  }
0x3b: {  	v2 =	vshrl.u32 v1, $0xE  }
0x3c: {  	v1 =	vand.u32 $0x3FFF, v1;
	[tilespmem:$0x2800] =	vst v2  }
0x3d: {  	[tilespmem:$0x2900] =	vst v1  }
0x3e: {  	v1 =	vld [tilespmem:s31+$0x10];
	_ =	sdelay $0x4  }
0x3f: {  	v2 =	vshrl.u32 v1, $0xE  }
0x40: {  	v1 =	vand.u32 $0x3FFF, v1;
	[tilespmem:$0x2810] =	vst v2  }
0x41: {  	[tilespmem:$0x2910] =	vst v1  }
0x42: {  	v1 =	vld [tilespmem:s31+$0x20];
	_ =	sdelay $0x4  }
0x43: {  	v2 =	vshrl.u32 v1, $0xE  }
0x44: {  	v1 =	vand.u32 $0x3FFF, v1;
	[tilespmem:$0x2820] =	vst v2  }
0x45: {  	[tilespmem:$0x2920] =	vst v1  }
0x46: {  	v1 =	vld [tilespmem:s31+$0x30];
	_ =	sdelay $0x4  }
0x47: {  	v2 =	vshrl.u32 v1, $0xE  }
0x48: {  	v1 =	vand.u32 $0x3FFF, v1;
	[tilespmem:$0x2830] =	vst v2  }
0x49: {  	[tilespmem:$0x2930] =	vst v1  }
0x4a: {  	v1 =	vld [tilespmem:s31+$0x40];
	_ =	sdelay $0x4  }
0x4b: {  	v2 =	vshrl.u32 v1, $0xE  }
0x4c: {  	v1 =	vand.u32 $0x3FFF, v1;
	[tilespmem:$0x2840] =	vst v2  }
0x4d: {  	[tilespmem:$0x2940] =	vst v1  }
0x4e: {  	v1 =	vld [tilespmem:s31+$0x50];
	_ =	sdelay $0x4  }
0x4f: {  	v2 =	vshrl.u32 v1, $0xE  }
0x50: {  	v1 =	vand.u32 $0x3FFF, v1;
	[tilespmem:$0x2850] =	vst v2  }
0x51: {  	[tilespmem:$0x2950] =	vst v1  }
0x52: {  	v1 =	vld [tilespmem:s31+$0x60];
	_ =	sdelay $0x4  }
0x53: {  	v2 =	vshrl.u32 v1, $0xE  }
0x54: {  	v1 =	vand.u32 $0x3FFF, v1;
	[tilespmem:$0x2860] =	vst v2  }
0x55: {  	[tilespmem:$0x2960] =	vst v1  }
0x56: {  	v1 =	vld [tilespmem:s31+$0x70];
	_ =	sdelay $0x4  }
0x57: {  	v2 =	vshrl.u32 v1, $0xE  }
0x58: {  	s22 =	simm.s32 $0x200;
	v1 =	vand.u32 $0x3FFF, v1;
	[tilespmem:$0x2870] =	vst v2  }
.LBB2_4:
0x59: {  	p0 =	sne.s32 s22, $0x9E00;
	[tilespmem:$0x2970] =	vst v1;
	s23 =	smov.u32 s22;
	s22 =	sadd.s32 $0x200, s22  }
0x5a: {  	[tilespmem:s13], [sflag:$0x1] =	stream.indirect.gather [hbm4b:s4+s14], $0x80, s15, s14, $0xb8;
	[tilespmem:$0x1AA00] =	vst v63  }
0x5b: {  	_ =	swait.ge [sflag:s16], $0x4000  }
0x5c: {  	[sflag:s16] =	ssyncset.done $0x0  }
0x5d: {  	[sflag:s16] =	ssyncadd.s32 $0xFFFFC000  }
0x5e: {  	[spmem:s1] =	stream.indirect.scatter.add.f32 [tilespmem:s13], [sflag:$0x2], $0x80, s17, s14, $0xb8;
	[tilespmem:$0x1AA00] =	vst v63  }
0x5f: {  	_ =	swait.ge [sflag:s12], $0x4000  }
0x60: {  	[sflag:s12] =	ssyncset.done $0x0  }
0x61: {  	s23 =	sshra.s32 s23, $0x2;
	[sflag:s12] =	ssyncadd.s32 $0xFFFFC000  }
0x62: {  	v1 =	vld [tilespmem:s23+$0x0];
	_ =	sdelay $0x4  }
0x63: {  	v2 =	vshrl.u32 v1, $0xE;
	v1 =	vand.u32 $0x3FFF, v1  }
0x64: {  	[tilespmem:$0x2800] =	vst v2  }
0x65: {  	[tilespmem:$0x2900] =	vst v1  }
0x66: {  	v1 =	vld [tilespmem:s23+$0x10];
	_ =	sdelay $0x4  }
0x67: {  	v2 =	vshrl.u32 v1, $0xE;
	v1 =	vand.u32 $0x3FFF, v1  }
0x68: {  	[tilespmem:$0x2810] =	vst v2  }
0x69: {  	[tilespmem:$0x2910] =	vst v1  }
0x6a: {  	v1 =	vld [tilespmem:s23+$0x20];
	_ =	sdelay $0x4  }
0x6b: {  	v2 =	vshrl.u32 v1, $0xE;
	v1 =	vand.u32 $0x3FFF, v1  }
0x6c: {  	[tilespmem:$0x2820] =	vst v2  }
0x6d: {  	[tilespmem:$0x2920] =	vst v1  }
0x6e: {  	v1 =	vld [tilespmem:s23+$0x30];
	_ =	sdelay $0x4  }
0x6f: {  	v2 =	vshrl.u32 v1, $0xE;
	v1 =	vand.u32 $0x3FFF, v1  }
0x70: {  	[tilespmem:$0x2830] =	vst v2  }
0x71: {  	[tilespmem:$0x2930] =	vst v1  }
0x72: {  	v1 =	vld [tilespmem:s23+$0x40];
	_ =	sdelay $0x4  }
0x73: {  	v2 =	vshrl.u32 v1, $0xE;
	v1 =	vand.u32 $0x3FFF, v1  }
0x74: {  	[tilespmem:$0x2840] =	vst v2  }
0x75: {  	[tilespmem:$0x2940] =	vst v1  }
0x76: {  	v1 =	vld [tilespmem:s23+$0x50];
	_ =	sdelay $0x4  }
0x77: {  	v2 =	vshrl.u32 v1, $0xE;
	v1 =	vand.u32 $0x3FFF, v1  }
0x78: {  	[tilespmem:$0x2850] =	vst v2  }
0x79: {  	[tilespmem:$0x2950] =	vst v1  }
0x7a: {  	v1 =	vld [tilespmem:s23+$0x60];
	_ =	sdelay $0x4  }
0x7b: {  	v2 =	vshrl.u32 v1, $0xE;
	v1 =	vand.u32 $0x3FFF, v1  }
0x7c: {  	[tilespmem:$0x2860] =	vst v2  }
0x7d: {  	[tilespmem:$0x2960] =	vst v1  }
0x7e: {  	v1 =	vld [tilespmem:s23+$0x70];
	_ =	sdelay $0x1  }
.Ltmp1:
0x7f: {  	(pc) =	sbr.rel @p0 .LBB2_4-.Ltmp1, $3  }
0x80: {  	_ =	sdelay $0x1  }
0x81: {  	v2 =	vshrl.u32 v1, $0xE;
	v1 =	vand.u32 $0x3FFF, v1  }
0x82: {  	[tilespmem:$0x2870] =	vst v2  }
0x83: {  	[tilespmem:$0x2970] =	vst v1  }
0x84: {  	[tilespmem:s13], [sflag:$0x1] =	stream.indirect.gather [hbm4b:s4+s14], $0x80, s15, s14, $0xb8;
	[tilespmem:$0x1AA00] =	vst v63  }
0x85: {  	_ =	swait.ge [sflag:s16], $0x4000  }
0x86: {  	[sflag:s16] =	ssyncset.done $0x0  }
0x87: {  	[sflag:s16] =	ssyncadd.s32 $0xFFFFC000  }
0x88: {  	[spmem:s1] =	stream.indirect.scatter.add.f32 [tilespmem:s13], [sflag:$0x2], $0x80, s17, s14, $0xb8;
	[tilespmem:$0x1AA00] =	vst v63  }
0x89: {  	_ =	swait.ge [sflag:s12], $0x4000  }
0x8a: {  	s21 =	sadd.s32 $0x1, s21;
	[sflag:s12] =	ssyncset.done $0x0  }
0x8b: {  	p0 =	sne.s32 s21, s11;
	[sflag:s12] =	ssyncadd.s32 $0xFFFFC000  }
.Ltmp2:
0x8c: {  	[bflag:$0x0] =	sbarrier.arrive $0xFFFF;
	(pc) =	sbr.rel @p0 .LBB2_1-.Ltmp2, $4  }
0x8d: {  	[hbm:s18], [sflag:s19] =	dma.local [spmem:s20], $0x2800  }
0x8e: {  	_ =	swait.ge [sflag:s12], $0x2800  }
0x8f: {  	[sflag:s12] =	ssyncset.done $0x0  }
0x90: {  	[sflag:s12] =	ssyncadd.s32 $0xFFFFD800  }
0x91: {  	_ =	sfence.sel $0x180000  }
0x92: {  	[bflag:$0x0] =	sbarrier.arrive $0xFFFF  }
0x93: {  	p0 =	sne.s32 s2, $0x0;
	_ =	strace $0x9000004D  }
0x94: {  	s0 =	sadd.s32 @!p0 $0x100000, s0;
	[bflag:$0x2] =	sbarrier.arrive $0xFFFF  }
0x95: {  	[sflag:s0] =	ssyncadd.tile.s32 @!p0 $0x1;
	_ =	shalt  }
.Lfunc_end2:
_tile_overlayer_lowered:
.L_overlay_start_2:
0x96: {  	(tag) =	ssettag $0x2  }
0x97: {  	s0 =	rddreg [dreg:$0x0];
	s2 =	stileid.u32  }
0x98: {  	s1 =	rddreg [dreg:$0x1];
	p0 =	sne.s32 s2, $0x0  }
0x99: {  	s3 =	rddreg [dreg:$0x2];
	[bflag:$0x3] =	sbarrier.arrive $0xFFFF;
	s2 =	simm.s32 @!p0 $0x1C02  }
0x9a: {  	[timem:s3], [sflag:s2] =	dma.local @!p0 [hbm:s0], s1  }
0x9b: {  	s0 =	simm.s32 @!p0 $0x2  }
0x9c: {  	_ =	swait.ge @!p0 [sflag:s0], s1  }
0x9d: {  	s1 =	ssub.s32 @!p0 $0x0, s1;
	[sflag:s0] =	ssyncset.done @!p0 $0x0  }
0x9e: {  	[sflag:s0] =	ssyncadd.s32 @!p0 s1  }
0x9f: {  	[bflag:$0x3] =	sbarrier.arrive $0xFFFF  }
0xa0: {  	_ =	shalt  }

// kernel: kernel.20.cloned.1.call-start
scs
__scs_entry_jumppad:
0x0: {  	(pc) =	sbr.rel $0x88, $3  }
0x1: {  	(tag) =	ssettag $0x0;
	lr =	simm.s32 $0x1  }
0x2: {  	[smem:$0x3F99] =	sst lr;
	_ =	strace $0xD0000000  }
0x3: {  	_ = 	snop  }
0x4: {  	_ = 	snop  }
0x5: {  	_ = 	snop  }
0x6: {  	_ = 	snop  }
0x7: {  	_ = 	snop  }
__scs_overlays_trampoline_lowered:
0x8: {  	[smem:$0x3FA8] =	sst s0  }
0x9: {  	[smem:$0x3FA9] =	sst s1  }
0xa: {  	[smem:$0x3FAA] =	sst s2  }
0xb: {  	[smem:$0x3FAB] =	sst s3  }
0xc: {  	[smem:$0x3FAC] =	sst s4  }
0xd: {  	[smem:$0x3FAD] =	sst s5  }
0xe: {  	[smem:$0x3FAE] =	sst s6  }
0xf: {  	[smem:$0x3FAF] =	sst s7  }
0x10: {  	[smem:$0x3FB0] =	sst s8  }
0x11: {  	[smem:$0x3FB1] =	sst s9;
	s0 =	simm.s32 @!p0 $0x0  }
0x12: {  	s1 =	sld [smem:$0x3F97];
	s0 =	simm.s32 @p0 $0x1  }
0x13: {  	[smem:$0x3FB2] =	sst s0;
	s0 =	simm.s32 @!p1 $0x0  }
0x14: {  	s2 =	sld [smem:$0x3F96];
	s0 =	simm.s32 @p1 $0x1  }
0x15: {  	[smem:$0x3FB3] =	sst s0;
	s0 =	simm.s32 @!p2 $0x0  }
0x16: {  	s3 =	sld [smem:$0x3FDB];
	s0 =	simm.s32 @p2 $0x1  }
0x17: {  	s4 =	simm.s32 $0x1BF5;
	[smem:$0x3FB5] =	sst s0  }
0x18: {  	s0 =	sld [smem:$0x3F98];
	_ =	swait.ge [sflag:s4], $0x0  }
0x19: {  	s7 =	sld [smem:$0x3F99]  }
0x1a: {  	s8 =	sadd.s32 $0xFFFFE003, lr  }
0x1b: {  	s9 =	sadd.s32 $0xFFFFFEF7, lr;
	s5 =	simm.s32 $0xFFFFFFFF;
	p2 =	slt.u32 s8, $0xFFFFF086  }
0x1c: {  	p1 =	slt.u32 s9, $0xF7A;
	s5 =	simm.s32 @!p2 $0x0  }
0x1d: {  	s5 =	simm.s32 @p1 $0x1;
	p0 =	seq.s32 s7, s2  }
0x1e: {  	s7 =	smul.u32 @!p0 $0xF7A, s2;
	p2 =	seq.s32 @!p0 s5, $0x0  }
0x1f: {  	s9 =	smul.u32 $0xF7A, s1;
	s8 =	simm.s32 @!p0 $0x1BF5;
	p2 =	por !p2, p0  }
0x20: {  	[sflag:s8] =	ssyncset.s32 @!p0 $0xFFFFF086;
	s6 =	sadd.s32 @!p0 s3, s7;
	s7 =	simm.s32 @!p0 $0x108  }
0x21: {  	s3 =	sadd.s32 s3, s9;
	s6 =	sadd.s32 @!p0 $0x88, s6;
	s7 =	simm.s32 @p2 $0x1082  }
0x22: {  	[simem:s7], [sflag:s8] =	dma.local @!p0 [hbm:s6], $0xF7A  }
0x23: {  	s9 =	sor.u32 $0xD0000000, s2;
	s6 =	simm.s32 $0x108;
	_ =	swait.ge @!p0 [sflag:s8], $0x0  }
0x24: {  	s3 =	sadd.s32 $0x88, s3;
	s6 =	simm.s32 @!p1 $0x1082;
	[sflag:s4] =	ssyncset.s32 $0xFFFFF086  }
0x25: {  	[simem:s6], [sflag:s4] =	dma.local [hbm:s3], $0xF7A  }
0x26: {  	[smem:$0x3F99] =	sst s1;
	(tag) =	ssettag s2;
	_ =	strace s9  }
0x27: {  	s1 =	sld [smem:$0x3FA9]  }
0x28: {  	s2 =	sld [smem:$0x3FAA]  }
0x29: {  	s4 =	sld [smem:$0x3FAC]  }
0x2a: {  	p0 =	seq.s32 s5, $0x0;
	s5 =	sld [smem:$0x3FAD]  }
0x2b: {  	s6 =	sld [smem:$0x3FAE]  }
0x2c: {  	s7 =	sld [smem:$0x3FAF]  }
0x2d: {  	s3 =	simm.s32 $0x108;
	s8 =	sld [smem:$0x3FB0]  }
0x2e: {  	s3 =	simm.s32 @!p0 $0x1082;
	s9 =	sld [smem:$0x3FB1]  }
0x2f: {  	lr =	sadd.s32 s0, s3;
	s0 =	sld [smem:$0x3FA8]  }
0x30: {  	s3 =	sld [smem:$0x3FAB]  }
0x31: {  	[smem:$0x3FB4] =	sst s10  }
0x32: {  	s10 =	sld [smem:$0x3FB2];
	_ =	sdelay $0x3  }
0x33: {  	p0 =	seq.s32 s10, $0x1;
	s10 =	sld [smem:$0x3FB4];
	_ =	sdelay $0x3  }
0x34: {  	[smem:$0x3FB4] =	sst s10  }
0x35: {  	s10 =	sld [smem:$0x3FB3];
	_ =	sdelay $0x3  }
0x36: {  	p1 =	seq.s32 s10, $0x1;
	s10 =	sld [smem:$0x3FB4];
	_ =	sdelay $0x3  }
0x37: {  	[smem:$0x3FB4] =	sst s10  }
0x38: {  	s10 =	sld [smem:$0x3FB5]  }
0x39: {  	_ = 	snop;
	(pc) =	sbr.ind lr, $3  }
0x3a: {  	_ = 	snop  }
0x3b: {  	_ = 	snop  }
0x3c: {  	p2 =	seq.s32 s10, $0x1;
	s10 =	sld [smem:$0x3FB4]  }
0x3d: {  	_ =	shalt  }
0x3e: {  	_ =	shalt  }
0x3f: {  	_ =	shalt  }
0x40: {  	_ =	shalt  }
0x41: {  	_ =	shalt  }
0x42: {  	_ =	shalt  }
0x43: {  	_ =	shalt  }
0x44: {  	_ =	shalt  }
0x45: {  	_ =	shalt  }
0x46: {  	_ =	shalt  }
0x47: {  	_ =	shalt  }
0x48: {  	_ =	shalt  }
0x49: {  	_ =	shalt  }
0x4a: {  	_ =	shalt  }
0x4b: {  	_ =	shalt  }
0x4c: {  	_ =	shalt  }
0x4d: {  	_ =	shalt  }
0x4e: {  	_ =	shalt  }
0x4f: {  	_ =	shalt  }
0x50: {  	_ =	shalt  }
0x51: {  	_ =	shalt  }
0x52: {  	_ =	shalt  }
0x53: {  	_ =	shalt  }
0x54: {  	_ =	shalt  }
0x55: {  	_ =	shalt  }
0x56: {  	_ =	shalt  }
0x57: {  	_ =	shalt  }
0x58: {  	_ =	shalt  }
0x59: {  	_ =	shalt  }
0x5a: {  	_ =	shalt  }
0x5b: {  	_ =	shalt  }
0x5c: {  	_ =	shalt  }
0x5d: {  	_ =	shalt  }
0x5e: {  	_ =	shalt  }
0x5f: {  	_ =	shalt  }
0x60: {  	_ =	shalt  }
0x61: {  	_ =	shalt  }
0x62: {  	_ =	shalt  }
0x63: {  	_ =	shalt  }
0x64: {  	_ =	shalt  }
0x65: {  	_ =	shalt  }
0x66: {  	_ =	shalt  }
0x67: {  	_ =	shalt  }
0x68: {  	_ =	shalt  }
0x69: {  	_ =	shalt  }
0x6a: {  	_ =	shalt  }
0x6b: {  	_ =	shalt  }
0x6c: {  	_ =	shalt  }
0x6d: {  	_ =	shalt  }
0x6e: {  	_ =	shalt  }
0x6f: {  	_ =	shalt  }
0x70: {  	_ =	shalt  }
0x71: {  	_ =	shalt  }
0x72: {  	_ =	shalt  }
0x73: {  	_ =	shalt  }
0x74: {  	_ =	shalt  }
0x75: {  	_ =	shalt  }
0x76: {  	_ =	shalt  }
0x77: {  	_ =	shalt  }
0x78: {  	_ =	shalt  }
0x79: {  	_ =	shalt  }
0x7a: {  	_ =	shalt  }
0x7b: {  	_ =	shalt  }
0x7c: {  	_ =	shalt  }
0x7d: {  	_ =	shalt  }
0x7e: {  	_ =	shalt  }
0x7f: {  	_ =	shalt  }
0x80: {  	_ =	shalt  }
0x81: {  	_ =	shalt  }
0x82: {  	_ =	shalt  }
0x83: {  	_ =	shalt  }
0x84: {  	_ =	shalt  }
0x85: {  	_ =	shalt  }
0x86: {  	_ =	shalt  }
0x87: {  	_ =	shalt  }
.Lfunc_end0:
.L_simem_size_0:
called_computation.3_lowered:
.L_overlay_start_0:
0x88: {  	s2 =	sld [smem:$0x3FD9]  }
0x89: {  	s3 =	sld [smem:$0x3FFE];
	_ =	sdelay $0x1  }
0x8a: {  	s1 =	srdreg.scid  }
0x8b: {  	s0 =	sand.u32 $0x1, s1  }
0x8c: {  	s17 =	sshll.u32 s0, $0xA;
	s2 =	sadd.s32 s3, s2  }
0x8d: {  	s2 =	sadd.s32 s2, s17  }
0x8e: {  	[smem:$0x3FC0] =	sst s2  }
0x8f: {  	_ = 	snop  }
0x90: {  	s2 =	sld [smem:$0x3FD0];
	(tm) =	ssettm $0x1  }
0x91: {  	s18 =	sld [smem:$0x3FFB];
	_ =	sdelay $0x3  }
0x92: {  	_ =	strace s18  }
0x93: {  	s3 =	sld [smem:$0x3FFC];
	_ =	sdelay $0x3  }
0x94: {  	_ =	strace s3  }
0x95: {  	s3 =	sld [smem:$0x3FFD];
	_ =	sdelay $0x3  }
0x96: {  	_ =	strace s3  }
0x97: {  	_ =	strace $0x8FFFFFFF  }
0x98: {  	s19 =	sld [smem:$0x3FDB];
	_ =	sdelay $0x1  }
0x99: {  	s4 =	simm.s32 $_scs_section_size  }
0x9a: {  	s5 =	simm.s32 $_size__tile_overlayer_lowered;
	s6 =	simm.s32 $_tile_overlayer_lowered  }
0x9b: {  	s22 =	simm.s32 $0x1BFF;
	s21 =	sshll.u32 s6, $0x1;
	s3 =	sadd.s32 s4, s19  }
0x9c: {  	s7 =	simm.s32 $0x0;
	s20 =	sshll.u32 s5, $0x1;
	s5 =	sadd.s32 s21, s3  }
0x9d: {  	[timem:s7], [sflag:s22] =	dma.local [hbm:s5], s20  }
0x9e: {  	_ =	swait.ge [sflag:s22], s20  }
0x9f: {  	s4 =	ssub.s32 $0x0, s20;
	[sflag:s22] =	ssyncset.done $0x0  }
0xa0: {  	[sflag:s22] =	ssyncadd.s32 s4;
	_ =	sdelay $0x1  }
0xa1: {  	s23 =	simm.s32 $0x1B8B  }
0xa2: {  	_ =	swait.ge [sflag:s23], $0x1  }
0xa3: {  	[sflag:s23] =	ssyncset.done $0x0  }
0xa4: {  	s25 =	simm.s32 $0x1B8E;
	s24 =	sld [smem:$0x3FFE];
	[sflag:s23] =	ssyncadd.s32 $0xFFFFFFFF  }
0xa5: {  	s26 =	simm.s32 $execute0_lowered;
	[smem:$0x3FD2] =	sst s25  }
0xa6: {  	s5 =	sshll.u32 s26, $0x1;
	_ =	strace $0x8000004F;
	[dreg:$0x1] =	wrdreg $0xFFFFFFFF  }
0xa7: {  	s28 =	simm.s32 $_size_execute0_lowered;
	s3 =	sadd.s32 s3, s5;
	[dreg:$0x0] =	wrdreg $0x0  }
0xa8: {  	s5 =	sshll.u32 s28, $0x1;
	[dreg:$0x2] =	wrdreg s3  }
0xa9: {  	[dreg:$0x3] =	wrdreg s5  }
0xaa: {  	[dreg:$0x4] =	wrdreg $0xC0  }
0xab: {  	_ =	task [dreg:s7], $0x5FFFF  }
0xac: {  	[dreg:$0x1] =	wrdreg $0xFFFFFFFF  }
0xad: {  	[dreg:$0x0] =	wrdreg $0x60  }
0xae: {  	[dreg:$0x2] =	wrdreg s24  }
0xaf: {  	[dreg:$0x3] =	wrdreg s2  }
0xb0: {  	[dreg:$0x4] =	wrdreg $0x6A000  }
0xb1: {  	[dreg:$0x5] =	wrdreg $0x9  }
0xb2: {  	_ =	task.clear_ibuf [dreg:s7], $0x6FFFF;
	_ =	strace $0x9000004F  }
0xb3: {  	s29 =	simm.s32 $0x9;
	_ =	strace $0x80000051  }
0xb4: {  	_ =	swait.ge [sflag:s29], $0x1  }
0xb5: {  	[sflag:s29] =	ssyncadd.s32 $0xFFFFFFFF  }
0xb6: {  	_ =	strace $0x90000051  }
0xb7: {  	_ =	sfence  }
0xb8: {  	s30 =	sld [smem:$0x0];
	_ =	sdelay $0x2  }
0xb9: {  	s31 =	sshll.u32 s1, $0xD;
	s1 =	sshrl.u32 s1, $0x2  }
0xba: {  	s3 =	sand.u32 $0x4000, s31;
	s1 =	sadd.s32 s1, s30  }
0xbb: {  	s0 =	sor.u32 s3, s0;
	s1 =	sshll.u32 s1, $0x11  }
0xbc: {  	s0 =	sor.u32 s1, s0  }
0xbd: {  	s0 =	sadd.s32 $0x8F2B, s0  }
0xbe: {  	[sflag:s0] =	ssyncadd.remote.s32 $0x1  }
0xbf: {  	_ =	sfence.sel $0xFFFF  }
0xc0: {  	[dreg:$0x0] =	wrdreg $0xFFFFFFFF;
	(pc) =	sbr.abs _section_cstart, $3  }
0xc1: {  	[dreg:$0x1] =	wrdreg $0xFFFFFFFF  }
0xc2: {  	_ =	task.clear_ibuf [dreg:s7], $0x2FFFF;
	_ =	strace $0x9FFFFFFF  }
0xc3: {  	(tm) =	ssettm $0x7FFFFFFF  }
tec
execute0_lowered:
.L_overlay_start_1:
0x0: {  	(tag) =	ssettag $0x1  }
0x1: {  	s5 =	rddreg [dreg:$0x0]  }
0x2: {  	s6 =	rddreg [dreg:$0x1]  }
0x3: {  	s1 =	rddreg [dreg:$0x2]  }
0x4: {  	s0 =	rddreg [dreg:$0x3];
	s2 =	srdreg.scid  }
0x5: {  	s3 =	simm.s32 $0x0;
	s13 =	simm.s32 $0x2A00;
	s14 =	simm.s32 $0x80  }
0x6: {  	s15 =	simm.s32 $0x2800;
	s16 =	simm.s32 $0x1;
	s7 =	sand.u32 $0x1, s2  }
0x7: {  	s17 =	simm.s32 $0x2900;
	s2 =	stileid.u32;
	s8 =	smul.u32 $0x28000, s7  }
0x8: {  	s21 =	simm.s32 $0x0;
	[smem:$0x7FF] =	sst s3;
	s10 =	smul.u32 $0x50000, s2  }
0x9: {  	s4 =	sshll.u32 s2, $0x1;
	_ =	strace $0x80000050;
	s19 =	smul.u32 $0x2800, s2  }
0xa: {  	s31 =	sshll.u32 s2, $0x6;
	s9 =	sor.u32 s7, s4;
	s7 =	ssub.s32 $0x2, s7  }
0xb: {  	s4 =	sadd.s32 $0x2200, s5;
	s9 =	smul.u32 $0x500, s9;
	s29 =	sshrl.u32 s7, $0x1  }
0xc: {  	s11 =	sadd.s32 s8, s5;
	s30 =	sshrl.u32 s10, $0x2;
	s12 =	ssub.s32 s7, s29  }
0xd: {  	s18 =	sadd.s32 $0x2A200, s11;
	s5 =	sadd.s32 s6, s9;
	s6 =	sadd.s32 s30, s1  }
0xe: {  	s11 =	smax.u32 s12, $0x1;
	s12 =	simm.s32 $0x2;
	s18 =	sadd.s32 s19, s18  }
0xf: {  	s19 =	sor.u32 $0x1C02, s31;
	s7 =	sadd.s32 $0x4000, s6;
	s8 =	sadd.s32 $0x8000, s6  }
0x10: {  	v0 =	vimm.f32 $0.0e+00;
	s9 =	sadd.s32 $0xC000, s6;
	s10 =	sadd.s32 $0x10000, s6;
	s20 =	sshrl.u32 s6, $0x3  }
.LBB2_1:
0x11: {  	[tilespmem:s3], [sflag:$0x2] =	stream.linear.gather [hbm4b:s5+s3], $0x2800, $0x38;
	[tilespmem:$0x1AA00] =	vst v63  }
0x12: {  	_ =	swait.ge [sflag:s12], $0x2800  }
0x13: {  	[sflag:s12] =	ssyncset.done $0x0  }
0x14: {  	s22 =	simm.s32 $0x0;
	s23 =	simm.s32 $0x200;
	[sflag:s12] =	ssyncadd.s32 $0xFFFFD800  }
.LBB2_2:
0x15: {  	p0 =	sne.s32 s23, $0xFE00;
	[tilespmem:s22+$0x2A70] =	vst v0  }
0x16: {  	[tilespmem:s22+$0x2A00] =	vst v0  }
0x17: {  	[tilespmem:s22+$0x2A10] =	vst v0  }
.Ltmp0:
0x18: {  	[tilespmem:s22+$0x2A20] =	vst v0;
	(pc) =	sbr.rel @p0 .LBB2_2-.Ltmp0, $4  }
0x19: {  	[tilespmem:s22+$0x2A30] =	vst v0  }
0x1a: {  	[tilespmem:s22+$0x2A40] =	vst v0  }
0x1b: {  	[tilespmem:s22+$0x2A50] =	vst v0  }
0x1c: {  	[tilespmem:s22+$0x2A60] =	vst v0;
	s22 =	sshra.s32 s23, $0x2;
	s23 =	sadd.s32 $0x200, s23  }
0x1d: {  	[tilespmem:s22+$0x2A70] =	vst v0  }
0x1e: {  	[tilespmem:s22+$0x2A00] =	vst v0  }
0x1f: {  	[tilespmem:s22+$0x2A10] =	vst v0  }
0x20: {  	[tilespmem:s22+$0x2A20] =	vst v0  }
0x21: {  	[tilespmem:s22+$0x2A30] =	vst v0  }
0x22: {  	[tilespmem:s22+$0x2A40] =	vst v0  }
0x23: {  	[tilespmem:s22+$0x2A50] =	vst v0  }
0x24: {  	[tilespmem:s22+$0x2A60] =	vst v0  }
0x25: {  	[spmem:s6] =	stream.linear.scatter [tilespmem:s13], [sflag:$0x2], $0x4000, $0x38;
	[tilespmem:$0x1AA00] =	vst v63  }
0x26: {  	_ =	swait.ge [sflag:s12], $0x4000  }
0x27: {  	[sflag:s12] =	ssyncset.done $0x0  }
0x28: {  	[sflag:s12] =	ssyncadd.s32 $0xFFFFC000  }
0x29: {  	[spmem:s7] =	stream.linear.scatter [tilespmem:s13], [sflag:$0x2], $0x4000, $0x38;
	[tilespmem:$0x1AA00] =	vst v63  }
0x2a: {  	_ =	swait.ge [sflag:s12], $0x4000  }
0x2b: {  	[sflag:s12] =	ssyncset.done $0x0  }
0x2c: {  	[sflag:s12] =	ssyncadd.s32 $0xFFFFC000  }
0x2d: {  	[spmem:s8] =	stream.linear.scatter [tilespmem:s13], [sflag:$0x2], $0x4000, $0x38;
	[tilespmem:$0x1AA00] =	vst v63  }
0x2e: {  	_ =	swait.ge [sflag:s12], $0x4000  }
0x2f: {  	[sflag:s12] =	ssyncset.done $0x0  }
0x30: {  	[sflag:s12] =	ssyncadd.s32 $0xFFFFC000  }
0x31: {  	[spmem:s9] =	stream.linear.scatter [tilespmem:s13], [sflag:$0x2], $0x4000, $0x38;
	[tilespmem:$0x1AA00] =	vst v63  }
0x32: {  	_ =	swait.ge [sflag:s12], $0x4000  }
0x33: {  	[sflag:s12] =	ssyncset.done $0x0  }
0x34: {  	[sflag:s12] =	ssyncadd.s32 $0xFFFFC000  }
0x35: {  	[spmem:s10] =	stream.linear.scatter [tilespmem:s13], [sflag:$0x2], $0x4000, $0x38;
	[tilespmem:$0x1AA00] =	vst v63  }
0x36: {  	_ =	swait.ge [sflag:s12], $0x4000  }
0x37: {  	[sflag:s12] =	ssyncset.done $0x0  }
0x38: {  	[sflag:s12] =	ssyncadd.s32 $0xFFFFC000  }
0x39: {  	s31 =	simm.s32 $0x0;
	[bflag:$0x0] =	sbarrier.arrive $0xFFFF  }
0x3a: {  	v1 =	vld [tilespmem:s31+$0x0];
	_ =	sdelay $0x4  }
0x3b: {  	v2 =	vshrl.u32 v1, $0xE  }
0x3c: {  	v1 =	vand.u32 $0x3FFF, v1;
	[tilespmem:$0x2800] =	vst v2  }
0x3d: {  	[tilespmem:$0x2900] =	vst v1  }
0x3e: {  	v1 =	vld [tilespmem:s31+$0x10];
	_ =	sdelay $0x4  }
0x3f: {  	v2 =	vshrl.u32 v1, $0xE  }
0x40: {  	v1 =	vand.u32 $0x3FFF, v1;
	[tilespmem:$0x2810] =	vst v2  }
0x41: {  	[tilespmem:$0x2910] =	vst v1  }
0x42: {  	v1 =	vld [tilespmem:s31+$0x20];
	_ =	sdelay $0x4  }
0x43: {  	v2 =	vshrl.u32 v1, $0xE  }
0x44: {  	v1 =	vand.u32 $0x3FFF, v1;
	[tilespmem:$0x2820] =	vst v2  }
0x45: {  	[tilespmem:$0x2920] =	vst v1  }
0x46: {  	v1 =	vld [tilespmem:s31+$0x30];
	_ =	sdelay $0x4  }
0x47: {  	v2 =	vshrl.u32 v1, $0xE  }
0x48: {  	v1 =	vand.u32 $0x3FFF, v1;
	[tilespmem:$0x2830] =	vst v2  }
0x49: {  	[tilespmem:$0x2930] =	vst v1  }
0x4a: {  	v1 =	vld [tilespmem:s31+$0x40];
	_ =	sdelay $0x4  }
0x4b: {  	v2 =	vshrl.u32 v1, $0xE  }
0x4c: {  	v1 =	vand.u32 $0x3FFF, v1;
	[tilespmem:$0x2840] =	vst v2  }
0x4d: {  	[tilespmem:$0x2940] =	vst v1  }
0x4e: {  	v1 =	vld [tilespmem:s31+$0x50];
	_ =	sdelay $0x4  }
0x4f: {  	v2 =	vshrl.u32 v1, $0xE  }
0x50: {  	v1 =	vand.u32 $0x3FFF, v1;
	[tilespmem:$0x2850] =	vst v2  }
0x51: {  	[tilespmem:$0x2950] =	vst v1  }
0x52: {  	v1 =	vld [tilespmem:s31+$0x60];
	_ =	sdelay $0x4  }
0x53: {  	v2 =	vshrl.u32 v1, $0xE  }
0x54: {  	v1 =	vand.u32 $0x3FFF, v1;
	[tilespmem:$0x2860] =	vst v2  }
0x55: {  	[tilespmem:$0x2960] =	vst v1  }
0x56: {  	v1 =	vld [tilespmem:s31+$0x70];
	_ =	sdelay $0x4  }
0x57: {  	v2 =	vshrl.u32 v1, $0xE  }
0x58: {  	s22 =	simm.s32 $0x200;
	v1 =	vand.u32 $0x3FFF, v1;
	[tilespmem:$0x2870] =	vst v2  }
.LBB2_4:
0x59: {  	p0 =	sne.s32 s22, $0x9E00;
	[tilespmem:$0x2970] =	vst v1;
	s23 =	smov.u32 s22;
	s22 =	sadd.s32 $0x200, s22  }
0x5a: {  	[tilespmem:s13], [sflag:$0x1] =	stream.indirect.gather [hbm4b:s4+s14], $0x80, s15, s14, $0xb8;
	[tilespmem:$0x1AA00] =	vst v63  }
0x5b: {  	_ =	swait.ge [sflag:s16], $0x4000  }
0x5c: {  	[sflag:s16] =	ssyncset.done $0x0  }
0x5d: {  	[sflag:s16] =	ssyncadd.s32 $0xFFFFC000  }
0x5e: {  	[spmem:s1] =	stream.indirect.scatter.add.f32 [tilespmem:s13], [sflag:$0x2], $0x80, s17, s14, $0xb8;
	[tilespmem:$0x1AA00] =	vst v63  }
0x5f: {  	_ =	swait.ge [sflag:s12], $0x4000  }
0x60: {  	[sflag:s12] =	ssyncset.done $0x0  }
0x61: {  	s23 =	sshra.s32 s23, $0x2;
	[sflag:s12] =	ssyncadd.s32 $0xFFFFC000  }
0x62: {  	v1 =	vld [tilespmem:s23+$0x0];
	_ =	sdelay $0x4  }
0x63: {  	v2 =	vshrl.u32 v1, $0xE;
	v1 =	vand.u32 $0x3FFF, v1  }
0x64: {  	[tilespmem:$0x2800] =	vst v2  }
0x65: {  	[tilespmem:$0x2900] =	vst v1  }
0x66: {  	v1 =	vld [tilespmem:s23+$0x10];
	_ =	sdelay $0x4  }
0x67: {  	v2 =	vshrl.u32 v1, $0xE;
	v1 =	vand.u32 $0x3FFF, v1  }
0x68: {  	[tilespmem:$0x2810] =	vst v2  }
0x69: {  	[tilespmem:$0x2910] =	vst v1  }
0x6a: {  	v1 =	vld [tilespmem:s23+$0x20];
	_ =	sdelay $0x4  }
0x6b: {  	v2 =	vshrl.u32 v1, $0xE;
	v1 =	vand.u32 $0x3FFF, v1  }
0x6c: {  	[tilespmem:$0x2820] =	vst v2  }
0x6d: {  	[tilespmem:$0x2920] =	vst v1  }
0x6e: {  	v1 =	vld [tilespmem:s23+$0x30];
	_ =	sdelay $0x4  }
0x6f: {  	v2 =	vshrl.u32 v1, $0xE;
	v1 =	vand.u32 $0x3FFF, v1  }
0x70: {  	[tilespmem:$0x2830] =	vst v2  }
0x71: {  	[tilespmem:$0x2930] =	vst v1  }
0x72: {  	v1 =	vld [tilespmem:s23+$0x40];
	_ =	sdelay $0x4  }
0x73: {  	v2 =	vshrl.u32 v1, $0xE;
	v1 =	vand.u32 $0x3FFF, v1  }
0x74: {  	[tilespmem:$0x2840] =	vst v2  }
0x75: {  	[tilespmem:$0x2940] =	vst v1  }
0x76: {  	v1 =	vld [tilespmem:s23+$0x50];
	_ =	sdelay $0x4  }
0x77: {  	v2 =	vshrl.u32 v1, $0xE;
	v1 =	vand.u32 $0x3FFF, v1  }
0x78: {  	[tilespmem:$0x2850] =	vst v2  }
0x79: {  	[tilespmem:$0x2950] =	vst v1  }
0x7a: {  	v1 =	vld [tilespmem:s23+$0x60];
	_ =	sdelay $0x4  }
0x7b: {  	v2 =	vshrl.u32 v1, $0xE;
	v1 =	vand.u32 $0x3FFF, v1  }
0x7c: {  	[tilespmem:$0x2860] =	vst v2  }
0x7d: {  	[tilespmem:$0x2960] =	vst v1  }
0x7e: {  	v1 =	vld [tilespmem:s23+$0x70];
	_ =	sdelay $0x1  }
.Ltmp1:
0x7f: {  	(pc) =	sbr.rel @p0 .LBB2_4-.Ltmp1, $3  }
0x80: {  	_ =	sdelay $0x1  }
0x81: {  	v2 =	vshrl.u32 v1, $0xE;
	v1 =	vand.u32 $0x3FFF, v1  }
0x82: {  	[tilespmem:$0x2870] =	vst v2  }
0x83: {  	[tilespmem:$0x2970] =	vst v1  }
0x84: {  	[tilespmem:s13], [sflag:$0x1] =	stream.indirect.gather [hbm4b:s4+s14], $0x80, s15, s14, $0xb8;
	[tilespmem:$0x1AA00] =	vst v63  }
0x85: {  	_ =	swait.ge [sflag:s16], $0x4000  }
0x86: {  	[sflag:s16] =	ssyncset.done $0x0  }
0x87: {  	[sflag:s16] =	ssyncadd.s32 $0xFFFFC000  }
0x88: {  	[spmem:s1] =	stream.indirect.scatter.add.f32 [tilespmem:s13], [sflag:$0x2], $0x80, s17, s14, $0xb8;
	[tilespmem:$0x1AA00] =	vst v63  }
0x89: {  	_ =	swait.ge [sflag:s12], $0x4000  }
0x8a: {  	s21 =	sadd.s32 $0x1, s21;
	[sflag:s12] =	ssyncset.done $0x0  }
0x8b: {  	p0 =	sne.s32 s21, s11;
	[sflag:s12] =	ssyncadd.s32 $0xFFFFC000  }
.Ltmp2:
0x8c: {  	[bflag:$0x0] =	sbarrier.arrive $0xFFFF;
	(pc) =	sbr.rel @p0 .LBB2_1-.Ltmp2, $4  }
0x8d: {  	[hbm:s18], [sflag:s19] =	dma.local [spmem:s20], $0x2800  }
0x8e: {  	_ =	swait.ge [sflag:s12], $0x2800  }
0x8f: {  	[sflag:s12] =	ssyncset.done $0x0  }
0x90: {  	[sflag:s12] =	ssyncadd.s32 $0xFFFFD800  }
0x91: {  	_ =	sfence.sel $0x180000  }
0x92: {  	[bflag:$0x0] =	sbarrier.arrive $0xFFFF  }
0x93: {  	p0 =	sne.s32 s2, $0x0;
	_ =	strace $0x90000050  }
0x94: {  	s0 =	sadd.s32 @!p0 $0x100000, s0;
	[bflag:$0x2] =	sbarrier.arrive $0xFFFF  }
0x95: {  	[sflag:s0] =	ssyncadd.tile.s32 @!p0 $0x1;
	_ =	shalt  }
.Lfunc_end2:
_tile_overlayer_lowered:
.L_overlay_start_2:
0x96: {  	(tag) =	ssettag $0x2  }
0x97: {  	s0 =	rddreg [dreg:$0x0];
	s2 =	stileid.u32  }
0x98: {  	s1 =	rddreg [dreg:$0x1];
	p0 =	sne.s32 s2, $0x0  }
0x99: {  	s3 =	rddreg [dreg:$0x2];
	[bflag:$0x3] =	sbarrier.arrive $0xFFFF;
	s2 =	simm.s32 @!p0 $0x1C02  }
0x9a: {  	[timem:s3], [sflag:s2] =	dma.local @!p0 [hbm:s0], s1  }
0x9b: {  	s0 =	simm.s32 @!p0 $0x2  }
0x9c: {  	_ =	swait.ge @!p0 [sflag:s0], s1  }
0x9d: {  	s1 =	ssub.s32 @!p0 $0x0, s1;
	[sflag:s0] =	ssyncset.done @!p0 $0x0  }
0x9e: {  	[sflag:s0] =	ssyncadd.s32 @!p0 s1  }
0x9f: {  	[bflag:$0x3] =	sbarrier.arrive $0xFFFF  }
0xa0: {  	_ =	shalt  }

</sc_bundles>
